<compile_context>
chip_gen: v7x
topology: tpu7x:2x2x1
jax: 0.10.2.dev20260603
libtpu: 0.0.44.dev20260713+nightly
codegen_flags: <defaults>
</compile_context>

<pallas_src>
import functools

import jax
import jax.numpy as jnp
from jax import lax
from jax.experimental import pallas as pl
from jax.experimental.pallas import tpu as pltpu
from jax.experimental.pallas import tpu_sc as plsc

N = 10000
E = 160000
B = 100
H = 128
TD = 64
N_PAD = 10240
E_PAD = 163840
NBLK = 512
EBLK = 512
W = 128
SROWS = 10240
RPT = SROWS // 16

f32 = jnp.float32

@functools.cache
def _mesh():
    return plsc.VectorSubcoreMesh(core_axis_name="core", subcore_axis_name="subcore")


def _layer_norm(x, g, b):
    mu = jnp.mean(x, axis=-1, keepdims=True)
    var = jnp.mean((x - mu) ** 2, axis=-1, keepdims=True)
    return (x - mu) / jnp.sqrt(var + 1e-5) * g + b


def _dot(a, b):
    return jnp.dot(a, b, preferred_element_type=jnp.float32)



def _pre_body(at_ref, n2g_ref, t_ref, twT_ref, emb_ref, laT_ref, lbT_ref, lb_ref,
              g0_ref, b0_ref, w1aT_ref, w1bT_ref, lat_ref, w1cT_ref, eb1_ref,
              nf_ref, ln_ref, pa_ref, pb_ref):
    ioh = lax.broadcasted_iota(jnp.int32, (NBLK, 128), 1)
    oh_a = (at_ref[...] == ioh).astype(f32)
    oh_g = (n2g_ref[...] == ioh).astype(f32)
    t_emb = _dot(t_ref[...], twT_ref[...])
    embg = _dot(oh_a, emb_ref[...])
    tg = _dot(oh_g, t_emb)
    nf0 = jax.nn.silu(_dot(embg, laT_ref[...]) + _dot(tg, lbT_ref[...]) + lb_ref[...])
    ln0 = _layer_norm(nf0, g0_ref[...], b0_ref[...])
    qc = _dot(lat_ref[...], w1cT_ref[...]) + eb1_ref[...]
    qcn = _dot(oh_g, qc)
    nf_ref[...] = nf0
    ln_ref[...] = ln0
    pa_ref[...] = _dot(ln0, w1aT_ref[...]) + qcn
    pb_ref[...] = _dot(ln0, w1bT_ref[...])


def _edge_body(g0_ref, g1_ref, fd_ref, w1dT_ref, w2T_ref, eb2_ref, ef_ref):
    ef1 = jax.nn.silu(g0_ref[...] + g1_ref[...] + _dot(fd_ref[...], w1dT_ref[...]))
    ef_ref[...] = jax.nn.silu(_dot(ef1, w2T_ref[...]) + eb2_ref[...])


def _node_mid_body(nf_ref, ln_ref, a0_ref, a1_ref, c0_ref, c1_ref, n2g_ref,
                   nw1aT_ref, nw1bT_ref, nb1_ref, nw2T_ref, nb2_ref,
                   g2_ref, b2_ref, w1aT2_ref, w1bT2_ref, lat_ref, w1cT2_ref, eb12_ref,
                   nfo_ref, lno_ref, pao_ref, pbo_ref):
    agg = a0_ref[0] + a1_ref[0]
    cnt = c0_ref[0][:, 0:1] + c1_ref[0][:, 0:1]
    aggm = agg / jnp.maximum(cnt, 1.0)
    h = jax.nn.silu(_dot(ln_ref[...], nw1aT_ref[...]) + _dot(aggm, nw1bT_ref[...]) + nb1_ref[...])
    h = jax.nn.silu(_dot(h, nw2T_ref[...]) + nb2_ref[...])
    nfn = nf_ref[...] + h
    ln2 = _layer_norm(nfn, g2_ref[...], b2_ref[...])
    ioh = lax.broadcasted_iota(jnp.int32, (NBLK, 128), 1)
    oh_g = (n2g_ref[...] == ioh).astype(f32)
    qcn = _dot(oh_g, _dot(lat_ref[...], w1cT2_ref[...]) + eb12_ref[...])
    nfo_ref[...] = nfn
    lno_ref[...] = ln2
    pao_ref[...] = _dot(ln2, w1aT2_ref[...]) + qcn
    pbo_ref[...] = _dot(ln2, w1bT2_ref[...])


def _node_fin_body(nf_ref, ln_ref, a0_ref, a1_ref, c0_ref, c1_ref,
                   nw1aT_ref, nw1bT_ref, nb1_ref, nw2T_ref, nb2_ref,
                   fg_ref, fb_ref, cwT_ref, out_ref):
    agg = a0_ref[0] + a1_ref[0]
    cnt = c0_ref[0][:, 0:1] + c1_ref[0][:, 0:1]
    aggm = agg / jnp.maximum(cnt, 1.0)
    h = jax.nn.silu(_dot(ln_ref[...], nw1aT_ref[...]) + _dot(aggm, nw1bT_ref[...]) + nb1_ref[...])
    h = jax.nn.silu(_dot(h, nw2T_ref[...]) + nb2_ref[...])
    nfn = nf_ref[...] + h
    lnf = _layer_norm(nfn, fg_ref[...], fb_ref[...])
    out_ref[...] = _dot(lnf, cwT_ref[...])



def _sc_gather(pab, idx2):
    @functools.partial(
        pl.kernel,
        out_type=jax.ShapeDtypeStruct((2 * E_PAD, pab.shape[1]), pab.dtype),
        mesh=_mesh())
    def k(tab_hbm, idx_hbm, g_hbm):
        def body(i_v, g_v):
            pltpu.sync_copy(tab_hbm.at[i_v.at[0]], g_v)

        pltpu.emit_pipeline(
            body,
            grid=(2 * E_PAD // W,),
            in_specs=[pl.BlockSpec((1, W), lambda i: (0, i))],
            out_specs=[pl.BlockSpec((W, pab.shape[1]), lambda i: (i, 0))],
            core_axis_name=("core", "subcore"),
            dimension_semantics=(pltpu.PARALLEL,),
        )(idx_hbm, g_hbm)

    return k(pab, idx2)


def _sc_scatter_l1(ef, si3, zrows):
    NWIN = E_PAD // W
    PER = NWIN // 32
    @functools.partial(
        pl.kernel,
        out_type=(jax.ShapeDtypeStruct((2, SROWS, H), f32),
                  jax.ShapeDtypeStruct((2, SROWS, H), f32)),
        mesh=_mesh(),
        scratch_types=[pltpu.VMEM_SHARED((SROWS, H), f32),
                       pltpu.VMEM((W, H), f32),
                       pltpu.VMEM((W, H), f32),
                       pltpu.VMEM((1, W), jnp.int32),
                       pltpu.VMEM((1, W), jnp.int32),
                       pltpu.SemaphoreType.DMA,
                       pltpu.SemaphoreType.DMA,
                       pltpu.SemaphoreType.DMA,
                       pltpu.SemaphoreType.DMA])
    def k(ef_hbm, si_hbm, z_hbm, feat_hbm, cnt_hbm, acc,
          va, vb, i0, i1, sla, slb, ssa, ssb):
        cid = lax.axis_index("core")
        sid = lax.axis_index("subcore")
        wid = cid * 16 + sid
        base = wid * PER

        pltpu.sync_copy(z_hbm.at[pl.ds(sid * RPT, RPT)],
                        acc.at[pl.ds(sid * RPT, RPT)])
        plsc.subcore_barrier()

        pltpu.async_copy(ef_hbm.at[pl.ds(base * W, W)], va, sla)
        pltpu.sync_copy(si_hbm.at[base], i0)

        @pl.loop(0, PER, step=2)
        def _(j):
            w = base + j
            pltpu.make_async_copy(ef_hbm.at[pl.ds(w * W, W)], va, sla).wait()

            @pl.when(j > 0)
            def _():
                pltpu.make_async_copy(vb, acc.at[i1.at[0]], ssb).wait()

            pltpu.async_copy(ef_hbm.at[pl.ds((w + 1) * W, W)], vb, slb)
            sca = pltpu.async_copy(va, acc.at[i0.at[0]], ssa, add=True)
            pltpu.sync_copy(si_hbm.at[w + 1], i1)
            pltpu.make_async_copy(ef_hbm.at[pl.ds((w + 1) * W, W)], vb, slb).wait()
            sca.wait()

            @pl.when(j + 2 < PER)
            def _():
                pltpu.async_copy(ef_hbm.at[pl.ds((w + 2) * W, W)], va, sla)

            pltpu.async_copy(vb, acc.at[i1.at[0]], ssb, add=True)

            @pl.when(j + 2 < PER)
            def _():
                pltpu.sync_copy(si_hbm.at[w + 2], i0)

        pltpu.make_async_copy(vb, acc.at[i1.at[0]], ssb).wait()
        plsc.subcore_barrier()
        pltpu.sync_copy(acc.at[pl.ds(sid * RPT, RPT)],
                        feat_hbm.at[cid, pl.ds(sid * RPT, RPT)])
        plsc.subcore_barrier()

        pltpu.sync_copy(z_hbm.at[pl.ds(sid * RPT, RPT)],
                        acc.at[pl.ds(sid * RPT, RPT)])

        @pl.loop(0, W)
        def _(r):
            @pl.loop(0, H, step=16)
            def _(c):
                va.at[pl.ds(r, 1), pl.ds(c, 16)][...] = jnp.ones((1, 16), f32)

        plsc.subcore_barrier()
        pltpu.sync_copy(si_hbm.at[base], i0)

        @pl.loop(0, PER, step=2)
        def _(j):
            w = base + j
            sca = pltpu.async_copy(va, acc.at[i0.at[0]], ssa, add=True)
            pltpu.sync_copy(si_hbm.at[w + 1], i1)
            scb = pltpu.async_copy(va, acc.at[i1.at[0]], ssb, add=True)
            sca.wait()

            @pl.when(j + 2 < PER)
            def _():
                pltpu.sync_copy(si_hbm.at[w + 2], i0)

            scb.wait()

        plsc.subcore_barrier()
        pltpu.sync_copy(acc.at[pl.ds(sid * RPT, RPT)],
                        cnt_hbm.at[cid, pl.ds(sid * RPT, RPT)])

    return k(ef, si3, zrows)


def _sc_scatter_l2(ef, si3, zrows):
    NWIN = E_PAD // W
    PER = NWIN // 32
    @functools.partial(
        pl.kernel,
        out_type=jax.ShapeDtypeStruct((2, SROWS, H), f32),
        mesh=_mesh(),
        scratch_types=[pltpu.VMEM_SHARED((SROWS, H), f32),
                       pltpu.VMEM((W, H), f32),
                       pltpu.VMEM((1, W), jnp.int32),
                       pltpu.VMEM((1, W), jnp.int32),
                       pltpu.SemaphoreType.DMA,
                       pltpu.SemaphoreType.DMA])
    def k(ef_hbm, si_hbm, z_hbm, out_hbm, acc, vc, i0, i1, ssa, ssb):
        cid = lax.axis_index("core")
        sid = lax.axis_index("subcore")
        wid = cid * 16 + sid
        base = wid * PER

        pltpu.sync_copy(z_hbm.at[pl.ds(sid * RPT, RPT)],
                        acc.at[pl.ds(sid * RPT, RPT)])
        plsc.subcore_barrier()
        pltpu.sync_copy(si_hbm.at[base], i0)

        @pl.loop(0, PER, step=2)
        def _(j):
            w = base + j
            pltpu.sync_copy(ef_hbm.at[pl.ds(w * W, W)], vc)
            sca = pltpu.async_copy(vc, acc.at[i0.at[0]], ssa, add=True)
            pltpu.sync_copy(si_hbm.at[w + 1], i1)
            sca.wait()
            pltpu.sync_copy(ef_hbm.at[pl.ds((w + 1) * W, W)], vc)
            scb = pltpu.async_copy(vc, acc.at[i1.at[0]], ssb, add=True)

            @pl.when(j + 2 < PER)
            def _():
                pltpu.sync_copy(si_hbm.at[w + 2], i0)

            scb.wait()

        plsc.subcore_barrier()
        pltpu.sync_copy(acc.at[pl.ds(sid * RPT, RPT)],
                        out_hbm.at[cid, pl.ds(sid * RPT, RPT)])

    return k(ef, si3, zrows)



def _fsp(shape):
    return pl.BlockSpec(shape, lambda i: (0,) * len(shape))


def _nsp(c):
    return pl.BlockSpec((NBLK, c), lambda i: (i, 0))


def kernel(atom_types, t, lattices, edge_index, edge2graph, frac_diff, node2graph, params):
    p = params
    at2 = jnp.pad(atom_types.astype(jnp.int32), (0, N_PAD - N)).reshape(N_PAD, 1)
    n2g2 = jnp.pad(node2graph.astype(jnp.int32), (0, N_PAD - N)).reshape(N_PAD, 1)
    src = edge_index[0].astype(jnp.int32)
    dst = edge_index[1].astype(jnp.int32)
    pad_idx = jnp.full((E_PAD - E,), N, jnp.int32)
    si = jnp.concatenate([src, pad_idx]).reshape(1, E_PAD)
    di = jnp.concatenate([dst, pad_idx]).reshape(1, E_PAD)
    fd = jnp.zeros((E_PAD, 8), f32).at[:E, :3].set(frac_diff)
    t_pad = jnp.zeros((128, 1), f32).at[:B].set(t)
    lat_pad = jnp.zeros((128, 8), f32).at[:B, :6].set(lattices)
    emb_pad = jnp.zeros((128, H), f32).at[:p['emb'].shape[0]].set(p['emb'])
    twT = p['time_W'].T.reshape(1, TD)
    laT = p['latent_W'][:, :H].T
    lbT = p['latent_W'][:, H:].T
    lb = p['latent_b'].reshape(1, H)
    L = []
    for li in range(2):
        lp = p['layers'][li]
        L.append(dict(
            g=lp['ln_g'].reshape(1, H), b=lp['ln_b'].reshape(1, H),
            w1aT=lp['e_W1'][:, :H].T, w1bT=lp['e_W1'][:, H:2 * H].T,
            w1cT=jnp.zeros((8, H), f32).at[:6].set(lp['e_W1'][:, 2 * H:2 * H + 6].T),
            w1dT=jnp.zeros((8, H), f32).at[:3].set(lp['e_W1'][:, 2 * H + 6:].T),
            eb1=lp['e_b1'].reshape(1, H),
            w2T=lp['e_W2'].T, eb2=lp['e_b2'].reshape(1, H),
            nw1aT=lp['n_W1'][:, :H].T, nw1bT=lp['n_W1'][:, H:].T,
            nb1=lp['n_b1'].reshape(1, H), nw2T=lp['n_W2'].T,
            nb2=lp['n_b2'].reshape(1, H),
        ))
    fg = p['final_g'].reshape(1, H)
    fb = p['final_b'].reshape(1, H)
    cwT = jnp.zeros((H, 8), f32).at[:, :3].set(p['coord_W'].T)

    ng = N_PAD // NBLK
    eg = E_PAD // EBLK

    zrows = jnp.zeros((SROWS, H), f32)

    nf, ln, pa, pb = pl.pallas_call(
        _pre_body,
        grid=(ng,),
        in_specs=[
            pl.BlockSpec((NBLK, 1), lambda i: (i, 0)),
            pl.BlockSpec((NBLK, 1), lambda i: (i, 0)),
            _fsp((128, 1)), _fsp((1, TD)), _fsp((128, H)), _fsp((H, H)),
            _fsp((TD, H)), _fsp((1, H)),
            _fsp((1, H)), _fsp((1, H)), _fsp((H, H)), _fsp((H, H)),
            _fsp((128, 8)), _fsp((8, H)), _fsp((1, H)),
        ],
        out_specs=[_nsp(H)] * 4,
        out_shape=[jax.ShapeDtypeStruct((N_PAD, H), f32)] * 4,
    )(at2, n2g2, t_pad, twT, emb_pad, laT, lbT, lb,
      L[0]['g'], L[0]['b'], L[0]['w1aT'], L[0]['w1bT'],
      lat_pad, L[0]['w1cT'], L[0]['eb1'])

    out = None
    idx2 = jnp.concatenate([si, di + N_PAD], axis=1)
    si3 = si.reshape(E_PAD // W, 1, W)
    for li in range(2):
        gcat = _sc_gather(jnp.concatenate([pa, pb]), idx2)
        ef2 = pl.pallas_call(
            _edge_body,
            grid=(eg,),
            in_specs=[
                pl.BlockSpec((EBLK, H), lambda i: (i, 0)),
                pl.BlockSpec((EBLK, H), lambda i: (i + E_PAD // EBLK, 0)),
                pl.BlockSpec((EBLK, 8), lambda i: (i, 0)),
                _fsp((8, H)), _fsp((H, H)), _fsp((1, H)),
            ],
            out_specs=pl.BlockSpec((EBLK, H), lambda i: (i, 0)),
            out_shape=jax.ShapeDtypeStruct((E_PAD, H), f32),
        )(gcat, gcat, fd, L[li]['w1dT'], L[li]['w2T'], L[li]['eb2'])
        if li == 0:
            aggp, cnt = _sc_scatter_l1(ef2, si3, zrows)
        else:
            aggp = _sc_scatter_l2(ef2, si3, zrows)
        a0spec = pl.BlockSpec((1, NBLK, H), lambda i: (0, i, 0))
        a1spec = pl.BlockSpec((1, NBLK, H), lambda i: (1, i, 0))
        c0spec = pl.BlockSpec((1, NBLK, H), lambda i: (0, i, 0))
        c1spec = pl.BlockSpec((1, NBLK, H), lambda i: (1, i, 0))
        if li == 0:
            nf, ln, pa, pb = pl.pallas_call(
                _node_mid_body,
                grid=(ng,),
                in_specs=[
                    _nsp(H), _nsp(H), a0spec, a1spec, c0spec, c1spec,
                    pl.BlockSpec((NBLK, 1), lambda i: (i, 0)),
                    _fsp((H, H)), _fsp((H, H)), _fsp((1, H)), _fsp((H, H)), _fsp((1, H)),
                    _fsp((1, H)), _fsp((1, H)), _fsp((H, H)), _fsp((H, H)),
                    _fsp((128, 8)), _fsp((8, H)), _fsp((1, H)),
                ],
                out_specs=[_nsp(H)] * 4,
                out_shape=[jax.ShapeDtypeStruct((N_PAD, H), f32)] * 4,
            )(nf, ln, aggp, aggp, cnt, cnt, n2g2,
              L[0]['nw1aT'], L[0]['nw1bT'], L[0]['nb1'], L[0]['nw2T'], L[0]['nb2'],
              L[1]['g'], L[1]['b'], L[1]['w1aT'], L[1]['w1bT'],
              lat_pad, L[1]['w1cT'], L[1]['eb1'])
        else:
            out = pl.pallas_call(
                _node_fin_body,
                grid=(ng,),
                in_specs=[
                    _nsp(H), _nsp(H), a0spec, a1spec, c0spec, c1spec,
                    _fsp((H, H)), _fsp((H, H)), _fsp((1, H)), _fsp((H, H)), _fsp((1, H)),
                    _fsp((1, H)), _fsp((1, H)), _fsp((H, 8)),
                ],
                out_specs=_nsp(8),
                out_shape=jax.ShapeDtypeStruct((N_PAD, 8), f32),
            )(nf, ln, aggp, aggp, cnt, cnt,
              L[1]['nw1aT'], L[1]['nw1bT'], L[1]['nb1'], L[1]['nw2T'], L[1]['nb2'],
              fg, fb, cwT)

    return out[:N, :3]

# --- scband reference (transcript-rebuilt; emitter-appended) ---
"""Pipeline reference for scband-projected-conjugated-cspnet-65034394796451 (READ-ONLY COPY).

The authoritative reference and input builder live on the scoring server;
editing this copy changes nothing except your own understanding.
"""

import jax, jax.numpy as jnp
import numpy as np

N = 10000
E = 160000
B = 100
H = 128
TD = 64
L = 2
NUM_TYPES = 119
DIS_DIM = 3  # dis_emb='none' -> raw frac_diff (n_space=3)
EDGE_IN = 2 * H + 6 + DIS_DIM  # hi, hj, lattices_flat (6 lattice params), frac_diff


def setup_inputs(seed: int = 0) -> dict:
    key = jax.random.key(seed)
    ks = jax.random.split(key, 16)
    atom_types = jax.random.randint(ks[0], (N,), 0, NUM_TYPES)
    t = jax.random.uniform(ks[1], (B, 1), dtype=jnp.float32)
    lattices = jax.random.normal(ks[2], (B, 6), dtype=jnp.float32)
    edge_index = jax.random.randint(ks[3], (2, E), 0, N)
    node2graph = jnp.sort(jax.random.randint(ks[4], (N,), 0, B))
    edge2graph = node2graph[edge_index[0]]  # batch.batch[edges[0]] in original
    frac_diff = jax.random.uniform(ks[5], (E, DIS_DIM), dtype=jnp.float32) - 0.5

    def lin(k, o, i, s=0.05):
        return (jax.random.normal(k, (o, i), dtype=jnp.float32) * s)

    pk = jax.random.split(ks[6], 8 + 8 * L)
    layers = []
    for li in range(L):
        base = 8 + 8 * li
        layers.append({
            'ln_g': jnp.ones((H,), jnp.float32),
            'ln_b': jnp.zeros((H,), jnp.float32),
            'e_W1': lin(pk[base + 0], H, EDGE_IN),
            'e_b1': jnp.zeros((H,), jnp.float32),
            'e_W2': lin(pk[base + 1], H, H),
            'e_b2': jnp.zeros((H,), jnp.float32),
            'n_W1': lin(pk[base + 2], H, 2 * H),
            'n_b1': jnp.zeros((H,), jnp.float32),
            'n_W2': lin(pk[base + 3], H, H),
            'n_b2': jnp.zeros((H,), jnp.float32),
        })
    params = {
        'emb': jax.random.normal(pk[0], (NUM_TYPES, H), dtype=jnp.float32) * 0.02,
        'time_W': lin(pk[1], TD, 1),
        'latent_W': lin(pk[2], H, H + TD),
        'latent_b': jnp.zeros((H,), jnp.float32),
        'final_g': jnp.ones((H,), jnp.float32),
        'final_b': jnp.zeros((H,), jnp.float32),
        'coord_W': lin(pk[3], 3, H),
        'layers': layers,
    }
    return {
        'atom_types': atom_types,
        't': t,
        'lattices': lattices,
        'edge_index': edge_index,
        'edge2graph': edge2graph,
        'frac_diff': frac_diff,
        'node2graph': node2graph,
        'params': params,
    }


def _layer_norm(x, g, b, eps=1e-5):
    mu = jnp.mean(x, axis=-1, keepdims=True)
    var = jnp.mean((x - mu) ** 2, axis=-1, keepdims=True)
    return (x - mu) / jnp.sqrt(var + eps) * g + b


def _csp_layer(p, node_features, lattices, edge_index, edge2graph, frac_diff):
    node_input = node_features
    nf = _layer_norm(node_features, p['ln_g'], p['ln_b'])
    # edge_model (dis_emb=None, self_cond=False)
    hi = nf[edge_index[0]]
    hj = nf[edge_index[1]]
    lattices_flat_edges = lattices[edge2graph]
    ef = jnp.concatenate([hi, hj, lattices_flat_edges, frac_diff], axis=1)
    ef = jax.nn.silu(ef @ p['e_W1'].T + p['e_b1'])
    ef = jax.nn.silu(ef @ p['e_W2'].T + p['e_b2'])
    # node_model: scatter-mean over destination (edge_index[0]) then MLP
    agg = jax.ops.segment_sum(ef, edge_index[0], num_segments=nf.shape[0])
    cnt = jax.ops.segment_sum(jnp.ones((ef.shape[0], 1), jnp.float32), edge_index[0], num_segments=nf.shape[0])
    agg = agg / jnp.maximum(cnt, 1.0)
    h = jnp.concatenate([nf, agg], axis=1)
    h = jax.nn.silu(h @ p['n_W1'].T + p['n_b1'])
    h = jax.nn.silu(h @ p['n_W2'].T + p['n_b2'])
    return node_input + h


def reference(atom_types, t, lattices, edge_index, edge2graph, frac_diff, node2graph, params):
    t_emb = t @ params['time_W'].T  # [B, TD]
    nf = params['emb'][atom_types]  # node embedding gather
    t_per_atom = t_emb[node2graph]  # repeat_interleave by num_atoms == gather by node2graph
    nf = jnp.concatenate([nf, t_per_atom], axis=1)
    nf = nf @ params['latent_W'].T + params['latent_b']
    nf = jax.nn.silu(nf)
    for li in range(L):
        nf = _csp_layer(params['layers'][li], nf, lattices, edge_index, edge2graph, frac_diff)
    nf = _layer_norm(nf, params['final_g'], params['final_b'])
    coord_out = nf @ params['coord_W'].T
    return coord_out

if __name__ == "__main__":
    import jax
    _d = setup_inputs()
    print(jax.jit(kernel)(*tuple(_d.values())))

</pallas_src>

<mosaic_0001>
#map = affine_map<(d0, d1) -> (0, 0)>
#map1 = affine_map<(d0, d1) -> (0, 0, 0)>
module attributes {stable_mosaic.version = 14 : i64} {
  func.func @k(%arg0: i32, %arg1: i32, %arg2: memref<163840x128xf32, #tpu.memory_space<hbm>>, %arg3: memref<1280x1x128xi32, #tpu.memory_space<hbm>>, %arg4: memref<10240x128xf32, #tpu.memory_space<hbm>>, %arg5: memref<2x10240x128xf32, #tpu.memory_space<hbm>>, %arg6: memref<2x10240x128xf32, #tpu.memory_space<hbm>>, %arg7: memref<10240x128xf32, #tpu.memory_space<vmem_shared>>, %arg8: memref<128x128xf32, #tpu.memory_space<vmem>>, %arg9: memref<128x128xf32, #tpu.memory_space<vmem>>, %arg10: memref<1x128xi32, #tpu.memory_space<vmem>>, %arg11: memref<1x128xi32, #tpu.memory_space<vmem>>, %arg12: memref<!tpu.dma_semaphore, #tpu.memory_space<semaphore_mem>>, %arg13: memref<!tpu.dma_semaphore, #tpu.memory_space<semaphore_mem>>, %arg14: memref<!tpu.dma_semaphore, #tpu.memory_space<semaphore_mem>>, %arg15: memref<!tpu.dma_semaphore, #tpu.memory_space<semaphore_mem>>) attributes {dimension_semantics = [#tpu.dimension_semantics<core_parallel>, #tpu.dimension_semantics<subcore_parallel>], iteration_bounds = array<i64: 2, 16>, scalar_prefetch = 0 : i64, scratch_operands = 9 : i64, tpu.core_type = #tpu.core_type<sc_vector_subcore>, window_params = [{transform_indices = #map}, {transform_indices = #map1}, {transform_indices = #map}, {transform_indices = #map1}, {transform_indices = #map1}]} {
    %mul3A = arith.constant 16 : i32
    %mul3A_0 = arith.muli %arg0, %mul3A : i32
    %add3A = arith.addi %mul3A_0, %arg1 : i32
    %mul3A_1 = arith.constant 40 : i32
    %mul3A_2 = arith.muli %add3A, %mul3A_1 : i32
    %mul3A_3 = arith.constant 640 : i32
    %mul3A_4 = arith.muli %arg1, %mul3A_3 : i32
    %mul3A_5 = arith.constant 640 : i32
    %mul3A_6 = arith.muli %arg1, %mul3A_5 : i32
    "tpu.region"() ({
      %run_scoped3A = tpu.sem_alloc : memref<!tpu.dma_semaphore, #tpu.memory_space<semaphore_mem>>
      %dma_start3A_48 = arith.constant 0 : i32
      %dma_start3A_49 = tpu.memref_slice %arg7[%mul3A_6, %dma_start3A_48] : memref<10240x128xf32, #tpu.memory_space<vmem_shared>> -> memref<640x128xf32, #tpu.memory_space<vmem_shared>>
      %dma_start3A_50 = arith.constant 0 : i32
      %dma_start3A_51 = tpu.memref_slice %arg4[%mul3A_4, %dma_start3A_50] : memref<10240x128xf32, #tpu.memory_space<hbm>> -> memref<640x128xf32, #tpu.memory_space<hbm>>
      tpu.enqueue_dma source(%dma_start3A_51 : memref<640x128xf32, #tpu.memory_space<hbm>>) target(%dma_start3A_49 : memref<640x128xf32, #tpu.memory_space<vmem_shared>>) target_semaphore(%run_scoped3A : memref<!tpu.dma_semaphore, #tpu.memory_space<semaphore_mem>>)
      %dma_wait3A_52 = arith.constant 0 : i32
      %dma_wait3A_53 = tpu.memref_slice %arg7[%mul3A_6, %dma_wait3A_52] : memref<10240x128xf32, #tpu.memory_space<vmem_shared>> -> memref<640x128xf32, #tpu.memory_space<vmem_shared>>
      %dma_wait3A_54 = arith.constant 0 : i32
      %dma_wait3A_55 = tpu.memref_slice %arg4[%mul3A_4, %dma_wait3A_54] : memref<10240x128xf32, #tpu.memory_space<hbm>> -> memref<640x128xf32, #tpu.memory_space<hbm>>
      tpu.wait_dma2 semaphore(%run_scoped3A : memref<!tpu.dma_semaphore, #tpu.memory_space<semaphore_mem>>) src(%dma_wait3A_55 : memref<640x128xf32, #tpu.memory_space<hbm>>) dst(%dma_wait3A_53 : memref<640x128xf32, #tpu.memory_space<vmem_shared>>)
      tpu.yield
    }) : () -> ()
    %barrier3A = arith.constant 0 : index
    tpu.barrier barrier_id(%barrier3A)
    %mul3A_7 = arith.constant 128 : i32
    %mul3A_8 = arith.muli %mul3A_2, %mul3A_7 : i32
    %dma_start3A = arith.constant 0 : i32
    %dma_start3A_9 = tpu.memref_slice %arg2[%mul3A_8, %dma_start3A] : memref<163840x128xf32, #tpu.memory_space<hbm>> -> memref<128x128xf32, #tpu.memory_space<hbm>>
    %dma_start3A_10 = arith.constant 0 : i32
    %dma_start3A_11 = tpu.memref_slice %arg2[%mul3A_8, %dma_start3A_10] : memref<163840x128xf32, #tpu.memory_space<hbm>> -> memref<128x128xf32, #tpu.memory_space<hbm>>
    tpu.enqueue_dma source(%dma_start3A_11 : memref<128x128xf32, #tpu.memory_space<hbm>>) target(%arg8 : memref<128x128xf32, #tpu.memory_space<vmem>>) target_semaphore(%arg12 : memref<!tpu.dma_semaphore, #tpu.memory_space<semaphore_mem>>)
    "tpu.region"() ({
      %run_scoped3A = tpu.sem_alloc : memref<!tpu.dma_semaphore, #tpu.memory_space<semaphore_mem>>
      %dma_start3A_48 = arith.constant 0 : i32
      %dma_start3A_49 = arith.constant 0 : i32
      %dma_start3A_50 = tpu.memref_slice %arg3[%mul3A_2, %dma_start3A_48, %dma_start3A_49] : memref<1280x1x128xi32, #tpu.memory_space<hbm>> -> memref<1x1x128xi32, #tpu.memory_space<hbm>>
      %dma_start3A_51 = tpu.memref_squeeze %dma_start3A_50 : memref<1x1x128xi32, #tpu.memory_space<hbm>> -> memref<1x128xi32, #tpu.memory_space<hbm>>
      %dma_start3A_52 = arith.constant 0 : i32
      %dma_start3A_53 = arith.constant 0 : i32
      %dma_start3A_54 = tpu.memref_slice %arg3[%mul3A_2, %dma_start3A_52, %dma_start3A_53] : memref<1280x1x128xi32, #tpu.memory_space<hbm>> -> memref<1x1x128xi32, #tpu.memory_space<hbm>>
      %dma_start3A_55 = tpu.memref_squeeze %dma_start3A_54 : memref<1x1x128xi32, #tpu.memory_space<hbm>> -> memref<1x128xi32, #tpu.memory_space<hbm>>
      tpu.enqueue_dma source(%dma_start3A_55 : memref<1x128xi32, #tpu.memory_space<hbm>>) target(%arg10 : memref<1x128xi32, #tpu.memory_space<vmem>>) target_semaphore(%run_scoped3A : memref<!tpu.dma_semaphore, #tpu.memory_space<semaphore_mem>>)
      %dma_wait3A_56 = arith.constant 0 : i32
      %dma_wait3A_57 = arith.constant 0 : i32
      %dma_wait3A_58 = tpu.memref_slice %arg3[%mul3A_2, %dma_wait3A_56, %dma_wait3A_57] : memref<1280x1x128xi32, #tpu.memory_space<hbm>> -> memref<1x1x128xi32, #tpu.memory_space<hbm>>
      %dma_wait3A_59 = tpu.memref_squeeze %dma_wait3A_58 : memref<1x1x128xi32, #tpu.memory_space<hbm>> -> memref<1x128xi32, #tpu.memory_space<hbm>>
      %dma_wait3A_60 = arith.constant 0 : i32
      %dma_wait3A_61 = arith.constant 0 : i32
      %dma_wait3A_62 = tpu.memref_slice %arg3[%mul3A_2, %dma_wait3A_60, %dma_wait3A_61] : memref<1280x1x128xi32, #tpu.memory_space<hbm>> -> memref<1x1x128xi32, #tpu.memory_space<hbm>>
      %dma_wait3A_63 = tpu.memref_squeeze %dma_wait3A_62 : memref<1x1x128xi32, #tpu.memory_space<hbm>> -> memref<1x128xi32, #tpu.memory_space<hbm>>
      tpu.wait_dma2 semaphore(%run_scoped3A : memref<!tpu.dma_semaphore, #tpu.memory_space<semaphore_mem>>) src(%dma_wait3A_63 : memref<1x128xi32, #tpu.memory_space<hbm>>) dst(%arg10 : memref<1x128xi32, #tpu.memory_space<vmem>>)
      tpu.yield
    }) : () -> ()
    %scan3A = arith.constant 0 : i32
    %scan3A_12 = arith.constant 20 : i32
    %scan3A_13 = arith.addi %scan3A, %scan3A_12 : i32
    %scan3A_14 = arith.constant 1 : i32
    scf.for %scan3A_48 = %scan3A to %scan3A_13 step %scan3A_14  : i32 {
      %mul3A_49 = arith.constant 2 : i32
      %mul3A_50 = arith.muli %scan3A_48, %mul3A_49 : i32
      %add3A_51 = arith.constant 0 : i32
      %add3A_52 = arith.addi %add3A_51, %mul3A_50 : i32
      %add3A_53 = arith.addi %mul3A_2, %add3A_52 : i32
      %mul3A_54 = arith.constant 128 : i32
      %mul3A_55 = arith.muli %add3A_53, %mul3A_54 : i32
      %dma_wait3A_56 = arith.constant 0 : i32
      %dma_wait3A_57 = tpu.memref_slice %arg2[%mul3A_55, %dma_wait3A_56] : memref<163840x128xf32, #tpu.memory_space<hbm>> -> memref<128x128xf32, #tpu.memory_space<hbm>>
      %dma_wait3A_58 = arith.constant 0 : i32
      %dma_wait3A_59 = tpu.memref_slice %arg2[%mul3A_55, %dma_wait3A_58] : memref<163840x128xf32, #tpu.memory_space<hbm>> -> memref<128x128xf32, #tpu.memory_space<hbm>>
      tpu.wait_dma2 semaphore(%arg12 : memref<!tpu.dma_semaphore, #tpu.memory_space<semaphore_mem>>) src(%dma_wait3A_59 : memref<128x128xf32, #tpu.memory_space<hbm>>) dst(%arg8 : memref<128x128xf32, #tpu.memory_space<vmem>>)
      %gt3A = arith.constant 0 : i32
      %gt3A_60 = arith.cmpi sgt, %add3A_52, %gt3A : i32
      %convert_element_type3A = arith.extui %gt3A_60 : i1 to i32
      %cond3A = arith.constant 0 : i32
      %cond3A_61 = arith.cmpi ne, %convert_element_type3A, %cond3A : i32
      scf.if %cond3A_61 {
        %dma_wait3A_114 = arith.constant 0 : i32
        %dma_wait3A_115 = arith.constant 0 : i32
        %dma_wait3A_116 = tpu.memref_slice %arg11[%dma_wait3A_114, %dma_wait3A_115] : memref<1x128xi32, #tpu.memory_space<vmem>> -> memref<1x128xi32, #tpu.memory_space<vmem>>
        %dma_wait3A_117 = tpu.memref_squeeze %dma_wait3A_116 : memref<1x128xi32, #tpu.memory_space<vmem>> -> memref<128xi32, #tpu.memory_space<vmem>>
        %dma_wait3A_118 = arith.constant 0 : i32
        %dma_wait3A_119 = arith.constant 0 : i32
        %dma_wait3A_120 = tpu.memref_slice %arg7[%dma_wait3A_118, %dma_wait3A_119] : memref<10240x128xf32, #tpu.memory_space<vmem_shared>> -> memref<10240x128xf32, #tpu.memory_space<vmem_shared>>
        tpu.wait_indirect_dma semaphore(%arg15 : memref<!tpu.dma_semaphore, #tpu.memory_space<semaphore_mem>>) src(%arg9 : memref<128x128xf32, #tpu.memory_space<vmem>>) dst(%dma_wait3A_120 : memref<10240x128xf32, #tpu.memory_space<vmem_shared>>)
      } else {
      }
      %add3A_62 = arith.constant 1 : i32
      %add3A_63 = arith.addi %add3A_53, %add3A_62 : i32
      %mul3A_64 = arith.constant 128 : i32
      %mul3A_65 = arith.muli %add3A_63, %mul3A_64 : i32
      %dma_start3A_66 = arith.constant 0 : i32
      %dma_start3A_67 = tpu.memref_slice %arg2[%mul3A_65, %dma_start3A_66] : memref<163840x128xf32, #tpu.memory_space<hbm>> -> memref<128x128xf32, #tpu.memory_space<hbm>>
      %dma_start3A_68 = arith.constant 0 : i32
      %dma_start3A_69 = tpu.memref_slice %arg2[%mul3A_65, %dma_start3A_68] : memref<163840x128xf32, #tpu.memory_space<hbm>> -> memref<128x128xf32, #tpu.memory_space<hbm>>
      tpu.enqueue_dma source(%dma_start3A_69 : memref<128x128xf32, #tpu.memory_space<hbm>>) target(%arg9 : memref<128x128xf32, #tpu.memory_space<vmem>>) target_semaphore(%arg13 : memref<!tpu.dma_semaphore, #tpu.memory_space<semaphore_mem>>)
      %dma_start3A_70 = arith.constant 0 : i32
      %dma_start3A_71 = arith.constant 0 : i32
      %dma_start3A_72 = tpu.memref_slice %arg10[%dma_start3A_70, %dma_start3A_71] : memref<1x128xi32, #tpu.memory_space<vmem>> -> memref<1x128xi32, #tpu.memory_space<vmem>>
      %dma_start3A_73 = tpu.memref_squeeze %dma_start3A_72 : memref<1x128xi32, #tpu.memory_space<vmem>> -> memref<128xi32, #tpu.memory_space<vmem>>
      %dma_start3A_74 = arith.constant 0 : i32
      %dma_start3A_75 = arith.constant 0 : i32
      %dma_start3A_76 = tpu.memref_slice %arg7[%dma_start3A_74, %dma_start3A_75] : memref<10240x128xf32, #tpu.memory_space<vmem_shared>> -> memref<10240x128xf32, #tpu.memory_space<vmem_shared>>
      tpu.enqueue_indirect_dma source(%arg8 : memref<128x128xf32, #tpu.memory_space<vmem>>) target(%dma_start3A_76 : memref<10240x128xf32, #tpu.memory_space<vmem_shared>>) offsets(%dma_start3A_73 : memref<128xi32, #tpu.memory_space<vmem>>) semaphore(%arg14 : memref<!tpu.dma_semaphore, #tpu.memory_space<semaphore_mem>>) {add = true}
      %add3A_77 = arith.constant 1 : i32
      %add3A_78 = arith.addi %add3A_53, %add3A_77 : i32
      "tpu.region"() ({
        %run_scoped3A = tpu.sem_alloc : memref<!tpu.dma_semaphore, #tpu.memory_space<semaphore_mem>>
        %dma_start3A_114 = arith.constant 0 : i32
        %dma_start3A_115 = arith.constant 0 : i32
        %dma_start3A_116 = tpu.memref_slice %arg3[%add3A_78, %dma_start3A_114, %dma_start3A_115] : memref<1280x1x128xi32, #tpu.memory_space<hbm>> -> memref<1x1x128xi32, #tpu.memory_space<hbm>>
        %dma_start3A_117 = tpu.memref_squeeze %dma_start3A_116 : memref<1x1x128xi32, #tpu.memory_space<hbm>> -> memref<1x128xi32, #tpu.memory_space<hbm>>
        %dma_start3A_118 = arith.constant 0 : i32
        %dma_start3A_119 = arith.constant 0 : i32
        %dma_start3A_120 = tpu.memref_slice %arg3[%add3A_78, %dma_start3A_118, %dma_start3A_119] : memref<1280x1x128xi32, #tpu.memory_space<hbm>> -> memref<1x1x128xi32, #tpu.memory_space<hbm>>
        %dma_start3A_121 = tpu.memref_squeeze %dma_start3A_120 : memref<1x1x128xi32, #tpu.memory_space<hbm>> -> memref<1x128xi32, #tpu.memory_space<hbm>>
        tpu.enqueue_dma source(%dma_start3A_121 : memref<1x128xi32, #tpu.memory_space<hbm>>) target(%arg11 : memref<1x128xi32, #tpu.memory_space<vmem>>) target_semaphore(%run_scoped3A : memref<!tpu.dma_semaphore, #tpu.memory_space<semaphore_mem>>)
        %dma_wait3A_122 = arith.constant 0 : i32
        %dma_wait3A_123 = arith.constant 0 : i32
        %dma_wait3A_124 = tpu.memref_slice %arg3[%add3A_78, %dma_wait3A_122, %dma_wait3A_123] : memref<1280x1x128xi32, #tpu.memory_space<hbm>> -> memref<1x1x128xi32, #tpu.memory_space<hbm>>
        %dma_wait3A_125 = tpu.memref_squeeze %dma_wait3A_124 : memref<1x1x128xi32, #tpu.memory_space<hbm>> -> memref<1x128xi32, #tpu.memory_space<hbm>>
        %dma_wait3A_126 = arith.constant 0 : i32
        %dma_wait3A_127 = arith.constant 0 : i32
        %dma_wait3A_128 = tpu.memref_slice %arg3[%add3A_78, %dma_wait3A_126, %dma_wait3A_127] : memref<1280x1x128xi32, #tpu.memory_space<hbm>> -> memref<1x1x128xi32, #tpu.memory_space<hbm>>
        %dma_wait3A_129 = tpu.memref_squeeze %dma_wait3A_128 : memref<1x1x128xi32, #tpu.memory_space<hbm>> -> memref<1x128xi32, #tpu.memory_space<hbm>>
        tpu.wait_dma2 semaphore(%run_scoped3A : memref<!tpu.dma_semaphore, #tpu.memory_space<semaphore_mem>>) src(%dma_wait3A_129 : memref<1x128xi32, #tpu.memory_space<hbm>>) dst(%arg11 : memref<1x128xi32, #tpu.memory_space<vmem>>)
        tpu.yield
      }) : () -> ()
      %add3A_79 = arith.constant 1 : i32
      %add3A_80 = arith.addi %add3A_53, %add3A_79 : i32
      %mul3A_81 = arith.constant 128 : i32
      %mul3A_82 = arith.muli %add3A_80, %mul3A_81 : i32
      %dma_wait3A_83 = arith.constant 0 : i32
      %dma_wait3A_84 = tpu.memref_slice %arg2[%mul3A_82, %dma_wait3A_83] : memref<163840x128xf32, #tpu.memory_space<hbm>> -> memref<128x128xf32, #tpu.memory_space<hbm>>
      %dma_wait3A_85 = arith.constant 0 : i32
      %dma_wait3A_86 = tpu.memref_slice %arg2[%mul3A_82, %dma_wait3A_85] : memref<163840x128xf32, #tpu.memory_space<hbm>> -> memref<128x128xf32, #tpu.memory_space<hbm>>
      tpu.wait_dma2 semaphore(%arg13 : memref<!tpu.dma_semaphore, #tpu.memory_space<semaphore_mem>>) src(%dma_wait3A_86 : memref<128x128xf32, #tpu.memory_space<hbm>>) dst(%arg9 : memref<128x128xf32, #tpu.memory_space<vmem>>)
      %dma_wait3A_87 = arith.constant 0 : i32
      %dma_wait3A_88 = arith.constant 0 : i32
      %dma_wait3A_89 = tpu.memref_slice %arg10[%dma_wait3A_87, %dma_wait3A_88] : memref<1x128xi32, #tpu.memory_space<vmem>> -> memref<1x128xi32, #tpu.memory_space<vmem>>
      %dma_wait3A_90 = tpu.memref_squeeze %dma_wait3A_89 : memref<1x128xi32, #tpu.memory_space<vmem>> -> memref<128xi32, #tpu.memory_space<vmem>>
      %dma_wait3A_91 = arith.constant 0 : i32
      %dma_wait3A_92 = arith.constant 0 : i32
      %dma_wait3A_93 = tpu.memref_slice %arg7[%dma_wait3A_91, %dma_wait3A_92] : memref<10240x128xf32, #tpu.memory_space<vmem_shared>> -> memref<10240x128xf32, #tpu.memory_space<vmem_shared>>
      tpu.wait_indirect_dma semaphore(%arg14 : memref<!tpu.dma_semaphore, #tpu.memory_space<semaphore_mem>>) src(%arg8 : memref<128x128xf32, #tpu.memory_space<vmem>>) dst(%dma_wait3A_93 : memref<10240x128xf32, #tpu.memory_space<vmem_shared>>)
      %add3A_94 = arith.constant 2 : i32
      %add3A_95 = arith.addi %add3A_52, %add3A_94 : i32
      %lt3A = arith.constant 40 : i32
      %lt3A_96 = arith.cmpi slt, %add3A_95, %lt3A : i32
      %convert_element_type3A_97 = arith.extui %lt3A_96 : i1 to i32
      %cond3A_98 = arith.constant 0 : i32
      %cond3A_99 = arith.cmpi ne, %convert_element_type3A_97, %cond3A_98 : i32
      scf.if %cond3A_99 {
        %add3A_114 = arith.constant 2 : i32
        %add3A_115 = arith.addi %add3A_53, %add3A_114 : i32
        %mul3A_116 = arith.constant 128 : i32
        %mul3A_117 = arith.muli %add3A_115, %mul3A_116 : i32
        %dma_start3A_118 = arith.constant 0 : i32
        %dma_start3A_119 = tpu.memref_slice %arg2[%mul3A_117, %dma_start3A_118] : memref<163840x128xf32, #tpu.memory_space<hbm>> -> memref<128x128xf32, #tpu.memory_space<hbm>>
        %dma_start3A_120 = arith.constant 0 : i32
        %dma_start3A_121 = tpu.memref_slice %arg2[%mul3A_117, %dma_start3A_120] : memref<163840x128xf32, #tpu.memory_space<hbm>> -> memref<128x128xf32, #tpu.memory_space<hbm>>
        tpu.enqueue_dma source(%dma_start3A_121 : memref<128x128xf32, #tpu.memory_space<hbm>>) target(%arg8 : memref<128x128xf32, #tpu.memory_space<vmem>>) target_semaphore(%arg12 : memref<!tpu.dma_semaphore, #tpu.memory_space<semaphore_mem>>)
      } else {
      }
      %dma_start3A_100 = arith.constant 0 : i32
      %dma_start3A_101 = arith.constant 0 : i32
      %dma_start3A_102 = tpu.memref_slice %arg11[%dma_start3A_100, %dma_start3A_101] : memref<1x128xi32, #tpu.memory_space<vmem>> -> memref<1x128xi32, #tpu.memory_space<vmem>>
      %dma_start3A_103 = tpu.memref_squeeze %dma_start3A_102 : memref<1x128xi32, #tpu.memory_space<vmem>> -> memref<128xi32, #tpu.memory_space<vmem>>
      %dma_start3A_104 = arith.constant 0 : i32
      %dma_start3A_105 = arith.constant 0 : i32
      %dma_start3A_106 = tpu.memref_slice %arg7[%dma_start3A_104, %dma_start3A_105] : memref<10240x128xf32, #tpu.memory_space<vmem_shared>> -> memref<10240x128xf32, #tpu.memory_space<vmem_shared>>
      tpu.enqueue_indirect_dma source(%arg9 : memref<128x128xf32, #tpu.memory_space<vmem>>) target(%dma_start3A_106 : memref<10240x128xf32, #tpu.memory_space<vmem_shared>>) offsets(%dma_start3A_103 : memref<128xi32, #tpu.memory_space<vmem>>) semaphore(%arg15 : memref<!tpu.dma_semaphore, #tpu.memory_space<semaphore_mem>>) {add = true}
      %add3A_107 = arith.constant 2 : i32
      %add3A_108 = arith.addi %add3A_52, %add3A_107 : i32
      %lt3A_109 = arith.constant 40 : i32
      %lt3A_110 = arith.cmpi slt, %add3A_108, %lt3A_109 : i32
      %convert_element_type3A_111 = arith.extui %lt3A_110 : i1 to i32
      %cond3A_112 = arith.constant 0 : i32
      %cond3A_113 = arith.cmpi ne, %convert_element_type3A_111, %cond3A_112 : i32
      scf.if %cond3A_113 {
        %add3A_114 = arith.constant 2 : i32
        %add3A_115 = arith.addi %add3A_53, %add3A_114 : i32
        "tpu.region"() ({
          %run_scoped3A = tpu.sem_alloc : memref<!tpu.dma_semaphore, #tpu.memory_space<semaphore_mem>>
          %dma_start3A_116 = arith.constant 0 : i32
          %dma_start3A_117 = arith.constant 0 : i32
          %dma_start3A_118 = tpu.memref_slice %arg3[%add3A_115, %dma_start3A_116, %dma_start3A_117] : memref<1280x1x128xi32, #tpu.memory_space<hbm>> -> memref<1x1x128xi32, #tpu.memory_space<hbm>>
          %dma_start3A_119 = tpu.memref_squeeze %dma_start3A_118 : memref<1x1x128xi32, #tpu.memory_space<hbm>> -> memref<1x128xi32, #tpu.memory_space<hbm>>
          %dma_start3A_120 = arith.constant 0 : i32
          %dma_start3A_121 = arith.constant 0 : i32
          %dma_start3A_122 = tpu.memref_slice %arg3[%add3A_115, %dma_start3A_120, %dma_start3A_121] : memref<1280x1x128xi32, #tpu.memory_space<hbm>> -> memref<1x1x128xi32, #tpu.memory_space<hbm>>
          %dma_start3A_123 = tpu.memref_squeeze %dma_start3A_122 : memref<1x1x128xi32, #tpu.memory_space<hbm>> -> memref<1x128xi32, #tpu.memory_space<hbm>>
          tpu.enqueue_dma source(%dma_start3A_123 : memref<1x128xi32, #tpu.memory_space<hbm>>) target(%arg10 : memref<1x128xi32, #tpu.memory_space<vmem>>) target_semaphore(%run_scoped3A : memref<!tpu.dma_semaphore, #tpu.memory_space<semaphore_mem>>)
          %dma_wait3A_124 = arith.constant 0 : i32
          %dma_wait3A_125 = arith.constant 0 : i32
          %dma_wait3A_126 = tpu.memref_slice %arg3[%add3A_115, %dma_wait3A_124, %dma_wait3A_125] : memref<1280x1x128xi32, #tpu.memory_space<hbm>> -> memref<1x1x128xi32, #tpu.memory_space<hbm>>
          %dma_wait3A_127 = tpu.memref_squeeze %dma_wait3A_126 : memref<1x1x128xi32, #tpu.memory_space<hbm>> -> memref<1x128xi32, #tpu.memory_space<hbm>>
          %dma_wait3A_128 = arith.constant 0 : i32
          %dma_wait3A_129 = arith.constant 0 : i32
          %dma_wait3A_130 = tpu.memref_slice %arg3[%add3A_115, %dma_wait3A_128, %dma_wait3A_129] : memref<1280x1x128xi32, #tpu.memory_space<hbm>> -> memref<1x1x128xi32, #tpu.memory_space<hbm>>
          %dma_wait3A_131 = tpu.memref_squeeze %dma_wait3A_130 : memref<1x1x128xi32, #tpu.memory_space<hbm>> -> memref<1x128xi32, #tpu.memory_space<hbm>>
          tpu.wait_dma2 semaphore(%run_scoped3A : memref<!tpu.dma_semaphore, #tpu.memory_space<semaphore_mem>>) src(%dma_wait3A_131 : memref<1x128xi32, #tpu.memory_space<hbm>>) dst(%arg10 : memref<1x128xi32, #tpu.memory_space<vmem>>)
          tpu.yield
        }) : () -> ()
      } else {
      }
    }
    %scan3A_15 = arith.constant 20 : i32
    %dma_wait3A = arith.constant 0 : i32
    %dma_wait3A_16 = arith.constant 0 : i32
    %dma_wait3A_17 = tpu.memref_slice %arg11[%dma_wait3A, %dma_wait3A_16] : memref<1x128xi32, #tpu.memory_space<vmem>> -> memref<1x128xi32, #tpu.memory_space<vmem>>
    %dma_wait3A_18 = tpu.memref_squeeze %dma_wait3A_17 : memref<1x128xi32, #tpu.memory_space<vmem>> -> memref<128xi32, #tpu.memory_space<vmem>>
    %dma_wait3A_19 = arith.constant 0 : i32
    %dma_wait3A_20 = arith.constant 0 : i32
    %dma_wait3A_21 = tpu.memref_slice %arg7[%dma_wait3A_19, %dma_wait3A_20] : memref<10240x128xf32, #tpu.memory_space<vmem_shared>> -> memref<10240x128xf32, #tpu.memory_space<vmem_shared>>
    tpu.wait_indirect_dma semaphore(%arg15 : memref<!tpu.dma_semaphore, #tpu.memory_space<semaphore_mem>>) src(%arg9 : memref<128x128xf32, #tpu.memory_space<vmem>>) dst(%dma_wait3A_21 : memref<10240x128xf32, #tpu.memory_space<vmem_shared>>)
    %barrier3A_22 = arith.constant 0 : index
    tpu.barrier barrier_id(%barrier3A_22)
    %mul3A_23 = arith.constant 640 : i32
    %mul3A_24 = arith.muli %arg1, %mul3A_23 : i32
    %mul3A_25 = arith.constant 640 : i32
    %mul3A_26 = arith.muli %arg1, %mul3A_25 : i32
    "tpu.region"() ({
      %run_scoped3A = tpu.sem_alloc : memref<!tpu.dma_semaphore, #tpu.memory_space<semaphore_mem>>
      %dma_start3A_48 = arith.constant 0 : i32
      %dma_start3A_49 = tpu.memref_slice %arg5[%arg0, %mul3A_26, %dma_start3A_48] : memref<2x10240x128xf32, #tpu.memory_space<hbm>> -> memref<1x640x128xf32, #tpu.memory_space<hbm>>
      %dma_start3A_50 = tpu.memref_squeeze %dma_start3A_49 : memref<1x640x128xf32, #tpu.memory_space<hbm>> -> memref<640x128xf32, #tpu.memory_space<hbm>>
      %dma_start3A_51 = arith.constant 0 : i32
      %dma_start3A_52 = tpu.memref_slice %arg7[%mul3A_24, %dma_start3A_51] : memref<10240x128xf32, #tpu.memory_space<vmem_shared>> -> memref<640x128xf32, #tpu.memory_space<vmem_shared>>
      tpu.enqueue_dma source(%dma_start3A_52 : memref<640x128xf32, #tpu.memory_space<vmem_shared>>) target(%dma_start3A_50 : memref<640x128xf32, #tpu.memory_space<hbm>>) target_semaphore(%run_scoped3A : memref<!tpu.dma_semaphore, #tpu.memory_space<semaphore_mem>>)
      %dma_wait3A_53 = arith.constant 0 : i32
      %dma_wait3A_54 = tpu.memref_slice %arg5[%arg0, %mul3A_26, %dma_wait3A_53] : memref<2x10240x128xf32, #tpu.memory_space<hbm>> -> memref<1x640x128xf32, #tpu.memory_space<hbm>>
      %dma_wait3A_55 = tpu.memref_squeeze %dma_wait3A_54 : memref<1x640x128xf32, #tpu.memory_space<hbm>> -> memref<640x128xf32, #tpu.memory_space<hbm>>
      %dma_wait3A_56 = arith.constant 0 : i32
      %dma_wait3A_57 = tpu.memref_slice %arg7[%mul3A_24, %dma_wait3A_56] : memref<10240x128xf32, #tpu.memory_space<vmem_shared>> -> memref<640x128xf32, #tpu.memory_space<vmem_shared>>
      tpu.wait_dma2 semaphore(%run_scoped3A : memref<!tpu.dma_semaphore, #tpu.memory_space<semaphore_mem>>) src(%dma_wait3A_57 : memref<640x128xf32, #tpu.memory_space<vmem_shared>>) dst(%dma_wait3A_55 : memref<640x128xf32, #tpu.memory_space<hbm>>)
      tpu.yield
    }) : () -> ()
    %barrier3A_27 = arith.constant 0 : index
    tpu.barrier barrier_id(%barrier3A_27)
    %mul3A_28 = arith.constant 640 : i32
    %mul3A_29 = arith.muli %arg1, %mul3A_28 : i32
    %mul3A_30 = arith.constant 640 : i32
    %mul3A_31 = arith.muli %arg1, %mul3A_30 : i32
    "tpu.region"() ({
      %run_scoped3A = tpu.sem_alloc : memref<!tpu.dma_semaphore, #tpu.memory_space<semaphore_mem>>
      %dma_start3A_48 = arith.constant 0 : i32
      %dma_start3A_49 = tpu.memref_slice %arg7[%mul3A_31, %dma_start3A_48] : memref<10240x128xf32, #tpu.memory_space<vmem_shared>> -> memref<640x128xf32, #tpu.memory_space<vmem_shared>>
      %dma_start3A_50 = arith.constant 0 : i32
      %dma_start3A_51 = tpu.memref_slice %arg4[%mul3A_29, %dma_start3A_50] : memref<10240x128xf32, #tpu.memory_space<hbm>> -> memref<640x128xf32, #tpu.memory_space<hbm>>
      tpu.enqueue_dma source(%dma_start3A_51 : memref<640x128xf32, #tpu.memory_space<hbm>>) target(%dma_start3A_49 : memref<640x128xf32, #tpu.memory_space<vmem_shared>>) target_semaphore(%run_scoped3A : memref<!tpu.dma_semaphore, #tpu.memory_space<semaphore_mem>>)
      %dma_wait3A_52 = arith.constant 0 : i32
      %dma_wait3A_53 = tpu.memref_slice %arg7[%mul3A_31, %dma_wait3A_52] : memref<10240x128xf32, #tpu.memory_space<vmem_shared>> -> memref<640x128xf32, #tpu.memory_space<vmem_shared>>
      %dma_wait3A_54 = arith.constant 0 : i32
      %dma_wait3A_55 = tpu.memref_slice %arg4[%mul3A_29, %dma_wait3A_54] : memref<10240x128xf32, #tpu.memory_space<hbm>> -> memref<640x128xf32, #tpu.memory_space<hbm>>
      tpu.wait_dma2 semaphore(%run_scoped3A : memref<!tpu.dma_semaphore, #tpu.memory_space<semaphore_mem>>) src(%dma_wait3A_55 : memref<640x128xf32, #tpu.memory_space<hbm>>) dst(%dma_wait3A_53 : memref<640x128xf32, #tpu.memory_space<vmem_shared>>)
      tpu.yield
    }) : () -> ()
    %scan3A_32 = arith.constant 0 : i32
    %scan3A_33 = arith.constant 128 : i32
    %scan3A_34 = arith.addi %scan3A_32, %scan3A_33 : i32
    %scan3A_35 = arith.constant 1 : i32
    scf.for %scan3A_48 = %scan3A_32 to %scan3A_34 step %scan3A_35  : i32 {
      %mul3A_49 = arith.constant 1 : i32
      %mul3A_50 = arith.muli %scan3A_48, %mul3A_49 : i32
      %add3A_51 = arith.constant 0 : i32
      %add3A_52 = arith.addi %add3A_51, %mul3A_50 : i32
      %scan3A_53 = arith.constant 0 : i32
      %scan3A_54 = arith.constant 8 : i32
      %scan3A_55 = arith.addi %scan3A_53, %scan3A_54 : i32
      %scan3A_56 = arith.constant 1 : i32
      scf.for %scan3A_58 = %scan3A_53 to %scan3A_55 step %scan3A_56  : i32 {
        %mul3A_59 = arith.constant 16 : i32
        %mul3A_60 = arith.muli %scan3A_58, %mul3A_59 : i32
        %add3A_61 = arith.constant 0 : i32
        %add3A_62 = arith.addi %add3A_61, %mul3A_60 : i32
        %broadcast_in_dim3A = arith.constant 1.000000e+00 : f32
        %broadcast_in_dim3A_63 = vector.broadcast %broadcast_in_dim3A : f32 to vector<1x16xf32>
        %swap3A = arith.index_cast %add3A_52 : i32 to index
        %swap3A_64 = arith.index_cast %add3A_62 : i32 to index
        %swap3A_65 = tpu.vector_load %arg8[%swap3A, %swap3A_64] {strides = array<i32>} : memref<128x128xf32, #tpu.memory_space<vmem>>, vector<1x16xf32>,
        %swap3A_66 = vector.shape_cast %swap3A_65 : vector<1x16xf32> to vector<1x16xf32>
        %swap3A_67 = vector.shape_cast %broadcast_in_dim3A_63 : vector<1x16xf32> to vector<1x16xf32>
        tpu.vector_store %arg8[%swap3A, %swap3A_64], %swap3A_67 {strides = array<i32>} : memref<128x128xf32, #tpu.memory_space<vmem>>, vector<1x16xf32>,
      }
      %scan3A_57 = arith.constant 8 : i32
    }
    %scan3A_36 = arith.constant 128 : i32
    %barrier3A_37 = arith.constant 0 : index
    tpu.barrier barrier_id(%barrier3A_37)
    "tpu.region"() ({
      %run_scoped3A = tpu.sem_alloc : memref<!tpu.dma_semaphore, #tpu.memory_space<semaphore_mem>>
      %dma_start3A_48 = arith.constant 0 : i32
      %dma_start3A_49 = arith.constant 0 : i32
      %dma_start3A_50 = tpu.memref_slice %arg3[%mul3A_2, %dma_start3A_48, %dma_start3A_49] : memref<1280x1x128xi32, #tpu.memory_space<hbm>> -> memref<1x1x128xi32, #tpu.memory_space<hbm>>
      %dma_start3A_51 = tpu.memref_squeeze %dma_start3A_50 : memref<1x1x128xi32, #tpu.memory_space<hbm>> -> memref<1x128xi32, #tpu.memory_space<hbm>>
      %dma_start3A_52 = arith.constant 0 : i32
      %dma_start3A_53 = arith.constant 0 : i32
      %dma_start3A_54 = tpu.memref_slice %arg3[%mul3A_2, %dma_start3A_52, %dma_start3A_53] : memref<1280x1x128xi32, #tpu.memory_space<hbm>> -> memref<1x1x128xi32, #tpu.memory_space<hbm>>
      %dma_start3A_55 = tpu.memref_squeeze %dma_start3A_54 : memref<1x1x128xi32, #tpu.memory_space<hbm>> -> memref<1x128xi32, #tpu.memory_space<hbm>>
      tpu.enqueue_dma source(%dma_start3A_55 : memref<1x128xi32, #tpu.memory_space<hbm>>) target(%arg10 : memref<1x128xi32, #tpu.memory_space<vmem>>) target_semaphore(%run_scoped3A : memref<!tpu.dma_semaphore, #tpu.memory_space<semaphore_mem>>)
      %dma_wait3A_56 = arith.constant 0 : i32
      %dma_wait3A_57 = arith.constant 0 : i32
      %dma_wait3A_58 = tpu.memref_slice %arg3[%mul3A_2, %dma_wait3A_56, %dma_wait3A_57] : memref<1280x1x128xi32, #tpu.memory_space<hbm>> -> memref<1x1x128xi32, #tpu.memory_space<hbm>>
      %dma_wait3A_59 = tpu.memref_squeeze %dma_wait3A_58 : memref<1x1x128xi32, #tpu.memory_space<hbm>> -> memref<1x128xi32, #tpu.memory_space<hbm>>
      %dma_wait3A_60 = arith.constant 0 : i32
      %dma_wait3A_61 = arith.constant 0 : i32
      %dma_wait3A_62 = tpu.memref_slice %arg3[%mul3A_2, %dma_wait3A_60, %dma_wait3A_61] : memref<1280x1x128xi32, #tpu.memory_space<hbm>> -> memref<1x1x128xi32, #tpu.memory_space<hbm>>
      %dma_wait3A_63 = tpu.memref_squeeze %dma_wait3A_62 : memref<1x1x128xi32, #tpu.memory_space<hbm>> -> memref<1x128xi32, #tpu.memory_space<hbm>>
      tpu.wait_dma2 semaphore(%run_scoped3A : memref<!tpu.dma_semaphore, #tpu.memory_space<semaphore_mem>>) src(%dma_wait3A_63 : memref<1x128xi32, #tpu.memory_space<hbm>>) dst(%arg10 : memref<1x128xi32, #tpu.memory_space<vmem>>)
      tpu.yield
    }) : () -> ()
    %scan3A_38 = arith.constant 0 : i32
    %scan3A_39 = arith.constant 20 : i32
    %scan3A_40 = arith.addi %scan3A_38, %scan3A_39 : i32
    %scan3A_41 = arith.constant 1 : i32
    scf.for %scan3A_48 = %scan3A_38 to %scan3A_40 step %scan3A_41  : i32 {
      %mul3A_49 = arith.constant 2 : i32
      %mul3A_50 = arith.muli %scan3A_48, %mul3A_49 : i32
      %add3A_51 = arith.constant 0 : i32
      %add3A_52 = arith.addi %add3A_51, %mul3A_50 : i32
      %add3A_53 = arith.addi %mul3A_2, %add3A_52 : i32
      %dma_start3A_54 = arith.constant 0 : i32
      %dma_start3A_55 = arith.constant 0 : i32
      %dma_start3A_56 = tpu.memref_slice %arg10[%dma_start3A_54, %dma_start3A_55] : memref<1x128xi32, #tpu.memory_space<vmem>> -> memref<1x128xi32, #tpu.memory_space<vmem>>
      %dma_start3A_57 = tpu.memref_squeeze %dma_start3A_56 : memref<1x128xi32, #tpu.memory_space<vmem>> -> memref<128xi32, #tpu.memory_space<vmem>>
      %dma_start3A_58 = arith.constant 0 : i32
      %dma_start3A_59 = arith.constant 0 : i32
      %dma_start3A_60 = tpu.memref_slice %arg7[%dma_start3A_58, %dma_start3A_59] : memref<10240x128xf32, #tpu.memory_space<vmem_shared>> -> memref<10240x128xf32, #tpu.memory_space<vmem_shared>>
      tpu.enqueue_indirect_dma source(%arg8 : memref<128x128xf32, #tpu.memory_space<vmem>>) target(%dma_start3A_60 : memref<10240x128xf32, #tpu.memory_space<vmem_shared>>) offsets(%dma_start3A_57 : memref<128xi32, #tpu.memory_space<vmem>>) semaphore(%arg14 : memref<!tpu.dma_semaphore, #tpu.memory_space<semaphore_mem>>) {add = true}
      %add3A_61 = arith.constant 1 : i32
      %add3A_62 = arith.addi %add3A_53, %add3A_61 : i32
      "tpu.region"() ({
        %run_scoped3A = tpu.sem_alloc : memref<!tpu.dma_semaphore, #tpu.memory_space<semaphore_mem>>
        %dma_start3A_88 = arith.constant 0 : i32
        %dma_start3A_89 = arith.constant 0 : i32
        %dma_start3A_90 = tpu.memref_slice %arg3[%add3A_62, %dma_start3A_88, %dma_start3A_89] : memref<1280x1x128xi32, #tpu.memory_space<hbm>> -> memref<1x1x128xi32, #tpu.memory_space<hbm>>
        %dma_start3A_91 = tpu.memref_squeeze %dma_start3A_90 : memref<1x1x128xi32, #tpu.memory_space<hbm>> -> memref<1x128xi32, #tpu.memory_space<hbm>>
        %dma_start3A_92 = arith.constant 0 : i32
        %dma_start3A_93 = arith.constant 0 : i32
        %dma_start3A_94 = tpu.memref_slice %arg3[%add3A_62, %dma_start3A_92, %dma_start3A_93] : memref<1280x1x128xi32, #tpu.memory_space<hbm>> -> memref<1x1x128xi32, #tpu.memory_space<hbm>>
        %dma_start3A_95 = tpu.memref_squeeze %dma_start3A_94 : memref<1x1x128xi32, #tpu.memory_space<hbm>> -> memref<1x128xi32, #tpu.memory_space<hbm>>
        tpu.enqueue_dma source(%dma_start3A_95 : memref<1x128xi32, #tpu.memory_space<hbm>>) target(%arg11 : memref<1x128xi32, #tpu.memory_space<vmem>>) target_semaphore(%run_scoped3A : memref<!tpu.dma_semaphore, #tpu.memory_space<semaphore_mem>>)
        %dma_wait3A_96 = arith.constant 0 : i32
        %dma_wait3A_97 = arith.constant 0 : i32
        %dma_wait3A_98 = tpu.memref_slice %arg3[%add3A_62, %dma_wait3A_96, %dma_wait3A_97] : memref<1280x1x128xi32, #tpu.memory_space<hbm>> -> memref<1x1x128xi32, #tpu.memory_space<hbm>>
        %dma_wait3A_99 = tpu.memref_squeeze %dma_wait3A_98 : memref<1x1x128xi32, #tpu.memory_space<hbm>> -> memref<1x128xi32, #tpu.memory_space<hbm>>
        %dma_wait3A_100 = arith.constant 0 : i32
        %dma_wait3A_101 = arith.constant 0 : i32
        %dma_wait3A_102 = tpu.memref_slice %arg3[%add3A_62, %dma_wait3A_100, %dma_wait3A_101] : memref<1280x1x128xi32, #tpu.memory_space<hbm>> -> memref<1x1x128xi32, #tpu.memory_space<hbm>>
        %dma_wait3A_103 = tpu.memref_squeeze %dma_wait3A_102 : memref<1x1x128xi32, #tpu.memory_space<hbm>> -> memref<1x128xi32, #tpu.memory_space<hbm>>
        tpu.wait_dma2 semaphore(%run_scoped3A : memref<!tpu.dma_semaphore, #tpu.memory_space<semaphore_mem>>) src(%dma_wait3A_103 : memref<1x128xi32, #tpu.memory_space<hbm>>) dst(%arg11 : memref<1x128xi32, #tpu.memory_space<vmem>>)
        tpu.yield
      }) : () -> ()
      %dma_start3A_63 = arith.constant 0 : i32
      %dma_start3A_64 = arith.constant 0 : i32
      %dma_start3A_65 = tpu.memref_slice %arg11[%dma_start3A_63, %dma_start3A_64] : memref<1x128xi32, #tpu.memory_space<vmem>> -> memref<1x128xi32, #tpu.memory_space<vmem>>
      %dma_start3A_66 = tpu.memref_squeeze %dma_start3A_65 : memref<1x128xi32, #tpu.memory_space<vmem>> -> memref<128xi32, #tpu.memory_space<vmem>>
      %dma_start3A_67 = arith.constant 0 : i32
      %dma_start3A_68 = arith.constant 0 : i32
      %dma_start3A_69 = tpu.memref_slice %arg7[%dma_start3A_67, %dma_start3A_68] : memref<10240x128xf32, #tpu.memory_space<vmem_shared>> -> memref<10240x128xf32, #tpu.memory_space<vmem_shared>>
      tpu.enqueue_indirect_dma source(%arg8 : memref<128x128xf32, #tpu.memory_space<vmem>>) target(%dma_start3A_69 : memref<10240x128xf32, #tpu.memory_space<vmem_shared>>) offsets(%dma_start3A_66 : memref<128xi32, #tpu.memory_space<vmem>>) semaphore(%arg15 : memref<!tpu.dma_semaphore, #tpu.memory_space<semaphore_mem>>) {add = true}
      %dma_wait3A_70 = arith.constant 0 : i32
      %dma_wait3A_71 = arith.constant 0 : i32
      %dma_wait3A_72 = tpu.memref_slice %arg10[%dma_wait3A_70, %dma_wait3A_71] : memref<1x128xi32, #tpu.memory_space<vmem>> -> memref<1x128xi32, #tpu.memory_space<vmem>>
      %dma_wait3A_73 = tpu.memref_squeeze %dma_wait3A_72 : memref<1x128xi32, #tpu.memory_space<vmem>> -> memref<128xi32, #tpu.memory_space<vmem>>
      %dma_wait3A_74 = arith.constant 0 : i32
      %dma_wait3A_75 = arith.constant 0 : i32
      %dma_wait3A_76 = tpu.memref_slice %arg7[%dma_wait3A_74, %dma_wait3A_75] : memref<10240x128xf32, #tpu.memory_space<vmem_shared>> -> memref<10240x128xf32, #tpu.memory_space<vmem_shared>>
      tpu.wait_indirect_dma semaphore(%arg14 : memref<!tpu.dma_semaphore, #tpu.memory_space<semaphore_mem>>) src(%arg8 : memref<128x128xf32, #tpu.memory_space<vmem>>) dst(%dma_wait3A_76 : memref<10240x128xf32, #tpu.memory_space<vmem_shared>>)
      %add3A_77 = arith.constant 2 : i32
      %add3A_78 = arith.addi %add3A_52, %add3A_77 : i32
      %lt3A = arith.constant 40 : i32
      %lt3A_79 = arith.cmpi slt, %add3A_78, %lt3A : i32
      %convert_element_type3A = arith.extui %lt3A_79 : i1 to i32
      %cond3A = arith.constant 0 : i32
      %cond3A_80 = arith.cmpi ne, %convert_element_type3A, %cond3A : i32
      scf.if %cond3A_80 {
        %add3A_88 = arith.constant 2 : i32
        %add3A_89 = arith.addi %add3A_53, %add3A_88 : i32
        "tpu.region"() ({
          %run_scoped3A = tpu.sem_alloc : memref<!tpu.dma_semaphore, #tpu.memory_space<semaphore_mem>>
          %dma_start3A_90 = arith.constant 0 : i32
          %dma_start3A_91 = arith.constant 0 : i32
          %dma_start3A_92 = tpu.memref_slice %arg3[%add3A_89, %dma_start3A_90, %dma_start3A_91] : memref<1280x1x128xi32, #tpu.memory_space<hbm>> -> memref<1x1x128xi32, #tpu.memory_space<hbm>>
          %dma_start3A_93 = tpu.memref_squeeze %dma_start3A_92 : memref<1x1x128xi32, #tpu.memory_space<hbm>> -> memref<1x128xi32, #tpu.memory_space<hbm>>
          %dma_start3A_94 = arith.constant 0 : i32
          %dma_start3A_95 = arith.constant 0 : i32
          %dma_start3A_96 = tpu.memref_slice %arg3[%add3A_89, %dma_start3A_94, %dma_start3A_95] : memref<1280x1x128xi32, #tpu.memory_space<hbm>> -> memref<1x1x128xi32, #tpu.memory_space<hbm>>
          %dma_start3A_97 = tpu.memref_squeeze %dma_start3A_96 : memref<1x1x128xi32, #tpu.memory_space<hbm>> -> memref<1x128xi32, #tpu.memory_space<hbm>>
          tpu.enqueue_dma source(%dma_start3A_97 : memref<1x128xi32, #tpu.memory_space<hbm>>) target(%arg10 : memref<1x128xi32, #tpu.memory_space<vmem>>) target_semaphore(%run_scoped3A : memref<!tpu.dma_semaphore, #tpu.memory_space<semaphore_mem>>)
          %dma_wait3A_98 = arith.constant 0 : i32
          %dma_wait3A_99 = arith.constant 0 : i32
          %dma_wait3A_100 = tpu.memref_slice %arg3[%add3A_89, %dma_wait3A_98, %dma_wait3A_99] : memref<1280x1x128xi32, #tpu.memory_space<hbm>> -> memref<1x1x128xi32, #tpu.memory_space<hbm>>
          %dma_wait3A_101 = tpu.memref_squeeze %dma_wait3A_100 : memref<1x1x128xi32, #tpu.memory_space<hbm>> -> memref<1x128xi32, #tpu.memory_space<hbm>>
          %dma_wait3A_102 = arith.constant 0 : i32
          %dma_wait3A_103 = arith.constant 0 : i32
          %dma_wait3A_104 = tpu.memref_slice %arg3[%add3A_89, %dma_wait3A_102, %dma_wait3A_103] : memref<1280x1x128xi32, #tpu.memory_space<hbm>> -> memref<1x1x128xi32, #tpu.memory_space<hbm>>
          %dma_wait3A_105 = tpu.memref_squeeze %dma_wait3A_104 : memref<1x1x128xi32, #tpu.memory_space<hbm>> -> memref<1x128xi32, #tpu.memory_space<hbm>>
          tpu.wait_dma2 semaphore(%run_scoped3A : memref<!tpu.dma_semaphore, #tpu.memory_space<semaphore_mem>>) src(%dma_wait3A_105 : memref<1x128xi32, #tpu.memory_space<hbm>>) dst(%arg10 : memref<1x128xi32, #tpu.memory_space<vmem>>)
          tpu.yield
        }) : () -> ()
      } else {
      }
      %dma_wait3A_81 = arith.constant 0 : i32
      %dma_wait3A_82 = arith.constant 0 : i32
      %dma_wait3A_83 = tpu.memref_slice %arg11[%dma_wait3A_81, %dma_wait3A_82] : memref<1x128xi32, #tpu.memory_space<vmem>> -> memref<1x128xi32, #tpu.memory_space<vmem>>
      %dma_wait3A_84 = tpu.memref_squeeze %dma_wait3A_83 : memref<1x128xi32, #tpu.memory_space<vmem>> -> memref<128xi32, #tpu.memory_space<vmem>>
      %dma_wait3A_85 = arith.constant 0 : i32
      %dma_wait3A_86 = arith.constant 0 : i32
      %dma_wait3A_87 = tpu.memref_slice %arg7[%dma_wait3A_85, %dma_wait3A_86] : memref<10240x128xf32, #tpu.memory_space<vmem_shared>> -> memref<10240x128xf32, #tpu.memory_space<vmem_shared>>
      tpu.wait_indirect_dma semaphore(%arg15 : memref<!tpu.dma_semaphore, #tpu.memory_space<semaphore_mem>>) src(%arg8 : memref<128x128xf32, #tpu.memory_space<vmem>>) dst(%dma_wait3A_87 : memref<10240x128xf32, #tpu.memory_space<vmem_shared>>)
    }
    %scan3A_42 = arith.constant 20 : i32
    %barrier3A_43 = arith.constant 0 : index
    tpu.barrier barrier_id(%barrier3A_43)
    %mul3A_44 = arith.constant 640 : i32
    %mul3A_45 = arith.muli %arg1, %mul3A_44 : i32
    %mul3A_46 = arith.constant 640 : i32
    %mul3A_47 = arith.muli %arg1, %mul3A_46 : i32
    "tpu.region"() ({
      %run_scoped3A = tpu.sem_alloc : memref<!tpu.dma_semaphore, #tpu.memory_space<semaphore_mem>>
      %dma_start3A_48 = arith.constant 0 : i32
      %dma_start3A_49 = tpu.memref_slice %arg6[%arg0, %mul3A_47, %dma_start3A_48] : memref<2x10240x128xf32, #tpu.memory_space<hbm>> -> memref<1x640x128xf32, #tpu.memory_space<hbm>>
      %dma_start3A_50 = tpu.memref_squeeze %dma_start3A_49 : memref<1x640x128xf32, #tpu.memory_space<hbm>> -> memref<640x128xf32, #tpu.memory_space<hbm>>
      %dma_start3A_51 = arith.constant 0 : i32
      %dma_start3A_52 = tpu.memref_slice %arg7[%mul3A_45, %dma_start3A_51] : memref<10240x128xf32, #tpu.memory_space<vmem_shared>> -> memref<640x128xf32, #tpu.memory_space<vmem_shared>>
      tpu.enqueue_dma source(%dma_start3A_52 : memref<640x128xf32, #tpu.memory_space<vmem_shared>>) target(%dma_start3A_50 : memref<640x128xf32, #tpu.memory_space<hbm>>) target_semaphore(%run_scoped3A : memref<!tpu.dma_semaphore, #tpu.memory_space<semaphore_mem>>)
      %dma_wait3A_53 = arith.constant 0 : i32
      %dma_wait3A_54 = tpu.memref_slice %arg6[%arg0, %mul3A_47, %dma_wait3A_53] : memref<2x10240x128xf32, #tpu.memory_space<hbm>> -> memref<1x640x128xf32, #tpu.memory_space<hbm>>
      %dma_wait3A_55 = tpu.memref_squeeze %dma_wait3A_54 : memref<1x640x128xf32, #tpu.memory_space<hbm>> -> memref<640x128xf32, #tpu.memory_space<hbm>>
      %dma_wait3A_56 = arith.constant 0 : i32
      %dma_wait3A_57 = tpu.memref_slice %arg7[%mul3A_45, %dma_wait3A_56] : memref<10240x128xf32, #tpu.memory_space<vmem_shared>> -> memref<640x128xf32, #tpu.memory_space<vmem_shared>>
      tpu.wait_dma2 semaphore(%run_scoped3A : memref<!tpu.dma_semaphore, #tpu.memory_space<semaphore_mem>>) src(%dma_wait3A_57 : memref<640x128xf32, #tpu.memory_space<vmem_shared>>) dst(%dma_wait3A_55 : memref<640x128xf32, #tpu.memory_space<hbm>>)
      tpu.yield
    }) : () -> ()
    return
  }
}

#map = affine_map<(d0, d1) -> (0, 0)>
module attributes {stable_mosaic.version = 14 : i64} {
  func.func @k(%arg0: i32, %arg1: i32, %arg2: memref<20480x128xf32, #tpu.memory_space<hbm>>, %arg3: memref<1x327680xi32, #tpu.memory_space<hbm>>, %arg4: memref<327680x128xf32, #tpu.memory_space<hbm>>) attributes {dimension_semantics = [#tpu.dimension_semantics<core_parallel>, #tpu.dimension_semantics<subcore_parallel>], iteration_bounds = array<i64: 2, 16>, scalar_prefetch = 0 : i64, scratch_operands = 0 : i64, tpu.core_type = #tpu.core_type<sc_vector_subcore>, window_params = [{transform_indices = #map}, {transform_indices = #map}, {transform_indices = #map}]} {
    %mul3A = arith.constant 1 : i32
    %mul3A_0 = arith.muli %arg1, %mul3A : i32
    %add3A = arith.constant 0 : i32
    %add3A_1 = arith.addi %add3A, %mul3A_0 : i32
    %mul3A_2 = arith.constant 16 : i32
    %mul3A_3 = arith.muli %arg0, %mul3A_2 : i32
    %add3A_4 = arith.addi %add3A_1, %mul3A_3 : i32
    %mul3A_5 = arith.constant 80 : i32
    %mul3A_6 = arith.muli %add3A_4, %mul3A_5 : i32
    "tpu.region"() ({
      %run_scoped3A = memref.alloca() : memref<2x1x128xi32, #tpu.memory_space<vmem>>
      %run_scoped3A_7 = tpu.sem_alloc : memref<2x!tpu.dma_semaphore, #tpu.memory_space<semaphore_mem>>
      %run_scoped3A_8 = memref.alloca() : memref<2x128x128xf32, #tpu.memory_space<vmem>>
      %run_scoped3A_9 = tpu.sem_alloc : memref<2x!tpu.dma_semaphore, #tpu.memory_space<semaphore_mem>>
      %add3A_10 = arith.constant 0 : i32
      %add3A_11 = arith.addi %add3A_10, %mul3A_6 : i32
      %select_n3A = arith.constant true
      %select_n3A_12 = arith.constant 0 : i32
      %select_n3A_13 = arith.constant -1 : i32
      %select_n3A_14 = arith.select %select_n3A, %select_n3A_13, %select_n3A_12 : i32
      %eq3A = arith.constant -1 : i32
      %eq3A_15 = arith.cmpi eq, %select_n3A_14, %eq3A : i32
      %select_n3A_16 = arith.constant 79 : i32
      %select_n3A_17 = arith.select %eq3A_15, %select_n3A_16, %select_n3A_14 : i32
      %add3A_18 = arith.addi %select_n3A_17, %mul3A_6 : i32
      %select_n3A_19 = arith.constant true
      %select_n3A_20 = arith.constant 0 : i32
      %select_n3A_21 = arith.constant 1 : i32
      %select_n3A_22 = arith.select %select_n3A_19, %select_n3A_21, %select_n3A_20 : i32
      %eq3A_23 = arith.constant 80 : i32
      %eq3A_24 = arith.cmpi eq, %select_n3A_22, %eq3A_23 : i32
      %select_n3A_25 = arith.constant 0 : i32
      %select_n3A_26 = arith.select %eq3A_24, %select_n3A_25, %select_n3A_22 : i32
      %add3A_27 = arith.addi %select_n3A_26, %mul3A_6 : i32
      %add3A_28 = arith.constant 1 : i32
      %add3A_29 = arith.addi %select_n3A_26, %add3A_28 : i32
      %select_n3A_30 = arith.constant true
      %select_n3A_31 = arith.select %select_n3A_30, %add3A_29, %select_n3A_26 : i32
      %eq3A_32 = arith.constant 80 : i32
      %eq3A_33 = arith.cmpi eq, %select_n3A_31, %eq3A_32 : i32
      %select_n3A_34 = arith.constant 0 : i32
      %select_n3A_35 = arith.select %eq3A_33, %select_n3A_34, %select_n3A_31 : i32
      %add3A_36 = arith.addi %select_n3A_35, %mul3A_6 : i32
      "tpu.trace_start"() <{level = 10 : i32, message = "ep_initialize_0"}> : () -> ()
      %rem3A = arith.constant 0 : i32
      %rem3A_37 = arith.constant 2 : i32
      %rem3A_38 = arith.remui %rem3A, %rem3A_37 : i32
      %mul3A_39 = arith.constant 128 : i32
      %mul3A_40 = arith.muli %mul3A_39, %add3A_11 : i32
      %dma_start3A = arith.constant 0 : i32
      %dma_start3A_41 = arith.constant 0 : i32
      %dma_start3A_42 = tpu.memref_slice %run_scoped3A[%rem3A_38, %dma_start3A, %dma_start3A_41] : memref<2x1x128xi32, #tpu.memory_space<vmem>> -> memref<1x1x128xi32, #tpu.memory_space<vmem>>
      %dma_start3A_43 = tpu.memref_squeeze %dma_start3A_42 : memref<1x1x128xi32, #tpu.memory_space<vmem>> -> memref<1x128xi32, #tpu.memory_space<vmem>>
      %dma_start3A_44 = arith.constant 0 : i32
      %dma_start3A_45 = tpu.memref_slice %arg3[%dma_start3A_44, %mul3A_40] : memref<1x327680xi32, #tpu.memory_space<hbm>> -> memref<1x128xi32, #tpu.memory_space<hbm>>
      %dma_start3A_46 = tpu.memref_slice %run_scoped3A_7[%rem3A_38] : memref<2x!tpu.dma_semaphore, #tpu.memory_space<semaphore_mem>> -> memref<1x!tpu.dma_semaphore, #tpu.memory_space<semaphore_mem>>
      %dma_start3A_47 = tpu.memref_squeeze %dma_start3A_46 : memref<1x!tpu.dma_semaphore, #tpu.memory_space<semaphore_mem>> -> memref<!tpu.dma_semaphore, #tpu.memory_space<semaphore_mem>>
      %dma_start3A_48 = arith.constant 0 : i32
      %dma_start3A_49 = arith.constant 0 : i32
      %dma_start3A_50 = tpu.memref_slice %run_scoped3A[%rem3A_38, %dma_start3A_48, %dma_start3A_49] : memref<2x1x128xi32, #tpu.memory_space<vmem>> -> memref<1x1x128xi32, #tpu.memory_space<vmem>>
      %dma_start3A_51 = tpu.memref_squeeze %dma_start3A_50 : memref<1x1x128xi32, #tpu.memory_space<vmem>> -> memref<1x128xi32, #tpu.memory_space<vmem>>
      %dma_start3A_52 = arith.constant 0 : i32
      %dma_start3A_53 = tpu.memref_slice %arg3[%dma_start3A_52, %mul3A_40] : memref<1x327680xi32, #tpu.memory_space<hbm>> -> memref<1x128xi32, #tpu.memory_space<hbm>>
      tpu.enqueue_dma source(%dma_start3A_53 : memref<1x128xi32, #tpu.memory_space<hbm>>) target(%dma_start3A_51 : memref<1x128xi32, #tpu.memory_space<vmem>>) target_semaphore(%dma_start3A_47 : memref<!tpu.dma_semaphore, #tpu.memory_space<semaphore_mem>>)
      %add3A_54 = arith.constant 0 : i32
      %add3A_55 = arith.constant 1 : i32
      %add3A_56 = arith.addi %add3A_54, %add3A_55 : i32
      %select_n3A_57 = arith.constant true
      %select_n3A_58 = arith.constant 0 : i32
      %select_n3A_59 = arith.select %select_n3A_57, %add3A_56, %select_n3A_58 : i32
      "tpu.trace_stop"() : () -> ()
      %scan3A = arith.constant 0 : i32
      %scan3A_60 = arith.constant 0 : i32
      %scan3A_61 = arith.constant 0 : i32
      %scan3A_62 = arith.constant 0 : i32
      %scan3A_63 = arith.constant 0 : i32
      %scan3A_64 = arith.constant 80 : i32
      %scan3A_65 = arith.addi %scan3A_63, %scan3A_64 : i32
      %scan3A_66 = arith.constant 1 : i32
      %scan3A_67:5 = scf.for %scan3A_121 = %scan3A_63 to %scan3A_65 step %scan3A_66 iter_args(%scan3A_122 = %select_n3A_59, %scan3A_123 = %scan3A, %scan3A_124 = %scan3A_60, %scan3A_125 = %scan3A_61, %scan3A_126 = %scan3A_62) -> (i32, i32, i32, i32, i32)  : i32 {
        %eq3A_127 = arith.constant 0 : i32
        %eq3A_128 = arith.cmpi eq, %scan3A_121, %eq3A_127 : i32
        %eq3A_129 = arith.constant 79 : i32
        %eq3A_130 = arith.cmpi eq, %scan3A_121, %eq3A_129 : i32
        %add3A_131 = arith.addi %scan3A_126, %mul3A_6 : i32
        %sub3A_132 = arith.constant 1 : i32
        %sub3A_133 = arith.subi %scan3A_126, %sub3A_132 : i32
        %select_n3A_134 = arith.constant true
        %select_n3A_135 = arith.select %select_n3A_134, %sub3A_133, %scan3A_126 : i32
        %eq3A_136 = arith.constant -1 : i32
        %eq3A_137 = arith.cmpi eq, %select_n3A_135, %eq3A_136 : i32
        %select_n3A_138 = arith.constant 79 : i32
        %select_n3A_139 = arith.select %eq3A_137, %select_n3A_138, %select_n3A_135 : i32
        %add3A_140 = arith.addi %select_n3A_139, %mul3A_6 : i32
        %add3A_141 = arith.constant 1 : i32
        %add3A_142 = arith.addi %scan3A_126, %add3A_141 : i32
        %select_n3A_143 = arith.constant true
        %select_n3A_144 = arith.select %select_n3A_143, %add3A_142, %scan3A_126 : i32
        %eq3A_145 = arith.constant 80 : i32
        %eq3A_146 = arith.cmpi eq, %select_n3A_144, %eq3A_145 : i32
        %select_n3A_147 = arith.constant 0 : i32
        %select_n3A_148 = arith.select %eq3A_146, %select_n3A_147, %select_n3A_144 : i32
        %add3A_149 = arith.addi %select_n3A_148, %mul3A_6 : i32
        %add3A_150 = arith.constant 1 : i32
        %add3A_151 = arith.addi %select_n3A_148, %add3A_150 : i32
        %select_n3A_152 = arith.constant true
        %select_n3A_153 = arith.select %select_n3A_152, %add3A_151, %select_n3A_148 : i32
        %eq3A_154 = arith.constant 80 : i32
        %eq3A_155 = arith.cmpi eq, %select_n3A_153, %eq3A_154 : i32
        %select_n3A_156 = arith.constant 0 : i32
        %select_n3A_157 = arith.select %eq3A_155, %select_n3A_156, %select_n3A_153 : i32
        %add3A_158 = arith.addi %select_n3A_157, %mul3A_6 : i32
        %ne3A = arith.cmpi ne, %add3A_131, %add3A_149 : i32
        %or3A = arith.constant false
        %or3A_159 = arith.ori %or3A, %ne3A : i1
        %ge3A = arith.constant 79 : i32
        %ge3A_160 = arith.cmpi sge, %scan3A_121, %ge3A : i32
        %not3A = arith.constant true
        %not3A_161 = arith.xori %ge3A_160, %not3A : i1
        %and3A = arith.andi %or3A_159, %not3A_161 : i1
        %convert_element_type3A = arith.extui %and3A : i1 to i32
        %cond3A = arith.constant 0 : i32
        %cond3A_162 = arith.cmpi ne, %convert_element_type3A, %cond3A : i32
        scf.if %cond3A_162 {
          "tpu.trace_start"() <{level = 10 : i32, message = "ep_copy_in"}> : () -> ()
          %rem3A_264 = arith.constant 2 : i32
          %rem3A_265 = arith.remui %scan3A_122, %rem3A_264 : i32
          %mul3A_266 = arith.constant 128 : i32
          %mul3A_267 = arith.muli %mul3A_266, %add3A_149 : i32
          %dma_start3A_268 = arith.constant 0 : i32
          %dma_start3A_269 = arith.constant 0 : i32
          %dma_start3A_270 = tpu.memref_slice %run_scoped3A[%rem3A_265, %dma_start3A_268, %dma_start3A_269] : memref<2x1x128xi32, #tpu.memory_space<vmem>> -> memref<1x1x128xi32, #tpu.memory_space<vmem>>
          %dma_start3A_271 = tpu.memref_squeeze %dma_start3A_270 : memref<1x1x128xi32, #tpu.memory_space<vmem>> -> memref<1x128xi32, #tpu.memory_space<vmem>>
          %dma_start3A_272 = arith.constant 0 : i32
          %dma_start3A_273 = tpu.memref_slice %arg3[%dma_start3A_272, %mul3A_267] : memref<1x327680xi32, #tpu.memory_space<hbm>> -> memref<1x128xi32, #tpu.memory_space<hbm>>
          %dma_start3A_274 = tpu.memref_slice %run_scoped3A_7[%rem3A_265] : memref<2x!tpu.dma_semaphore, #tpu.memory_space<semaphore_mem>> -> memref<1x!tpu.dma_semaphore, #tpu.memory_space<semaphore_mem>>
          %dma_start3A_275 = tpu.memref_squeeze %dma_start3A_274 : memref<1x!tpu.dma_semaphore, #tpu.memory_space<semaphore_mem>> -> memref<!tpu.dma_semaphore, #tpu.memory_space<semaphore_mem>>
          %dma_start3A_276 = arith.constant 0 : i32
          %dma_start3A_277 = arith.constant 0 : i32
          %dma_start3A_278 = tpu.memref_slice %run_scoped3A[%rem3A_265, %dma_start3A_276, %dma_start3A_277] : memref<2x1x128xi32, #tpu.memory_space<vmem>> -> memref<1x1x128xi32, #tpu.memory_space<vmem>>
          %dma_start3A_279 = tpu.memref_squeeze %dma_start3A_278 : memref<1x1x128xi32, #tpu.memory_space<vmem>> -> memref<1x128xi32, #tpu.memory_space<vmem>>
          %dma_start3A_280 = arith.constant 0 : i32
          %dma_start3A_281 = tpu.memref_slice %arg3[%dma_start3A_280, %mul3A_267] : memref<1x327680xi32, #tpu.memory_space<hbm>> -> memref<1x128xi32, #tpu.memory_space<hbm>>
          tpu.enqueue_dma source(%dma_start3A_281 : memref<1x128xi32, #tpu.memory_space<hbm>>) target(%dma_start3A_279 : memref<1x128xi32, #tpu.memory_space<vmem>>) target_semaphore(%dma_start3A_275 : memref<!tpu.dma_semaphore, #tpu.memory_space<semaphore_mem>>)
          "tpu.trace_stop"() : () -> ()
        } else {
        }
        %and3A_163 = arith.constant true
        %and3A_164 = arith.andi %and3A, %and3A_163 : i1
        %add3A_165 = arith.constant 1 : i32
        %add3A_166 = arith.addi %scan3A_122, %add3A_165 : i32
        %select_n3A_167 = arith.select %and3A_164, %add3A_166, %scan3A_122 : i32
        %ne3A_168 = arith.cmpi ne, %add3A_131, %add3A_149 : i32
        %or3A_169 = arith.constant false
        %or3A_170 = arith.ori %or3A_169, %ne3A_168 : i1
        %or3A_171 = arith.constant false
        %or3A_172 = arith.ori %or3A_170, %or3A_171 : i1
        %ge3A_173 = arith.constant 79 : i32
        %ge3A_174 = arith.cmpi sge, %scan3A_121, %ge3A_173 : i32
        %not3A_175 = arith.constant true
        %not3A_176 = arith.xori %ge3A_174, %not3A_175 : i1
        %and3A_177 = arith.andi %or3A_172, %not3A_176 : i1
        %ne3A_178 = arith.cmpi ne, %add3A_131, %add3A_140 : i32
        %or3A_179 = arith.constant false
        %or3A_180 = arith.ori %or3A_179, %ne3A_178 : i1
        %or3A_181 = arith.ori %or3A_180, %eq3A_128 : i1
        %convert_element_type3A_182 = arith.extui %or3A_181 : i1 to i32
        %cond3A_183 = arith.constant 0 : i32
        %cond3A_184 = arith.cmpi ne, %convert_element_type3A_182, %cond3A_183 : i32
        scf.if %cond3A_184 {
          "tpu.trace_start"() <{level = 10 : i32, message = "ep_wait_in"}> : () -> ()
          %mul3A_264 = arith.constant 128 : i32
          %mul3A_265 = arith.muli %mul3A_264, %add3A_131 : i32
          %rem3A_266 = arith.constant 2 : i32
          %rem3A_267 = arith.remui %scan3A_123, %rem3A_266 : i32
          %dma_wait3A_268 = arith.constant 0 : i32
          %dma_wait3A_269 = arith.constant 0 : i32
          %dma_wait3A_270 = tpu.memref_slice %run_scoped3A[%rem3A_267, %dma_wait3A_268, %dma_wait3A_269] : memref<2x1x128xi32, #tpu.memory_space<vmem>> -> memref<1x1x128xi32, #tpu.memory_space<vmem>>
          %dma_wait3A_271 = tpu.memref_squeeze %dma_wait3A_270 : memref<1x1x128xi32, #tpu.memory_space<vmem>> -> memref<1x128xi32, #tpu.memory_space<vmem>>
          %dma_wait3A_272 = arith.constant 0 : i32
          %dma_wait3A_273 = tpu.memref_slice %arg3[%dma_wait3A_272, %mul3A_265] : memref<1x327680xi32, #tpu.memory_space<hbm>> -> memref<1x128xi32, #tpu.memory_space<hbm>>
          %dma_wait3A_274 = tpu.memref_slice %run_scoped3A_7[%rem3A_267] : memref<2x!tpu.dma_semaphore, #tpu.memory_space<semaphore_mem>> -> memref<1x!tpu.dma_semaphore, #tpu.memory_space<semaphore_mem>>
          %dma_wait3A_275 = tpu.memref_squeeze %dma_wait3A_274 : memref<1x!tpu.dma_semaphore, #tpu.memory_space<semaphore_mem>> -> memref<!tpu.dma_semaphore, #tpu.memory_space<semaphore_mem>>
          %dma_wait3A_276 = arith.constant 0 : i32
          %dma_wait3A_277 = arith.constant 0 : i32
          %dma_wait3A_278 = tpu.memref_slice %run_scoped3A[%rem3A_267, %dma_wait3A_276, %dma_wait3A_277] : memref<2x1x128xi32, #tpu.memory_space<vmem>> -> memref<1x1x128xi32, #tpu.memory_space<vmem>>
          %dma_wait3A_279 = tpu.memref_squeeze %dma_wait3A_278 : memref<1x1x128xi32, #tpu.memory_space<vmem>> -> memref<1x128xi32, #tpu.memory_space<vmem>>
          %dma_wait3A_280 = arith.constant 0 : i32
          %dma_wait3A_281 = tpu.memref_slice %arg3[%dma_wait3A_280, %mul3A_265] : memref<1x327680xi32, #tpu.memory_space<hbm>> -> memref<1x128xi32, #tpu.memory_space<hbm>>
          tpu.wait_dma2 semaphore(%dma_wait3A_275 : memref<!tpu.dma_semaphore, #tpu.memory_space<semaphore_mem>>) src(%dma_wait3A_281 : memref<1x128xi32, #tpu.memory_space<hbm>>) dst(%dma_wait3A_279 : memref<1x128xi32, #tpu.memory_space<vmem>>)
          "tpu.trace_stop"() : () -> ()
        } else {
        }
        %ne3A_185 = arith.cmpi ne, %add3A_131, %add3A_140 : i32
        %or3A_186 = arith.constant false
        %or3A_187 = arith.ori %or3A_186, %ne3A_185 : i1
        %or3A_188 = arith.constant false
        %or3A_189 = arith.ori %or3A_187, %or3A_188 : i1
        %or3A_190 = arith.ori %or3A_189, %eq3A_128 : i1
        %convert_element_type3A_191 = arith.extui %or3A_190 : i1 to i32
        %cond3A_192 = arith.constant 0 : i32
        %cond3A_193 = arith.cmpi ne, %convert_element_type3A_191, %cond3A_192 : i32
        scf.if %cond3A_193 {
        } else {
        }
        %rem3A_194 = arith.constant 2 : i32
        %rem3A_195 = arith.remui %scan3A_123, %rem3A_194 : i32
        %rem3A_196 = arith.constant 2 : i32
        %rem3A_197 = arith.remui %scan3A_124, %rem3A_196 : i32
        %run_scoped3A_198 = arith.constant 0 : i32
        "tpu.trace_start"() <{level = 10 : i32, message = "ep_run_kernel"}> : () -> ()
        "tpu.region"() ({
          %run_scoped3A_264 = tpu.sem_alloc : memref<!tpu.dma_semaphore, #tpu.memory_space<semaphore_mem>>
          %dma_start3A_265 = arith.constant 0 : i32
          %dma_start3A_266 = arith.constant 0 : i32
          %dma_start3A_267 = tpu.memref_slice %run_scoped3A_8[%rem3A_197, %dma_start3A_265, %dma_start3A_266] : memref<2x128x128xf32, #tpu.memory_space<vmem>> -> memref<1x128x128xf32, #tpu.memory_space<vmem>>
          %dma_start3A_268 = tpu.memref_squeeze %dma_start3A_267 : memref<1x128x128xf32, #tpu.memory_space<vmem>> -> memref<128x128xf32, #tpu.memory_space<vmem>>
          %dma_start3A_269 = arith.constant 0 : i32
          %dma_start3A_270 = arith.constant 0 : i32
          %dma_start3A_271 = tpu.memref_slice %run_scoped3A[%rem3A_195, %dma_start3A_269, %dma_start3A_270] : memref<2x1x128xi32, #tpu.memory_space<vmem>> -> memref<1x1x128xi32, #tpu.memory_space<vmem>>
          %dma_start3A_272 = tpu.memref_squeeze %dma_start3A_271 : memref<1x1x128xi32, #tpu.memory_space<vmem>> -> memref<1x128xi32, #tpu.memory_space<vmem>>
          %dma_start3A_273 = arith.constant 0 : i32
          %dma_start3A_274 = tpu.memref_slice %dma_start3A_272[%run_scoped3A_198, %dma_start3A_273] : memref<1x128xi32, #tpu.memory_space<vmem>> -> memref<1x128xi32, #tpu.memory_space<vmem>>
          %dma_start3A_275 = tpu.memref_squeeze %dma_start3A_274 : memref<1x128xi32, #tpu.memory_space<vmem>> -> memref<128xi32, #tpu.memory_space<vmem>>
          %dma_start3A_276 = arith.constant 0 : i32
          %dma_start3A_277 = arith.constant 0 : i32
          %dma_start3A_278 = tpu.memref_slice %arg2[%dma_start3A_276, %dma_start3A_277] : memref<20480x128xf32, #tpu.memory_space<hbm>> -> memref<20480x128xf32, #tpu.memory_space<hbm>>
          tpu.enqueue_indirect_dma source(%dma_start3A_278 : memref<20480x128xf32, #tpu.memory_space<hbm>>) target(%dma_start3A_268 : memref<128x128xf32, #tpu.memory_space<vmem>>) offsets(%dma_start3A_275 : memref<128xi32, #tpu.memory_space<vmem>>) semaphore(%run_scoped3A_264 : memref<!tpu.dma_semaphore, #tpu.memory_space<semaphore_mem>>)
          %dma_wait3A_279 = arith.constant 0 : i32
          %dma_wait3A_280 = arith.constant 0 : i32
          %dma_wait3A_281 = tpu.memref_slice %run_scoped3A_8[%rem3A_197, %dma_wait3A_279, %dma_wait3A_280] : memref<2x128x128xf32, #tpu.memory_space<vmem>> -> memref<1x128x128xf32, #tpu.memory_space<vmem>>
          %dma_wait3A_282 = tpu.memref_squeeze %dma_wait3A_281 : memref<1x128x128xf32, #tpu.memory_space<vmem>> -> memref<128x128xf32, #tpu.memory_space<vmem>>
          %dma_wait3A_283 = arith.constant 0 : i32
          %dma_wait3A_284 = arith.constant 0 : i32
          %dma_wait3A_285 = tpu.memref_slice %run_scoped3A[%rem3A_195, %dma_wait3A_283, %dma_wait3A_284] : memref<2x1x128xi32, #tpu.memory_space<vmem>> -> memref<1x1x128xi32, #tpu.memory_space<vmem>>
          %dma_wait3A_286 = tpu.memref_squeeze %dma_wait3A_285 : memref<1x1x128xi32, #tpu.memory_space<vmem>> -> memref<1x128xi32, #tpu.memory_space<vmem>>
          %dma_wait3A_287 = arith.constant 0 : i32
          %dma_wait3A_288 = tpu.memref_slice %dma_wait3A_286[%run_scoped3A_198, %dma_wait3A_287] : memref<1x128xi32, #tpu.memory_space<vmem>> -> memref<1x128xi32, #tpu.memory_space<vmem>>
          %dma_wait3A_289 = tpu.memref_squeeze %dma_wait3A_288 : memref<1x128xi32, #tpu.memory_space<vmem>> -> memref<128xi32, #tpu.memory_space<vmem>>
          %dma_wait3A_290 = arith.constant 0 : i32
          %dma_wait3A_291 = arith.constant 0 : i32
          %dma_wait3A_292 = tpu.memref_slice %arg2[%dma_wait3A_290, %dma_wait3A_291] : memref<20480x128xf32, #tpu.memory_space<hbm>> -> memref<20480x128xf32, #tpu.memory_space<hbm>>
          tpu.wait_indirect_dma semaphore(%run_scoped3A_264 : memref<!tpu.dma_semaphore, #tpu.memory_space<semaphore_mem>>) src(%dma_wait3A_292 : memref<20480x128xf32, #tpu.memory_space<hbm>>) dst(%dma_wait3A_282 : memref<128x128xf32, #tpu.memory_space<vmem>>)
          tpu.yield
        }) : () -> ()
        "tpu.trace_stop"() : () -> ()
        %ne3A_199 = arith.cmpi ne, %add3A_131, %add3A_149 : i32
        %or3A_200 = arith.constant false
        %or3A_201 = arith.ori %or3A_200, %ne3A_199 : i1
        %or3A_202 = arith.ori %or3A_201, %eq3A_130 : i1
        %convert_element_type3A_203 = arith.extui %or3A_202 : i1 to i32
        %cond3A_204 = arith.constant 0 : i32
        %cond3A_205 = arith.cmpi ne, %convert_element_type3A_203, %cond3A_204 : i32
        scf.if %cond3A_205 {
        } else {
        }
        %and3A_206 = arith.constant false
        %and3A_207 = arith.andi %or3A_202, %and3A_206 : i1
        %ne3A_208 = arith.cmpi ne, %add3A_131, %add3A_149 : i32
        %or3A_209 = arith.constant false
        %or3A_210 = arith.ori %or3A_209, %ne3A_208 : i1
        %or3A_211 = arith.constant false
        %or3A_212 = arith.ori %or3A_210, %or3A_211 : i1
        %or3A_213 = arith.ori %or3A_212, %eq3A_130 : i1
        %convert_element_type3A_214 = arith.extui %or3A_213 : i1 to i32
        %cond3A_215 = arith.constant 0 : i32
        %cond3A_216 = arith.cmpi ne, %convert_element_type3A_214, %cond3A_215 : i32
        scf.if %cond3A_216 {
          "tpu.trace_start"() <{level = 10 : i32, message = "ep_copy_out"}> : () -> ()
          %rem3A_264 = arith.constant 2 : i32
          %rem3A_265 = arith.remui %scan3A_124, %rem3A_264 : i32
          %mul3A_266 = arith.constant 128 : i32
          %mul3A_267 = arith.muli %mul3A_266, %add3A_131 : i32
          %dma_start3A_268 = arith.constant 0 : i32
          %dma_start3A_269 = arith.constant 0 : i32
          %dma_start3A_270 = tpu.memref_slice %run_scoped3A_8[%rem3A_265, %dma_start3A_268, %dma_start3A_269] : memref<2x128x128xf32, #tpu.memory_space<vmem>> -> memref<1x128x128xf32, #tpu.memory_space<vmem>>
          %dma_start3A_271 = tpu.memref_squeeze %dma_start3A_270 : memref<1x128x128xf32, #tpu.memory_space<vmem>> -> memref<128x128xf32, #tpu.memory_space<vmem>>
          %dma_start3A_272 = arith.constant 0 : i32
          %dma_start3A_273 = tpu.memref_slice %arg4[%mul3A_267, %dma_start3A_272] : memref<327680x128xf32, #tpu.memory_space<hbm>> -> memref<128x128xf32, #tpu.memory_space<hbm>>
          %dma_start3A_274 = tpu.memref_slice %run_scoped3A_9[%rem3A_265] : memref<2x!tpu.dma_semaphore, #tpu.memory_space<semaphore_mem>> -> memref<1x!tpu.dma_semaphore, #tpu.memory_space<semaphore_mem>>
          %dma_start3A_275 = tpu.memref_squeeze %dma_start3A_274 : memref<1x!tpu.dma_semaphore, #tpu.memory_space<semaphore_mem>> -> memref<!tpu.dma_semaphore, #tpu.memory_space<semaphore_mem>>
          %dma_start3A_276 = arith.constant 0 : i32
          %dma_start3A_277 = tpu.memref_slice %arg4[%mul3A_267, %dma_start3A_276] : memref<327680x128xf32, #tpu.memory_space<hbm>> -> memref<128x128xf32, #tpu.memory_space<hbm>>
          %dma_start3A_278 = arith.constant 0 : i32
          %dma_start3A_279 = arith.constant 0 : i32
          %dma_start3A_280 = tpu.memref_slice %run_scoped3A_8[%rem3A_265, %dma_start3A_278, %dma_start3A_279] : memref<2x128x128xf32, #tpu.memory_space<vmem>> -> memref<1x128x128xf32, #tpu.memory_space<vmem>>
          %dma_start3A_281 = tpu.memref_squeeze %dma_start3A_280 : memref<1x128x128xf32, #tpu.memory_space<vmem>> -> memref<128x128xf32, #tpu.memory_space<vmem>>
          tpu.enqueue_dma source(%dma_start3A_281 : memref<128x128xf32, #tpu.memory_space<vmem>>) target(%dma_start3A_277 : memref<128x128xf32, #tpu.memory_space<hbm>>) target_semaphore(%dma_start3A_275 : memref<!tpu.dma_semaphore, #tpu.memory_space<semaphore_mem>>)
          "tpu.trace_stop"() : () -> ()
        } else {
        }
        %and3A_217 = arith.constant true
        %and3A_218 = arith.andi %or3A_213, %and3A_217 : i1
        %add3A_219 = arith.constant 1 : i32
        %add3A_220 = arith.addi %scan3A_124, %add3A_219 : i32
        %select_n3A_221 = arith.select %and3A_218, %add3A_220, %scan3A_124 : i32
        %ne3A_222 = arith.cmpi ne, %add3A_131, %add3A_140 : i32
        %or3A_223 = arith.constant false
        %or3A_224 = arith.ori %or3A_223, %ne3A_222 : i1
        %not3A_225 = arith.constant true
        %not3A_226 = arith.xori %eq3A_128, %not3A_225 : i1
        %and3A_227 = arith.andi %or3A_224, %not3A_226 : i1
        %convert_element_type3A_228 = arith.extui %and3A_227 : i1 to i32
        %cond3A_229 = arith.constant 0 : i32
        %cond3A_230 = arith.cmpi ne, %convert_element_type3A_228, %cond3A_229 : i32
        scf.if %cond3A_230 {
        } else {
        }
        %and3A_231 = arith.constant false
        %and3A_232 = arith.andi %and3A_227, %and3A_231 : i1
        %ne3A_233 = arith.cmpi ne, %add3A_131, %add3A_140 : i32
        %or3A_234 = arith.constant false
        %or3A_235 = arith.ori %or3A_234, %ne3A_233 : i1
        %or3A_236 = arith.constant false
        %or3A_237 = arith.ori %or3A_235, %or3A_236 : i1
        %not3A_238 = arith.constant true
        %not3A_239 = arith.xori %eq3A_128, %not3A_238 : i1
        %and3A_240 = arith.andi %or3A_237, %not3A_239 : i1
        %convert_element_type3A_241 = arith.extui %and3A_240 : i1 to i32
        %cond3A_242 = arith.constant 0 : i32
        %cond3A_243 = arith.cmpi ne, %convert_element_type3A_241, %cond3A_242 : i32
        scf.if %cond3A_243 {
          "tpu.trace_start"() <{level = 10 : i32, message = "ep_wait_out"}> : () -> ()
          %rem3A_264 = arith.constant 2 : i32
          %rem3A_265 = arith.remui %scan3A_125, %rem3A_264 : i32
          %mul3A_266 = arith.constant 128 : i32
          %mul3A_267 = arith.muli %mul3A_266, %add3A_140 : i32
          %dma_wait3A_268 = arith.constant 0 : i32
          %dma_wait3A_269 = arith.constant 0 : i32
          %dma_wait3A_270 = tpu.memref_slice %run_scoped3A_8[%rem3A_265, %dma_wait3A_268, %dma_wait3A_269] : memref<2x128x128xf32, #tpu.memory_space<vmem>> -> memref<1x128x128xf32, #tpu.memory_space<vmem>>
          %dma_wait3A_271 = tpu.memref_squeeze %dma_wait3A_270 : memref<1x128x128xf32, #tpu.memory_space<vmem>> -> memref<128x128xf32, #tpu.memory_space<vmem>>
          %dma_wait3A_272 = arith.constant 0 : i32
          %dma_wait3A_273 = tpu.memref_slice %arg4[%mul3A_267, %dma_wait3A_272] : memref<327680x128xf32, #tpu.memory_space<hbm>> -> memref<128x128xf32, #tpu.memory_space<hbm>>
          %dma_wait3A_274 = tpu.memref_slice %run_scoped3A_9[%rem3A_265] : memref<2x!tpu.dma_semaphore, #tpu.memory_space<semaphore_mem>> -> memref<1x!tpu.dma_semaphore, #tpu.memory_space<semaphore_mem>>
          %dma_wait3A_275 = tpu.memref_squeeze %dma_wait3A_274 : memref<1x!tpu.dma_semaphore, #tpu.memory_space<semaphore_mem>> -> memref<!tpu.dma_semaphore, #tpu.memory_space<semaphore_mem>>
          %dma_wait3A_276 = arith.constant 0 : i32
          %dma_wait3A_277 = tpu.memref_slice %arg4[%mul3A_267, %dma_wait3A_276] : memref<327680x128xf32, #tpu.memory_space<hbm>> -> memref<128x128xf32, #tpu.memory_space<hbm>>
          %dma_wait3A_278 = arith.constant 0 : i32
          %dma_wait3A_279 = arith.constant 0 : i32
          %dma_wait3A_280 = tpu.memref_slice %run_scoped3A_8[%rem3A_265, %dma_wait3A_278, %dma_wait3A_279] : memref<2x128x128xf32, #tpu.memory_space<vmem>> -> memref<1x128x128xf32, #tpu.memory_space<vmem>>
          %dma_wait3A_281 = tpu.memref_squeeze %dma_wait3A_280 : memref<1x128x128xf32, #tpu.memory_space<vmem>> -> memref<128x128xf32, #tpu.memory_space<vmem>>
          tpu.wait_dma2 semaphore(%dma_wait3A_275 : memref<!tpu.dma_semaphore, #tpu.memory_space<semaphore_mem>>) src(%dma_wait3A_281 : memref<128x128xf32, #tpu.memory_space<vmem>>) dst(%dma_wait3A_277 : memref<128x128xf32, #tpu.memory_space<hbm>>)
          "tpu.trace_stop"() : () -> ()
        } else {
        }
        %and3A_244 = arith.constant true
        %and3A_245 = arith.andi %and3A_240, %and3A_244 : i1
        %add3A_246 = arith.constant 1 : i32
        %add3A_247 = arith.addi %scan3A_125, %add3A_246 : i32
        %select_n3A_248 = arith.select %and3A_245, %add3A_247, %scan3A_125 : i32
        %ne3A_249 = arith.cmpi ne, %add3A_131, %add3A_149 : i32
        %or3A_250 = arith.constant false
        %or3A_251 = arith.ori %or3A_250, %ne3A_249 : i1
        %or3A_252 = arith.ori %or3A_251, %eq3A_130 : i1
        %add3A_253 = arith.constant 1 : i32
        %add3A_254 = arith.addi %scan3A_123, %add3A_253 : i32
        %select_n3A_255 = arith.select %or3A_252, %add3A_254, %scan3A_123 : i32
        %add3A_256 = arith.constant 1 : i32
        %add3A_257 = arith.addi %scan3A_126, %add3A_256 : i32
        %select_n3A_258 = arith.constant true
        %select_n3A_259 = arith.select %select_n3A_258, %add3A_257, %scan3A_126 : i32
        %eq3A_260 = arith.constant 80 : i32
        %eq3A_261 = arith.cmpi eq, %select_n3A_259, %eq3A_260 : i32
        %select_n3A_262 = arith.constant 0 : i32
        %select_n3A_263 = arith.select %eq3A_261, %select_n3A_262, %select_n3A_259 : i32
        scf.yield %select_n3A_167, %select_n3A_255, %select_n3A_221, %select_n3A_248, %select_n3A_263 : i32, i32, i32, i32, i32
      }
      %scan3A_68 = arith.constant 80 : i32
      %sub3A = arith.constant 1 : i32
      %sub3A_69 = arith.subi %scan3A_67#4, %sub3A : i32
      %select_n3A_70 = arith.constant true
      %select_n3A_71 = arith.select %select_n3A_70, %sub3A_69, %scan3A_67#4 : i32
      %eq3A_72 = arith.constant -1 : i32
      %eq3A_73 = arith.cmpi eq, %select_n3A_71, %eq3A_72 : i32
      %select_n3A_74 = arith.constant 79 : i32
      %select_n3A_75 = arith.select %eq3A_73, %select_n3A_74, %select_n3A_71 : i32
      %add3A_76 = arith.addi %select_n3A_75, %mul3A_6 : i32
      %sub3A_77 = arith.constant 1 : i32
      %sub3A_78 = arith.subi %select_n3A_75, %sub3A_77 : i32
      %select_n3A_79 = arith.constant true
      %select_n3A_80 = arith.select %select_n3A_79, %sub3A_78, %select_n3A_75 : i32
      %eq3A_81 = arith.constant -1 : i32
      %eq3A_82 = arith.cmpi eq, %select_n3A_80, %eq3A_81 : i32
      %select_n3A_83 = arith.constant 79 : i32
      %select_n3A_84 = arith.select %eq3A_82, %select_n3A_83, %select_n3A_80 : i32
      %add3A_85 = arith.addi %select_n3A_84, %mul3A_6 : i32
      %add3A_86 = arith.constant 1 : i32
      %add3A_87 = arith.addi %select_n3A_75, %add3A_86 : i32
      %select_n3A_88 = arith.constant true
      %select_n3A_89 = arith.select %select_n3A_88, %add3A_87, %select_n3A_75 : i32
      %eq3A_90 = arith.constant 80 : i32
      %eq3A_91 = arith.cmpi eq, %select_n3A_89, %eq3A_90 : i32
      %select_n3A_92 = arith.constant 0 : i32
      %select_n3A_93 = arith.select %eq3A_91, %select_n3A_92, %select_n3A_89 : i32
      %add3A_94 = arith.addi %select_n3A_93, %mul3A_6 : i32
      %add3A_95 = arith.constant 1 : i32
      %add3A_96 = arith.addi %select_n3A_93, %add3A_95 : i32
      %select_n3A_97 = arith.constant true
      %select_n3A_98 = arith.select %select_n3A_97, %add3A_96, %select_n3A_93 : i32
      %eq3A_99 = arith.constant 80 : i32
      %eq3A_100 = arith.cmpi eq, %select_n3A_98, %eq3A_99 : i32
      %select_n3A_101 = arith.constant 0 : i32
      %select_n3A_102 = arith.select %eq3A_100, %select_n3A_101, %select_n3A_98 : i32
      %add3A_103 = arith.addi %select_n3A_102, %mul3A_6 : i32
      "tpu.trace_start"() <{level = 10 : i32, message = "ep_finalize"}> : () -> ()
      %rem3A_104 = arith.constant 2 : i32
      %rem3A_105 = arith.remui %scan3A_67#3, %rem3A_104 : i32
      %mul3A_106 = arith.constant 128 : i32
      %mul3A_107 = arith.muli %mul3A_106, %add3A_76 : i32
      %dma_wait3A = arith.constant 0 : i32
      %dma_wait3A_108 = arith.constant 0 : i32
      %dma_wait3A_109 = tpu.memref_slice %run_scoped3A_8[%rem3A_105, %dma_wait3A, %dma_wait3A_108] : memref<2x128x128xf32, #tpu.memory_space<vmem>> -> memref<1x128x128xf32, #tpu.memory_space<vmem>>
      %dma_wait3A_110 = tpu.memref_squeeze %dma_wait3A_109 : memref<1x128x128xf32, #tpu.memory_space<vmem>> -> memref<128x128xf32, #tpu.memory_space<vmem>>
      %dma_wait3A_111 = arith.constant 0 : i32
      %dma_wait3A_112 = tpu.memref_slice %arg4[%mul3A_107, %dma_wait3A_111] : memref<327680x128xf32, #tpu.memory_space<hbm>> -> memref<128x128xf32, #tpu.memory_space<hbm>>
      %dma_wait3A_113 = tpu.memref_slice %run_scoped3A_9[%rem3A_105] : memref<2x!tpu.dma_semaphore, #tpu.memory_space<semaphore_mem>> -> memref<1x!tpu.dma_semaphore, #tpu.memory_space<semaphore_mem>>
      %dma_wait3A_114 = tpu.memref_squeeze %dma_wait3A_113 : memref<1x!tpu.dma_semaphore, #tpu.memory_space<semaphore_mem>> -> memref<!tpu.dma_semaphore, #tpu.memory_space<semaphore_mem>>
      %dma_wait3A_115 = arith.constant 0 : i32
      %dma_wait3A_116 = tpu.memref_slice %arg4[%mul3A_107, %dma_wait3A_115] : memref<327680x128xf32, #tpu.memory_space<hbm>> -> memref<128x128xf32, #tpu.memory_space<hbm>>
      %dma_wait3A_117 = arith.constant 0 : i32
      %dma_wait3A_118 = arith.constant 0 : i32
      %dma_wait3A_119 = tpu.memref_slice %run_scoped3A_8[%rem3A_105, %dma_wait3A_117, %dma_wait3A_118] : memref<2x128x128xf32, #tpu.memory_space<vmem>> -> memref<1x128x128xf32, #tpu.memory_space<vmem>>
      %dma_wait3A_120 = tpu.memref_squeeze %dma_wait3A_119 : memref<1x128x128xf32, #tpu.memory_space<vmem>> -> memref<128x128xf32, #tpu.memory_space<vmem>>
      tpu.wait_dma2 semaphore(%dma_wait3A_114 : memref<!tpu.dma_semaphore, #tpu.memory_space<semaphore_mem>>) src(%dma_wait3A_120 : memref<128x128xf32, #tpu.memory_space<vmem>>) dst(%dma_wait3A_116 : memref<128x128xf32, #tpu.memory_space<hbm>>)
      "tpu.trace_stop"() : () -> ()
      tpu.yield
    }) : () -> ()
    return
  }
}

#map = affine_map<(d0, d1) -> (0, 0)>
#map1 = affine_map<(d0, d1) -> (0, 0, 0)>
module attributes {stable_mosaic.version = 14 : i64} {
  func.func @k(%arg0: i32, %arg1: i32, %arg2: memref<163840x128xf32, #tpu.memory_space<hbm>>, %arg3: memref<1280x1x128xi32, #tpu.memory_space<hbm>>, %arg4: memref<10240x128xf32, #tpu.memory_space<hbm>>, %arg5: memref<2x10240x128xf32, #tpu.memory_space<hbm>>, %arg6: memref<10240x128xf32, #tpu.memory_space<vmem_shared>>, %arg7: memref<128x128xf32, #tpu.memory_space<vmem>>, %arg8: memref<1x128xi32, #tpu.memory_space<vmem>>, %arg9: memref<1x128xi32, #tpu.memory_space<vmem>>, %arg10: memref<!tpu.dma_semaphore, #tpu.memory_space<semaphore_mem>>, %arg11: memref<!tpu.dma_semaphore, #tpu.memory_space<semaphore_mem>>) attributes {dimension_semantics = [#tpu.dimension_semantics<core_parallel>, #tpu.dimension_semantics<subcore_parallel>], iteration_bounds = array<i64: 2, 16>, scalar_prefetch = 0 : i64, scratch_operands = 6 : i64, tpu.core_type = #tpu.core_type<sc_vector_subcore>, window_params = [{transform_indices = #map}, {transform_indices = #map1}, {transform_indices = #map}, {transform_indices = #map1}]} {
    %mul3A = arith.constant 16 : i32
    %mul3A_0 = arith.muli %arg0, %mul3A : i32
    %add3A = arith.addi %mul3A_0, %arg1 : i32
    %mul3A_1 = arith.constant 40 : i32
    %mul3A_2 = arith.muli %add3A, %mul3A_1 : i32
    %mul3A_3 = arith.constant 640 : i32
    %mul3A_4 = arith.muli %arg1, %mul3A_3 : i32
    %mul3A_5 = arith.constant 640 : i32
    %mul3A_6 = arith.muli %arg1, %mul3A_5 : i32
    "tpu.region"() ({
      %run_scoped3A = tpu.sem_alloc : memref<!tpu.dma_semaphore, #tpu.memory_space<semaphore_mem>>
      %dma_start3A = arith.constant 0 : i32
      %dma_start3A_16 = tpu.memref_slice %arg6[%mul3A_6, %dma_start3A] : memref<10240x128xf32, #tpu.memory_space<vmem_shared>> -> memref<640x128xf32, #tpu.memory_space<vmem_shared>>
      %dma_start3A_17 = arith.constant 0 : i32
      %dma_start3A_18 = tpu.memref_slice %arg4[%mul3A_4, %dma_start3A_17] : memref<10240x128xf32, #tpu.memory_space<hbm>> -> memref<640x128xf32, #tpu.memory_space<hbm>>
      tpu.enqueue_dma source(%dma_start3A_18 : memref<640x128xf32, #tpu.memory_space<hbm>>) target(%dma_start3A_16 : memref<640x128xf32, #tpu.memory_space<vmem_shared>>) target_semaphore(%run_scoped3A : memref<!tpu.dma_semaphore, #tpu.memory_space<semaphore_mem>>)
      %dma_wait3A = arith.constant 0 : i32
      %dma_wait3A_19 = tpu.memref_slice %arg6[%mul3A_6, %dma_wait3A] : memref<10240x128xf32, #tpu.memory_space<vmem_shared>> -> memref<640x128xf32, #tpu.memory_space<vmem_shared>>
      %dma_wait3A_20 = arith.constant 0 : i32
      %dma_wait3A_21 = tpu.memref_slice %arg4[%mul3A_4, %dma_wait3A_20] : memref<10240x128xf32, #tpu.memory_space<hbm>> -> memref<640x128xf32, #tpu.memory_space<hbm>>
      tpu.wait_dma2 semaphore(%run_scoped3A : memref<!tpu.dma_semaphore, #tpu.memory_space<semaphore_mem>>) src(%dma_wait3A_21 : memref<640x128xf32, #tpu.memory_space<hbm>>) dst(%dma_wait3A_19 : memref<640x128xf32, #tpu.memory_space<vmem_shared>>)
      tpu.yield
    }) : () -> ()
    %barrier3A = arith.constant 0 : index
    tpu.barrier barrier_id(%barrier3A)
    "tpu.region"() ({
      %run_scoped3A = tpu.sem_alloc : memref<!tpu.dma_semaphore, #tpu.memory_space<semaphore_mem>>
      %dma_start3A = arith.constant 0 : i32
      %dma_start3A_16 = arith.constant 0 : i32
      %dma_start3A_17 = tpu.memref_slice %arg3[%mul3A_2, %dma_start3A, %dma_start3A_16] : memref<1280x1x128xi32, #tpu.memory_space<hbm>> -> memref<1x1x128xi32, #tpu.memory_space<hbm>>
      %dma_start3A_18 = tpu.memref_squeeze %dma_start3A_17 : memref<1x1x128xi32, #tpu.memory_space<hbm>> -> memref<1x128xi32, #tpu.memory_space<hbm>>
      %dma_start3A_19 = arith.constant 0 : i32
      %dma_start3A_20 = arith.constant 0 : i32
      %dma_start3A_21 = tpu.memref_slice %arg3[%mul3A_2, %dma_start3A_19, %dma_start3A_20] : memref<1280x1x128xi32, #tpu.memory_space<hbm>> -> memref<1x1x128xi32, #tpu.memory_space<hbm>>
      %dma_start3A_22 = tpu.memref_squeeze %dma_start3A_21 : memref<1x1x128xi32, #tpu.memory_space<hbm>> -> memref<1x128xi32, #tpu.memory_space<hbm>>
      tpu.enqueue_dma source(%dma_start3A_22 : memref<1x128xi32, #tpu.memory_space<hbm>>) target(%arg8 : memref<1x128xi32, #tpu.memory_space<vmem>>) target_semaphore(%run_scoped3A : memref<!tpu.dma_semaphore, #tpu.memory_space<semaphore_mem>>)
      %dma_wait3A = arith.constant 0 : i32
      %dma_wait3A_23 = arith.constant 0 : i32
      %dma_wait3A_24 = tpu.memref_slice %arg3[%mul3A_2, %dma_wait3A, %dma_wait3A_23] : memref<1280x1x128xi32, #tpu.memory_space<hbm>> -> memref<1x1x128xi32, #tpu.memory_space<hbm>>
      %dma_wait3A_25 = tpu.memref_squeeze %dma_wait3A_24 : memref<1x1x128xi32, #tpu.memory_space<hbm>> -> memref<1x128xi32, #tpu.memory_space<hbm>>
      %dma_wait3A_26 = arith.constant 0 : i32
      %dma_wait3A_27 = arith.constant 0 : i32
      %dma_wait3A_28 = tpu.memref_slice %arg3[%mul3A_2, %dma_wait3A_26, %dma_wait3A_27] : memref<1280x1x128xi32, #tpu.memory_space<hbm>> -> memref<1x1x128xi32, #tpu.memory_space<hbm>>
      %dma_wait3A_29 = tpu.memref_squeeze %dma_wait3A_28 : memref<1x1x128xi32, #tpu.memory_space<hbm>> -> memref<1x128xi32, #tpu.memory_space<hbm>>
      tpu.wait_dma2 semaphore(%run_scoped3A : memref<!tpu.dma_semaphore, #tpu.memory_space<semaphore_mem>>) src(%dma_wait3A_29 : memref<1x128xi32, #tpu.memory_space<hbm>>) dst(%arg8 : memref<1x128xi32, #tpu.memory_space<vmem>>)
      tpu.yield
    }) : () -> ()
    %scan3A = arith.constant 0 : i32
    %scan3A_7 = arith.constant 20 : i32
    %scan3A_8 = arith.addi %scan3A, %scan3A_7 : i32
    %scan3A_9 = arith.constant 1 : i32
    scf.for %scan3A_16 = %scan3A to %scan3A_8 step %scan3A_9  : i32 {
      %mul3A_17 = arith.constant 2 : i32
      %mul3A_18 = arith.muli %scan3A_16, %mul3A_17 : i32
      %add3A_19 = arith.constant 0 : i32
      %add3A_20 = arith.addi %add3A_19, %mul3A_18 : i32
      %add3A_21 = arith.addi %mul3A_2, %add3A_20 : i32
      %mul3A_22 = arith.constant 128 : i32
      %mul3A_23 = arith.muli %add3A_21, %mul3A_22 : i32
      "tpu.region"() ({
        %run_scoped3A = tpu.sem_alloc : memref<!tpu.dma_semaphore, #tpu.memory_space<semaphore_mem>>
        %dma_start3A_60 = arith.constant 0 : i32
        %dma_start3A_61 = tpu.memref_slice %arg2[%mul3A_23, %dma_start3A_60] : memref<163840x128xf32, #tpu.memory_space<hbm>> -> memref<128x128xf32, #tpu.memory_space<hbm>>
        %dma_start3A_62 = arith.constant 0 : i32
        %dma_start3A_63 = tpu.memref_slice %arg2[%mul3A_23, %dma_start3A_62] : memref<163840x128xf32, #tpu.memory_space<hbm>> -> memref<128x128xf32, #tpu.memory_space<hbm>>
        tpu.enqueue_dma source(%dma_start3A_63 : memref<128x128xf32, #tpu.memory_space<hbm>>) target(%arg7 : memref<128x128xf32, #tpu.memory_space<vmem>>) target_semaphore(%run_scoped3A : memref<!tpu.dma_semaphore, #tpu.memory_space<semaphore_mem>>)
        %dma_wait3A_64 = arith.constant 0 : i32
        %dma_wait3A_65 = tpu.memref_slice %arg2[%mul3A_23, %dma_wait3A_64] : memref<163840x128xf32, #tpu.memory_space<hbm>> -> memref<128x128xf32, #tpu.memory_space<hbm>>
        %dma_wait3A_66 = arith.constant 0 : i32
        %dma_wait3A_67 = tpu.memref_slice %arg2[%mul3A_23, %dma_wait3A_66] : memref<163840x128xf32, #tpu.memory_space<hbm>> -> memref<128x128xf32, #tpu.memory_space<hbm>>
        tpu.wait_dma2 semaphore(%run_scoped3A : memref<!tpu.dma_semaphore, #tpu.memory_space<semaphore_mem>>) src(%dma_wait3A_67 : memref<128x128xf32, #tpu.memory_space<hbm>>) dst(%arg7 : memref<128x128xf32, #tpu.memory_space<vmem>>)
        tpu.yield
      }) : () -> ()
      %dma_start3A = arith.constant 0 : i32
      %dma_start3A_24 = arith.constant 0 : i32
      %dma_start3A_25 = tpu.memref_slice %arg8[%dma_start3A, %dma_start3A_24] : memref<1x128xi32, #tpu.memory_space<vmem>> -> memref<1x128xi32, #tpu.memory_space<vmem>>
      %dma_start3A_26 = tpu.memref_squeeze %dma_start3A_25 : memref<1x128xi32, #tpu.memory_space<vmem>> -> memref<128xi32, #tpu.memory_space<vmem>>
      %dma_start3A_27 = arith.constant 0 : i32
      %dma_start3A_28 = arith.constant 0 : i32
      %dma_start3A_29 = tpu.memref_slice %arg6[%dma_start3A_27, %dma_start3A_28] : memref<10240x128xf32, #tpu.memory_space<vmem_shared>> -> memref<10240x128xf32, #tpu.memory_space<vmem_shared>>
      tpu.enqueue_indirect_dma source(%arg7 : memref<128x128xf32, #tpu.memory_space<vmem>>) target(%dma_start3A_29 : memref<10240x128xf32, #tpu.memory_space<vmem_shared>>) offsets(%dma_start3A_26 : memref<128xi32, #tpu.memory_space<vmem>>) semaphore(%arg10 : memref<!tpu.dma_semaphore, #tpu.memory_space<semaphore_mem>>) {add = true}
      %add3A_30 = arith.constant 1 : i32
      %add3A_31 = arith.addi %add3A_21, %add3A_30 : i32
      "tpu.region"() ({
        %run_scoped3A = tpu.sem_alloc : memref<!tpu.dma_semaphore, #tpu.memory_space<semaphore_mem>>
        %dma_start3A_60 = arith.constant 0 : i32
        %dma_start3A_61 = arith.constant 0 : i32
        %dma_start3A_62 = tpu.memref_slice %arg3[%add3A_31, %dma_start3A_60, %dma_start3A_61] : memref<1280x1x128xi32, #tpu.memory_space<hbm>> -> memref<1x1x128xi32, #tpu.memory_space<hbm>>
        %dma_start3A_63 = tpu.memref_squeeze %dma_start3A_62 : memref<1x1x128xi32, #tpu.memory_space<hbm>> -> memref<1x128xi32, #tpu.memory_space<hbm>>
        %dma_start3A_64 = arith.constant 0 : i32
        %dma_start3A_65 = arith.constant 0 : i32
        %dma_start3A_66 = tpu.memref_slice %arg3[%add3A_31, %dma_start3A_64, %dma_start3A_65] : memref<1280x1x128xi32, #tpu.memory_space<hbm>> -> memref<1x1x128xi32, #tpu.memory_space<hbm>>
        %dma_start3A_67 = tpu.memref_squeeze %dma_start3A_66 : memref<1x1x128xi32, #tpu.memory_space<hbm>> -> memref<1x128xi32, #tpu.memory_space<hbm>>
        tpu.enqueue_dma source(%dma_start3A_67 : memref<1x128xi32, #tpu.memory_space<hbm>>) target(%arg9 : memref<1x128xi32, #tpu.memory_space<vmem>>) target_semaphore(%run_scoped3A : memref<!tpu.dma_semaphore, #tpu.memory_space<semaphore_mem>>)
        %dma_wait3A_68 = arith.constant 0 : i32
        %dma_wait3A_69 = arith.constant 0 : i32
        %dma_wait3A_70 = tpu.memref_slice %arg3[%add3A_31, %dma_wait3A_68, %dma_wait3A_69] : memref<1280x1x128xi32, #tpu.memory_space<hbm>> -> memref<1x1x128xi32, #tpu.memory_space<hbm>>
        %dma_wait3A_71 = tpu.memref_squeeze %dma_wait3A_70 : memref<1x1x128xi32, #tpu.memory_space<hbm>> -> memref<1x128xi32, #tpu.memory_space<hbm>>
        %dma_wait3A_72 = arith.constant 0 : i32
        %dma_wait3A_73 = arith.constant 0 : i32
        %dma_wait3A_74 = tpu.memref_slice %arg3[%add3A_31, %dma_wait3A_72, %dma_wait3A_73] : memref<1280x1x128xi32, #tpu.memory_space<hbm>> -> memref<1x1x128xi32, #tpu.memory_space<hbm>>
        %dma_wait3A_75 = tpu.memref_squeeze %dma_wait3A_74 : memref<1x1x128xi32, #tpu.memory_space<hbm>> -> memref<1x128xi32, #tpu.memory_space<hbm>>
        tpu.wait_dma2 semaphore(%run_scoped3A : memref<!tpu.dma_semaphore, #tpu.memory_space<semaphore_mem>>) src(%dma_wait3A_75 : memref<1x128xi32, #tpu.memory_space<hbm>>) dst(%arg9 : memref<1x128xi32, #tpu.memory_space<vmem>>)
        tpu.yield
      }) : () -> ()
      %dma_wait3A = arith.constant 0 : i32
      %dma_wait3A_32 = arith.constant 0 : i32
      %dma_wait3A_33 = tpu.memref_slice %arg8[%dma_wait3A, %dma_wait3A_32] : memref<1x128xi32, #tpu.memory_space<vmem>> -> memref<1x128xi32, #tpu.memory_space<vmem>>
      %dma_wait3A_34 = tpu.memref_squeeze %dma_wait3A_33 : memref<1x128xi32, #tpu.memory_space<vmem>> -> memref<128xi32, #tpu.memory_space<vmem>>
      %dma_wait3A_35 = arith.constant 0 : i32
      %dma_wait3A_36 = arith.constant 0 : i32
      %dma_wait3A_37 = tpu.memref_slice %arg6[%dma_wait3A_35, %dma_wait3A_36] : memref<10240x128xf32, #tpu.memory_space<vmem_shared>> -> memref<10240x128xf32, #tpu.memory_space<vmem_shared>>
      tpu.wait_indirect_dma semaphore(%arg10 : memref<!tpu.dma_semaphore, #tpu.memory_space<semaphore_mem>>) src(%arg7 : memref<128x128xf32, #tpu.memory_space<vmem>>) dst(%dma_wait3A_37 : memref<10240x128xf32, #tpu.memory_space<vmem_shared>>)
      %add3A_38 = arith.constant 1 : i32
      %add3A_39 = arith.addi %add3A_21, %add3A_38 : i32
      %mul3A_40 = arith.constant 128 : i32
      %mul3A_41 = arith.muli %add3A_39, %mul3A_40 : i32
      "tpu.region"() ({
        %run_scoped3A = tpu.sem_alloc : memref<!tpu.dma_semaphore, #tpu.memory_space<semaphore_mem>>
        %dma_start3A_60 = arith.constant 0 : i32
        %dma_start3A_61 = tpu.memref_slice %arg2[%mul3A_41, %dma_start3A_60] : memref<163840x128xf32, #tpu.memory_space<hbm>> -> memref<128x128xf32, #tpu.memory_space<hbm>>
        %dma_start3A_62 = arith.constant 0 : i32
        %dma_start3A_63 = tpu.memref_slice %arg2[%mul3A_41, %dma_start3A_62] : memref<163840x128xf32, #tpu.memory_space<hbm>> -> memref<128x128xf32, #tpu.memory_space<hbm>>
        tpu.enqueue_dma source(%dma_start3A_63 : memref<128x128xf32, #tpu.memory_space<hbm>>) target(%arg7 : memref<128x128xf32, #tpu.memory_space<vmem>>) target_semaphore(%run_scoped3A : memref<!tpu.dma_semaphore, #tpu.memory_space<semaphore_mem>>)
        %dma_wait3A_64 = arith.constant 0 : i32
        %dma_wait3A_65 = tpu.memref_slice %arg2[%mul3A_41, %dma_wait3A_64] : memref<163840x128xf32, #tpu.memory_space<hbm>> -> memref<128x128xf32, #tpu.memory_space<hbm>>
        %dma_wait3A_66 = arith.constant 0 : i32
        %dma_wait3A_67 = tpu.memref_slice %arg2[%mul3A_41, %dma_wait3A_66] : memref<163840x128xf32, #tpu.memory_space<hbm>> -> memref<128x128xf32, #tpu.memory_space<hbm>>
        tpu.wait_dma2 semaphore(%run_scoped3A : memref<!tpu.dma_semaphore, #tpu.memory_space<semaphore_mem>>) src(%dma_wait3A_67 : memref<128x128xf32, #tpu.memory_space<hbm>>) dst(%arg7 : memref<128x128xf32, #tpu.memory_space<vmem>>)
        tpu.yield
      }) : () -> ()
      %dma_start3A_42 = arith.constant 0 : i32
      %dma_start3A_43 = arith.constant 0 : i32
      %dma_start3A_44 = tpu.memref_slice %arg9[%dma_start3A_42, %dma_start3A_43] : memref<1x128xi32, #tpu.memory_space<vmem>> -> memref<1x128xi32, #tpu.memory_space<vmem>>
      %dma_start3A_45 = tpu.memref_squeeze %dma_start3A_44 : memref<1x128xi32, #tpu.memory_space<vmem>> -> memref<128xi32, #tpu.memory_space<vmem>>
      %dma_start3A_46 = arith.constant 0 : i32
      %dma_start3A_47 = arith.constant 0 : i32
      %dma_start3A_48 = tpu.memref_slice %arg6[%dma_start3A_46, %dma_start3A_47] : memref<10240x128xf32, #tpu.memory_space<vmem_shared>> -> memref<10240x128xf32, #tpu.memory_space<vmem_shared>>
      tpu.enqueue_indirect_dma source(%arg7 : memref<128x128xf32, #tpu.memory_space<vmem>>) target(%dma_start3A_48 : memref<10240x128xf32, #tpu.memory_space<vmem_shared>>) offsets(%dma_start3A_45 : memref<128xi32, #tpu.memory_space<vmem>>) semaphore(%arg11 : memref<!tpu.dma_semaphore, #tpu.memory_space<semaphore_mem>>) {add = true}
      %add3A_49 = arith.constant 2 : i32
      %add3A_50 = arith.addi %add3A_20, %add3A_49 : i32
      %lt3A = arith.constant 40 : i32
      %lt3A_51 = arith.cmpi slt, %add3A_50, %lt3A : i32
      %convert_element_type3A = arith.extui %lt3A_51 : i1 to i32
      %cond3A = arith.constant 0 : i32
      %cond3A_52 = arith.cmpi ne, %convert_element_type3A, %cond3A : i32
      scf.if %cond3A_52 {
        %add3A_60 = arith.constant 2 : i32
        %add3A_61 = arith.addi %add3A_21, %add3A_60 : i32
        "tpu.region"() ({
          %run_scoped3A = tpu.sem_alloc : memref<!tpu.dma_semaphore, #tpu.memory_space<semaphore_mem>>
          %dma_start3A_62 = arith.constant 0 : i32
          %dma_start3A_63 = arith.constant 0 : i32
          %dma_start3A_64 = tpu.memref_slice %arg3[%add3A_61, %dma_start3A_62, %dma_start3A_63] : memref<1280x1x128xi32, #tpu.memory_space<hbm>> -> memref<1x1x128xi32, #tpu.memory_space<hbm>>
          %dma_start3A_65 = tpu.memref_squeeze %dma_start3A_64 : memref<1x1x128xi32, #tpu.memory_space<hbm>> -> memref<1x128xi32, #tpu.memory_space<hbm>>
          %dma_start3A_66 = arith.constant 0 : i32
          %dma_start3A_67 = arith.constant 0 : i32
          %dma_start3A_68 = tpu.memref_slice %arg3[%add3A_61, %dma_start3A_66, %dma_start3A_67] : memref<1280x1x128xi32, #tpu.memory_space<hbm>> -> memref<1x1x128xi32, #tpu.memory_space<hbm>>
          %dma_start3A_69 = tpu.memref_squeeze %dma_start3A_68 : memref<1x1x128xi32, #tpu.memory_space<hbm>> -> memref<1x128xi32, #tpu.memory_space<hbm>>
          tpu.enqueue_dma source(%dma_start3A_69 : memref<1x128xi32, #tpu.memory_space<hbm>>) target(%arg8 : memref<1x128xi32, #tpu.memory_space<vmem>>) target_semaphore(%run_scoped3A : memref<!tpu.dma_semaphore, #tpu.memory_space<semaphore_mem>>)
          %dma_wait3A_70 = arith.constant 0 : i32
          %dma_wait3A_71 = arith.constant 0 : i32
          %dma_wait3A_72 = tpu.memref_slice %arg3[%add3A_61, %dma_wait3A_70, %dma_wait3A_71] : memref<1280x1x128xi32, #tpu.memory_space<hbm>> -> memref<1x1x128xi32, #tpu.memory_space<hbm>>
          %dma_wait3A_73 = tpu.memref_squeeze %dma_wait3A_72 : memref<1x1x128xi32, #tpu.memory_space<hbm>> -> memref<1x128xi32, #tpu.memory_space<hbm>>
          %dma_wait3A_74 = arith.constant 0 : i32
          %dma_wait3A_75 = arith.constant 0 : i32
          %dma_wait3A_76 = tpu.memref_slice %arg3[%add3A_61, %dma_wait3A_74, %dma_wait3A_75] : memref<1280x1x128xi32, #tpu.memory_space<hbm>> -> memref<1x1x128xi32, #tpu.memory_space<hbm>>
          %dma_wait3A_77 = tpu.memref_squeeze %dma_wait3A_76 : memref<1x1x128xi32, #tpu.memory_space<hbm>> -> memref<1x128xi32, #tpu.memory_space<hbm>>
          tpu.wait_dma2 semaphore(%run_scoped3A : memref<!tpu.dma_semaphore, #tpu.memory_space<semaphore_mem>>) src(%dma_wait3A_77 : memref<1x128xi32, #tpu.memory_space<hbm>>) dst(%arg8 : memref<1x128xi32, #tpu.memory_space<vmem>>)
          tpu.yield
        }) : () -> ()
      } else {
      }
      %dma_wait3A_53 = arith.constant 0 : i32
      %dma_wait3A_54 = arith.constant 0 : i32
      %dma_wait3A_55 = tpu.memref_slice %arg9[%dma_wait3A_53, %dma_wait3A_54] : memref<1x128xi32, #tpu.memory_space<vmem>> -> memref<1x128xi32, #tpu.memory_space<vmem>>
      %dma_wait3A_56 = tpu.memref_squeeze %dma_wait3A_55 : memref<1x128xi32, #tpu.memory_space<vmem>> -> memref<128xi32, #tpu.memory_space<vmem>>
      %dma_wait3A_57 = arith.constant 0 : i32
      %dma_wait3A_58 = arith.constant 0 : i32
      %dma_wait3A_59 = tpu.memref_slice %arg6[%dma_wait3A_57, %dma_wait3A_58] : memref<10240x128xf32, #tpu.memory_space<vmem_shared>> -> memref<10240x128xf32, #tpu.memory_space<vmem_shared>>
      tpu.wait_indirect_dma semaphore(%arg11 : memref<!tpu.dma_semaphore, #tpu.memory_space<semaphore_mem>>) src(%arg7 : memref<128x128xf32, #tpu.memory_space<vmem>>) dst(%dma_wait3A_59 : memref<10240x128xf32, #tpu.memory_space<vmem_shared>>)
    }
    %scan3A_10 = arith.constant 20 : i32
    %barrier3A_11 = arith.constant 0 : index
    tpu.barrier barrier_id(%barrier3A_11)
    %mul3A_12 = arith.constant 640 : i32
    %mul3A_13 = arith.muli %arg1, %mul3A_12 : i32
    %mul3A_14 = arith.constant 640 : i32
    %mul3A_15 = arith.muli %arg1, %mul3A_14 : i32
    "tpu.region"() ({
      %run_scoped3A = tpu.sem_alloc : memref<!tpu.dma_semaphore, #tpu.memory_space<semaphore_mem>>
      %dma_start3A = arith.constant 0 : i32
      %dma_start3A_16 = tpu.memref_slice %arg5[%arg0, %mul3A_15, %dma_start3A] : memref<2x10240x128xf32, #tpu.memory_space<hbm>> -> memref<1x640x128xf32, #tpu.memory_space<hbm>>
      %dma_start3A_17 = tpu.memref_squeeze %dma_start3A_16 : memref<1x640x128xf32, #tpu.memory_space<hbm>> -> memref<640x128xf32, #tpu.memory_space<hbm>>
      %dma_start3A_18 = arith.constant 0 : i32
      %dma_start3A_19 = tpu.memref_slice %arg6[%mul3A_13, %dma_start3A_18] : memref<10240x128xf32, #tpu.memory_space<vmem_shared>> -> memref<640x128xf32, #tpu.memory_space<vmem_shared>>
      tpu.enqueue_dma source(%dma_start3A_19 : memref<640x128xf32, #tpu.memory_space<vmem_shared>>) target(%dma_start3A_17 : memref<640x128xf32, #tpu.memory_space<hbm>>) target_semaphore(%run_scoped3A : memref<!tpu.dma_semaphore, #tpu.memory_space<semaphore_mem>>)
      %dma_wait3A = arith.constant 0 : i32
      %dma_wait3A_20 = tpu.memref_slice %arg5[%arg0, %mul3A_15, %dma_wait3A] : memref<2x10240x128xf32, #tpu.memory_space<hbm>> -> memref<1x640x128xf32, #tpu.memory_space<hbm>>
      %dma_wait3A_21 = tpu.memref_squeeze %dma_wait3A_20 : memref<1x640x128xf32, #tpu.memory_space<hbm>> -> memref<640x128xf32, #tpu.memory_space<hbm>>
      %dma_wait3A_22 = arith.constant 0 : i32
      %dma_wait3A_23 = tpu.memref_slice %arg6[%mul3A_13, %dma_wait3A_22] : memref<10240x128xf32, #tpu.memory_space<vmem_shared>> -> memref<640x128xf32, #tpu.memory_space<vmem_shared>>
      tpu.wait_dma2 semaphore(%run_scoped3A : memref<!tpu.dma_semaphore, #tpu.memory_space<semaphore_mem>>) src(%dma_wait3A_23 : memref<640x128xf32, #tpu.memory_space<vmem_shared>>) dst(%dma_wait3A_21 : memref<640x128xf32, #tpu.memory_space<hbm>>)
      tpu.yield
    }) : () -> ()
    return
  }
}

#map = affine_map<(d0, d1) -> (0, 0)>
module attributes {stable_mosaic.version = 14 : i64} {
  func.func @k(%arg0: i32, %arg1: i32, %arg2: memref<20480x128xf32, #tpu.memory_space<hbm>>, %arg3: memref<1x327680xi32, #tpu.memory_space<hbm>>, %arg4: memref<327680x128xf32, #tpu.memory_space<hbm>>) attributes {dimension_semantics = [#tpu.dimension_semantics<core_parallel>, #tpu.dimension_semantics<subcore_parallel>], iteration_bounds = array<i64: 2, 16>, scalar_prefetch = 0 : i64, scratch_operands = 0 : i64, tpu.core_type = #tpu.core_type<sc_vector_subcore>, window_params = [{transform_indices = #map}, {transform_indices = #map}, {transform_indices = #map}]} {
    %mul3A = arith.constant 1 : i32
    %mul3A_0 = arith.muli %arg1, %mul3A : i32
    %add3A = arith.constant 0 : i32
    %add3A_1 = arith.addi %add3A, %mul3A_0 : i32
    %mul3A_2 = arith.constant 16 : i32
    %mul3A_3 = arith.muli %arg0, %mul3A_2 : i32
    %add3A_4 = arith.addi %add3A_1, %mul3A_3 : i32
    %mul3A_5 = arith.constant 80 : i32
    %mul3A_6 = arith.muli %add3A_4, %mul3A_5 : i32
    "tpu.region"() ({
      %run_scoped3A = memref.alloca() : memref<2x1x128xi32, #tpu.memory_space<vmem>>
      %run_scoped3A_7 = tpu.sem_alloc : memref<2x!tpu.dma_semaphore, #tpu.memory_space<semaphore_mem>>
      %run_scoped3A_8 = memref.alloca() : memref<2x128x128xf32, #tpu.memory_space<vmem>>
      %run_scoped3A_9 = tpu.sem_alloc : memref<2x!tpu.dma_semaphore, #tpu.memory_space<semaphore_mem>>
      %add3A_10 = arith.constant 0 : i32
      %add3A_11 = arith.addi %add3A_10, %mul3A_6 : i32
      %select_n3A = arith.constant true
      %select_n3A_12 = arith.constant 0 : i32
      %select_n3A_13 = arith.constant -1 : i32
      %select_n3A_14 = arith.select %select_n3A, %select_n3A_13, %select_n3A_12 : i32
      %eq3A = arith.constant -1 : i32
      %eq3A_15 = arith.cmpi eq, %select_n3A_14, %eq3A : i32
      %select_n3A_16 = arith.constant 79 : i32
      %select_n3A_17 = arith.select %eq3A_15, %select_n3A_16, %select_n3A_14 : i32
      %add3A_18 = arith.addi %select_n3A_17, %mul3A_6 : i32
      %select_n3A_19 = arith.constant true
      %select_n3A_20 = arith.constant 0 : i32
      %select_n3A_21 = arith.constant 1 : i32
      %select_n3A_22 = arith.select %select_n3A_19, %select_n3A_21, %select_n3A_20 : i32
      %eq3A_23 = arith.constant 80 : i32
      %eq3A_24 = arith.cmpi eq, %select_n3A_22, %eq3A_23 : i32
      %select_n3A_25 = arith.constant 0 : i32
      %select_n3A_26 = arith.select %eq3A_24, %select_n3A_25, %select_n3A_22 : i32
      %add3A_27 = arith.addi %select_n3A_26, %mul3A_6 : i32
      %add3A_28 = arith.constant 1 : i32
      %add3A_29 = arith.addi %select_n3A_26, %add3A_28 : i32
      %select_n3A_30 = arith.constant true
      %select_n3A_31 = arith.select %select_n3A_30, %add3A_29, %select_n3A_26 : i32
      %eq3A_32 = arith.constant 80 : i32
      %eq3A_33 = arith.cmpi eq, %select_n3A_31, %eq3A_32 : i32
      %select_n3A_34 = arith.constant 0 : i32
      %select_n3A_35 = arith.select %eq3A_33, %select_n3A_34, %select_n3A_31 : i32
      %add3A_36 = arith.addi %select_n3A_35, %mul3A_6 : i32
      "tpu.trace_start"() <{level = 10 : i32, message = "ep_initialize_0"}> : () -> ()
      %rem3A = arith.constant 0 : i32
      %rem3A_37 = arith.constant 2 : i32
      %rem3A_38 = arith.remui %rem3A, %rem3A_37 : i32
      %mul3A_39 = arith.constant 128 : i32
      %mul3A_40 = arith.muli %mul3A_39, %add3A_11 : i32
      %dma_start3A = arith.constant 0 : i32
      %dma_start3A_41 = arith.constant 0 : i32
      %dma_start3A_42 = tpu.memref_slice %run_scoped3A[%rem3A_38, %dma_start3A, %dma_start3A_41] : memref<2x1x128xi32, #tpu.memory_space<vmem>> -> memref<1x1x128xi32, #tpu.memory_space<vmem>>
      %dma_start3A_43 = tpu.memref_squeeze %dma_start3A_42 : memref<1x1x128xi32, #tpu.memory_space<vmem>> -> memref<1x128xi32, #tpu.memory_space<vmem>>
      %dma_start3A_44 = arith.constant 0 : i32
      %dma_start3A_45 = tpu.memref_slice %arg3[%dma_start3A_44, %mul3A_40] : memref<1x327680xi32, #tpu.memory_space<hbm>> -> memref<1x128xi32, #tpu.memory_space<hbm>>
      %dma_start3A_46 = tpu.memref_slice %run_scoped3A_7[%rem3A_38] : memref<2x!tpu.dma_semaphore, #tpu.memory_space<semaphore_mem>> -> memref<1x!tpu.dma_semaphore, #tpu.memory_space<semaphore_mem>>
      %dma_start3A_47 = tpu.memref_squeeze %dma_start3A_46 : memref<1x!tpu.dma_semaphore, #tpu.memory_space<semaphore_mem>> -> memref<!tpu.dma_semaphore, #tpu.memory_space<semaphore_mem>>
      %dma_start3A_48 = arith.constant 0 : i32
      %dma_start3A_49 = arith.constant 0 : i32
      %dma_start3A_50 = tpu.memref_slice %run_scoped3A[%rem3A_38, %dma_start3A_48, %dma_start3A_49] : memref<2x1x128xi32, #tpu.memory_space<vmem>> -> memref<1x1x128xi32, #tpu.memory_space<vmem>>
      %dma_start3A_51 = tpu.memref_squeeze %dma_start3A_50 : memref<1x1x128xi32, #tpu.memory_space<vmem>> -> memref<1x128xi32, #tpu.memory_space<vmem>>
      %dma_start3A_52 = arith.constant 0 : i32
      %dma_start3A_53 = tpu.memref_slice %arg3[%dma_start3A_52, %mul3A_40] : memref<1x327680xi32, #tpu.memory_space<hbm>> -> memref<1x128xi32, #tpu.memory_space<hbm>>
      tpu.enqueue_dma source(%dma_start3A_53 : memref<1x128xi32, #tpu.memory_space<hbm>>) target(%dma_start3A_51 : memref<1x128xi32, #tpu.memory_space<vmem>>) target_semaphore(%dma_start3A_47 : memref<!tpu.dma_semaphore, #tpu.memory_space<semaphore_mem>>)
      %add3A_54 = arith.constant 0 : i32
      %add3A_55 = arith.constant 1 : i32
      %add3A_56 = arith.addi %add3A_54, %add3A_55 : i32
      %select_n3A_57 = arith.constant true
      %select_n3A_58 = arith.constant 0 : i32
      %select_n3A_59 = arith.select %select_n3A_57, %add3A_56, %select_n3A_58 : i32
      "tpu.trace_stop"() : () -> ()
      %scan3A = arith.constant 0 : i32
      %scan3A_60 = arith.constant 0 : i32
      %scan3A_61 = arith.constant 0 : i32
      %scan3A_62 = arith.constant 0 : i32
      %scan3A_63 = arith.constant 0 : i32
      %scan3A_64 = arith.constant 80 : i32
      %scan3A_65 = arith.addi %scan3A_63, %scan3A_64 : i32
      %scan3A_66 = arith.constant 1 : i32
      %scan3A_67:5 = scf.for %scan3A_121 = %scan3A_63 to %scan3A_65 step %scan3A_66 iter_args(%scan3A_122 = %select_n3A_59, %scan3A_123 = %scan3A, %scan3A_124 = %scan3A_60, %scan3A_125 = %scan3A_61, %scan3A_126 = %scan3A_62) -> (i32, i32, i32, i32, i32)  : i32 {
        %eq3A_127 = arith.constant 0 : i32
        %eq3A_128 = arith.cmpi eq, %scan3A_121, %eq3A_127 : i32
        %eq3A_129 = arith.constant 79 : i32
        %eq3A_130 = arith.cmpi eq, %scan3A_121, %eq3A_129 : i32
        %add3A_131 = arith.addi %scan3A_126, %mul3A_6 : i32
        %sub3A_132 = arith.constant 1 : i32
        %sub3A_133 = arith.subi %scan3A_126, %sub3A_132 : i32
        %select_n3A_134 = arith.constant true
        %select_n3A_135 = arith.select %select_n3A_134, %sub3A_133, %scan3A_126 : i32
        %eq3A_136 = arith.constant -1 : i32
        %eq3A_137 = arith.cmpi eq, %select_n3A_135, %eq3A_136 : i32
        %select_n3A_138 = arith.constant 79 : i32
        %select_n3A_139 = arith.select %eq3A_137, %select_n3A_138, %select_n3A_135 : i32
        %add3A_140 = arith.addi %select_n3A_139, %mul3A_6 : i32
        %add3A_141 = arith.constant 1 : i32
        %add3A_142 = arith.addi %scan3A_126, %add3A_141 : i32
        %select_n3A_143 = arith.constant true
        %select_n3A_144 = arith.select %select_n3A_143, %add3A_142, %scan3A_126 : i32
        %eq3A_145 = arith.constant 80 : i32
        %eq3A_146 = arith.cmpi eq, %select_n3A_144, %eq3A_145 : i32
        %select_n3A_147 = arith.constant 0 : i32
        %select_n3A_148 = arith.select %eq3A_146, %select_n3A_147, %select_n3A_144 : i32
        %add3A_149 = arith.addi %select_n3A_148, %mul3A_6 : i32
        %add3A_150 = arith.constant 1 : i32
        %add3A_151 = arith.addi %select_n3A_148, %add3A_150 : i32
        %select_n3A_152 = arith.constant true
        %select_n3A_153 = arith.select %select_n3A_152, %add3A_151, %select_n3A_148 : i32
        %eq3A_154 = arith.constant 80 : i32
        %eq3A_155 = arith.cmpi eq, %select_n3A_153, %eq3A_154 : i32
        %select_n3A_156 = arith.constant 0 : i32
        %select_n3A_157 = arith.select %eq3A_155, %select_n3A_156, %select_n3A_153 : i32
        %add3A_158 = arith.addi %select_n3A_157, %mul3A_6 : i32
        %ne3A = arith.cmpi ne, %add3A_131, %add3A_149 : i32
        %or3A = arith.constant false
        %or3A_159 = arith.ori %or3A, %ne3A : i1
        %ge3A = arith.constant 79 : i32
        %ge3A_160 = arith.cmpi sge, %scan3A_121, %ge3A : i32
        %not3A = arith.constant true
        %not3A_161 = arith.xori %ge3A_160, %not3A : i1
        %and3A = arith.andi %or3A_159, %not3A_161 : i1
        %convert_element_type3A = arith.extui %and3A : i1 to i32
        %cond3A = arith.constant 0 : i32
        %cond3A_162 = arith.cmpi ne, %convert_element_type3A, %cond3A : i32
        scf.if %cond3A_162 {
          "tpu.trace_start"() <{level = 10 : i32, message = "ep_copy_in"}> : () -> ()
          %rem3A_264 = arith.constant 2 : i32
          %rem3A_265 = arith.remui %scan3A_122, %rem3A_264 : i32
          %mul3A_266 = arith.constant 128 : i32
          %mul3A_267 = arith.muli %mul3A_266, %add3A_149 : i32
          %dma_start3A_268 = arith.constant 0 : i32
          %dma_start3A_269 = arith.constant 0 : i32
          %dma_start3A_270 = tpu.memref_slice %run_scoped3A[%rem3A_265, %dma_start3A_268, %dma_start3A_269] : memref<2x1x128xi32, #tpu.memory_space<vmem>> -> memref<1x1x128xi32, #tpu.memory_space<vmem>>
          %dma_start3A_271 = tpu.memref_squeeze %dma_start3A_270 : memref<1x1x128xi32, #tpu.memory_space<vmem>> -> memref<1x128xi32, #tpu.memory_space<vmem>>
          %dma_start3A_272 = arith.constant 0 : i32
          %dma_start3A_273 = tpu.memref_slice %arg3[%dma_start3A_272, %mul3A_267] : memref<1x327680xi32, #tpu.memory_space<hbm>> -> memref<1x128xi32, #tpu.memory_space<hbm>>
          %dma_start3A_274 = tpu.memref_slice %run_scoped3A_7[%rem3A_265] : memref<2x!tpu.dma_semaphore, #tpu.memory_space<semaphore_mem>> -> memref<1x!tpu.dma_semaphore, #tpu.memory_space<semaphore_mem>>
          %dma_start3A_275 = tpu.memref_squeeze %dma_start3A_274 : memref<1x!tpu.dma_semaphore, #tpu.memory_space<semaphore_mem>> -> memref<!tpu.dma_semaphore, #tpu.memory_space<semaphore_mem>>
          %dma_start3A_276 = arith.constant 0 : i32
          %dma_start3A_277 = arith.constant 0 : i32
          %dma_start3A_278 = tpu.memref_slice %run_scoped3A[%rem3A_265, %dma_start3A_276, %dma_start3A_277] : memref<2x1x128xi32, #tpu.memory_space<vmem>> -> memref<1x1x128xi32, #tpu.memory_space<vmem>>
          %dma_start3A_279 = tpu.memref_squeeze %dma_start3A_278 : memref<1x1x128xi32, #tpu.memory_space<vmem>> -> memref<1x128xi32, #tpu.memory_space<vmem>>
          %dma_start3A_280 = arith.constant 0 : i32
          %dma_start3A_281 = tpu.memref_slice %arg3[%dma_start3A_280, %mul3A_267] : memref<1x327680xi32, #tpu.memory_space<hbm>> -> memref<1x128xi32, #tpu.memory_space<hbm>>
          tpu.enqueue_dma source(%dma_start3A_281 : memref<1x128xi32, #tpu.memory_space<hbm>>) target(%dma_start3A_279 : memref<1x128xi32, #tpu.memory_space<vmem>>) target_semaphore(%dma_start3A_275 : memref<!tpu.dma_semaphore, #tpu.memory_space<semaphore_mem>>)
          "tpu.trace_stop"() : () -> ()
        } else {
        }
        %and3A_163 = arith.constant true
        %and3A_164 = arith.andi %and3A, %and3A_163 : i1
        %add3A_165 = arith.constant 1 : i32
        %add3A_166 = arith.addi %scan3A_122, %add3A_165 : i32
        %select_n3A_167 = arith.select %and3A_164, %add3A_166, %scan3A_122 : i32
        %ne3A_168 = arith.cmpi ne, %add3A_131, %add3A_149 : i32
        %or3A_169 = arith.constant false
        %or3A_170 = arith.ori %or3A_169, %ne3A_168 : i1
        %or3A_171 = arith.constant false
        %or3A_172 = arith.ori %or3A_170, %or3A_171 : i1
        %ge3A_173 = arith.constant 79 : i32
        %ge3A_174 = arith.cmpi sge, %scan3A_121, %ge3A_173 : i32
        %not3A_175 = arith.constant true
        %not3A_176 = arith.xori %ge3A_174, %not3A_175 : i1
        %and3A_177 = arith.andi %or3A_172, %not3A_176 : i1
        %ne3A_178 = arith.cmpi ne, %add3A_131, %add3A_140 : i32
        %or3A_179 = arith.constant false
        %or3A_180 = arith.ori %or3A_179, %ne3A_178 : i1
        %or3A_181 = arith.ori %or3A_180, %eq3A_128 : i1
        %convert_element_type3A_182 = arith.extui %or3A_181 : i1 to i32
        %cond3A_183 = arith.constant 0 : i32
        %cond3A_184 = arith.cmpi ne, %convert_element_type3A_182, %cond3A_183 : i32
        scf.if %cond3A_184 {
          "tpu.trace_start"() <{level = 10 : i32, message = "ep_wait_in"}> : () -> ()
          %mul3A_264 = arith.constant 128 : i32
          %mul3A_265 = arith.muli %mul3A_264, %add3A_131 : i32
          %rem3A_266 = arith.constant 2 : i32
          %rem3A_267 = arith.remui %scan3A_123, %rem3A_266 : i32
          %dma_wait3A_268 = arith.constant 0 : i32
          %dma_wait3A_269 = arith.constant 0 : i32
          %dma_wait3A_270 = tpu.memref_slice %run_scoped3A[%rem3A_267, %dma_wait3A_268, %dma_wait3A_269] : memref<2x1x128xi32, #tpu.memory_space<vmem>> -> memref<1x1x128xi32, #tpu.memory_space<vmem>>
          %dma_wait3A_271 = tpu.memref_squeeze %dma_wait3A_270 : memref<1x1x128xi32, #tpu.memory_space<vmem>> -> memref<1x128xi32, #tpu.memory_space<vmem>>
          %dma_wait3A_272 = arith.constant 0 : i32
          %dma_wait3A_273 = tpu.memref_slice %arg3[%dma_wait3A_272, %mul3A_265] : memref<1x327680xi32, #tpu.memory_space<hbm>> -> memref<1x128xi32, #tpu.memory_space<hbm>>
          %dma_wait3A_274 = tpu.memref_slice %run_scoped3A_7[%rem3A_267] : memref<2x!tpu.dma_semaphore, #tpu.memory_space<semaphore_mem>> -> memref<1x!tpu.dma_semaphore, #tpu.memory_space<semaphore_mem>>
          %dma_wait3A_275 = tpu.memref_squeeze %dma_wait3A_274 : memref<1x!tpu.dma_semaphore, #tpu.memory_space<semaphore_mem>> -> memref<!tpu.dma_semaphore, #tpu.memory_space<semaphore_mem>>
          %dma_wait3A_276 = arith.constant 0 : i32
          %dma_wait3A_277 = arith.constant 0 : i32
          %dma_wait3A_278 = tpu.memref_slice %run_scoped3A[%rem3A_267, %dma_wait3A_276, %dma_wait3A_277] : memref<2x1x128xi32, #tpu.memory_space<vmem>> -> memref<1x1x128xi32, #tpu.memory_space<vmem>>
          %dma_wait3A_279 = tpu.memref_squeeze %dma_wait3A_278 : memref<1x1x128xi32, #tpu.memory_space<vmem>> -> memref<1x128xi32, #tpu.memory_space<vmem>>
          %dma_wait3A_280 = arith.constant 0 : i32
          %dma_wait3A_281 = tpu.memref_slice %arg3[%dma_wait3A_280, %mul3A_265] : memref<1x327680xi32, #tpu.memory_space<hbm>> -> memref<1x128xi32, #tpu.memory_space<hbm>>
          tpu.wait_dma2 semaphore(%dma_wait3A_275 : memref<!tpu.dma_semaphore, #tpu.memory_space<semaphore_mem>>) src(%dma_wait3A_281 : memref<1x128xi32, #tpu.memory_space<hbm>>) dst(%dma_wait3A_279 : memref<1x128xi32, #tpu.memory_space<vmem>>)
          "tpu.trace_stop"() : () -> ()
        } else {
        }
        %ne3A_185 = arith.cmpi ne, %add3A_131, %add3A_140 : i32
        %or3A_186 = arith.constant false
        %or3A_187 = arith.ori %or3A_186, %ne3A_185 : i1
        %or3A_188 = arith.constant false
        %or3A_189 = arith.ori %or3A_187, %or3A_188 : i1
        %or3A_190 = arith.ori %or3A_189, %eq3A_128 : i1
        %convert_element_type3A_191 = arith.extui %or3A_190 : i1 to i32
        %cond3A_192 = arith.constant 0 : i32
        %cond3A_193 = arith.cmpi ne, %convert_element_type3A_191, %cond3A_192 : i32
        scf.if %cond3A_193 {
        } else {
        }
        %rem3A_194 = arith.constant 2 : i32
        %rem3A_195 = arith.remui %scan3A_123, %rem3A_194 : i32
        %rem3A_196 = arith.constant 2 : i32
        %rem3A_197 = arith.remui %scan3A_124, %rem3A_196 : i32
        %run_scoped3A_198 = arith.constant 0 : i32
        "tpu.trace_start"() <{level = 10 : i32, message = "ep_run_kernel"}> : () -> ()
        "tpu.region"() ({
          %run_scoped3A_264 = tpu.sem_alloc : memref<!tpu.dma_semaphore, #tpu.memory_space<semaphore_mem>>
          %dma_start3A_265 = arith.constant 0 : i32
          %dma_start3A_266 = arith.constant 0 : i32
          %dma_start3A_267 = tpu.memref_slice %run_scoped3A_8[%rem3A_197, %dma_start3A_265, %dma_start3A_266] : memref<2x128x128xf32, #tpu.memory_space<vmem>> -> memref<1x128x128xf32, #tpu.memory_space<vmem>>
          %dma_start3A_268 = tpu.memref_squeeze %dma_start3A_267 : memref<1x128x128xf32, #tpu.memory_space<vmem>> -> memref<128x128xf32, #tpu.memory_space<vmem>>
          %dma_start3A_269 = arith.constant 0 : i32
          %dma_start3A_270 = arith.constant 0 : i32
          %dma_start3A_271 = tpu.memref_slice %run_scoped3A[%rem3A_195, %dma_start3A_269, %dma_start3A_270] : memref<2x1x128xi32, #tpu.memory_space<vmem>> -> memref<1x1x128xi32, #tpu.memory_space<vmem>>
          %dma_start3A_272 = tpu.memref_squeeze %dma_start3A_271 : memref<1x1x128xi32, #tpu.memory_space<vmem>> -> memref<1x128xi32, #tpu.memory_space<vmem>>
          %dma_start3A_273 = arith.constant 0 : i32
          %dma_start3A_274 = tpu.memref_slice %dma_start3A_272[%run_scoped3A_198, %dma_start3A_273] : memref<1x128xi32, #tpu.memory_space<vmem>> -> memref<1x128xi32, #tpu.memory_space<vmem>>
          %dma_start3A_275 = tpu.memref_squeeze %dma_start3A_274 : memref<1x128xi32, #tpu.memory_space<vmem>> -> memref<128xi32, #tpu.memory_space<vmem>>
          %dma_start3A_276 = arith.constant 0 : i32
          %dma_start3A_277 = arith.constant 0 : i32
          %dma_start3A_278 = tpu.memref_slice %arg2[%dma_start3A_276, %dma_start3A_277] : memref<20480x128xf32, #tpu.memory_space<hbm>> -> memref<20480x128xf32, #tpu.memory_space<hbm>>
          tpu.enqueue_indirect_dma source(%dma_start3A_278 : memref<20480x128xf32, #tpu.memory_space<hbm>>) target(%dma_start3A_268 : memref<128x128xf32, #tpu.memory_space<vmem>>) offsets(%dma_start3A_275 : memref<128xi32, #tpu.memory_space<vmem>>) semaphore(%run_scoped3A_264 : memref<!tpu.dma_semaphore, #tpu.memory_space<semaphore_mem>>)
          %dma_wait3A_279 = arith.constant 0 : i32
          %dma_wait3A_280 = arith.constant 0 : i32
          %dma_wait3A_281 = tpu.memref_slice %run_scoped3A_8[%rem3A_197, %dma_wait3A_279, %dma_wait3A_280] : memref<2x128x128xf32, #tpu.memory_space<vmem>> -> memref<1x128x128xf32, #tpu.memory_space<vmem>>
          %dma_wait3A_282 = tpu.memref_squeeze %dma_wait3A_281 : memref<1x128x128xf32, #tpu.memory_space<vmem>> -> memref<128x128xf32, #tpu.memory_space<vmem>>
          %dma_wait3A_283 = arith.constant 0 : i32
          %dma_wait3A_284 = arith.constant 0 : i32
          %dma_wait3A_285 = tpu.memref_slice %run_scoped3A[%rem3A_195, %dma_wait3A_283, %dma_wait3A_284] : memref<2x1x128xi32, #tpu.memory_space<vmem>> -> memref<1x1x128xi32, #tpu.memory_space<vmem>>
          %dma_wait3A_286 = tpu.memref_squeeze %dma_wait3A_285 : memref<1x1x128xi32, #tpu.memory_space<vmem>> -> memref<1x128xi32, #tpu.memory_space<vmem>>
          %dma_wait3A_287 = arith.constant 0 : i32
          %dma_wait3A_288 = tpu.memref_slice %dma_wait3A_286[%run_scoped3A_198, %dma_wait3A_287] : memref<1x128xi32, #tpu.memory_space<vmem>> -> memref<1x128xi32, #tpu.memory_space<vmem>>
          %dma_wait3A_289 = tpu.memref_squeeze %dma_wait3A_288 : memref<1x128xi32, #tpu.memory_space<vmem>> -> memref<128xi32, #tpu.memory_space<vmem>>
          %dma_wait3A_290 = arith.constant 0 : i32
          %dma_wait3A_291 = arith.constant 0 : i32
          %dma_wait3A_292 = tpu.memref_slice %arg2[%dma_wait3A_290, %dma_wait3A_291] : memref<20480x128xf32, #tpu.memory_space<hbm>> -> memref<20480x128xf32, #tpu.memory_space<hbm>>
          tpu.wait_indirect_dma semaphore(%run_scoped3A_264 : memref<!tpu.dma_semaphore, #tpu.memory_space<semaphore_mem>>) src(%dma_wait3A_292 : memref<20480x128xf32, #tpu.memory_space<hbm>>) dst(%dma_wait3A_282 : memref<128x128xf32, #tpu.memory_space<vmem>>)
          tpu.yield
        }) : () -> ()
        "tpu.trace_stop"() : () -> ()
        %ne3A_199 = arith.cmpi ne, %add3A_131, %add3A_149 : i32
        %or3A_200 = arith.constant false
        %or3A_201 = arith.ori %or3A_200, %ne3A_199 : i1
        %or3A_202 = arith.ori %or3A_201, %eq3A_130 : i1
        %convert_element_type3A_203 = arith.extui %or3A_202 : i1 to i32
        %cond3A_204 = arith.constant 0 : i32
        %cond3A_205 = arith.cmpi ne, %convert_element_type3A_203, %cond3A_204 : i32
        scf.if %cond3A_205 {
        } else {
        }
        %and3A_206 = arith.constant false
        %and3A_207 = arith.andi %or3A_202, %and3A_206 : i1
        %ne3A_208 = arith.cmpi ne, %add3A_131, %add3A_149 : i32
        %or3A_209 = arith.constant false
        %or3A_210 = arith.ori %or3A_209, %ne3A_208 : i1
        %or3A_211 = arith.constant false
        %or3A_212 = arith.ori %or3A_210, %or3A_211 : i1
        %or3A_213 = arith.ori %or3A_212, %eq3A_130 : i1
        %convert_element_type3A_214 = arith.extui %or3A_213 : i1 to i32
        %cond3A_215 = arith.constant 0 : i32
        %cond3A_216 = arith.cmpi ne, %convert_element_type3A_214, %cond3A_215 : i32
        scf.if %cond3A_216 {
          "tpu.trace_start"() <{level = 10 : i32, message = "ep_copy_out"}> : () -> ()
          %rem3A_264 = arith.constant 2 : i32
          %rem3A_265 = arith.remui %scan3A_124, %rem3A_264 : i32
          %mul3A_266 = arith.constant 128 : i32
          %mul3A_267 = arith.muli %mul3A_266, %add3A_131 : i32
          %dma_start3A_268 = arith.constant 0 : i32
          %dma_start3A_269 = arith.constant 0 : i32
          %dma_start3A_270 = tpu.memref_slice %run_scoped3A_8[%rem3A_265, %dma_start3A_268, %dma_start3A_269] : memref<2x128x128xf32, #tpu.memory_space<vmem>> -> memref<1x128x128xf32, #tpu.memory_space<vmem>>
          %dma_start3A_271 = tpu.memref_squeeze %dma_start3A_270 : memref<1x128x128xf32, #tpu.memory_space<vmem>> -> memref<128x128xf32, #tpu.memory_space<vmem>>
          %dma_start3A_272 = arith.constant 0 : i32
          %dma_start3A_273 = tpu.memref_slice %arg4[%mul3A_267, %dma_start3A_272] : memref<327680x128xf32, #tpu.memory_space<hbm>> -> memref<128x128xf32, #tpu.memory_space<hbm>>
          %dma_start3A_274 = tpu.memref_slice %run_scoped3A_9[%rem3A_265] : memref<2x!tpu.dma_semaphore, #tpu.memory_space<semaphore_mem>> -> memref<1x!tpu.dma_semaphore, #tpu.memory_space<semaphore_mem>>
          %dma_start3A_275 = tpu.memref_squeeze %dma_start3A_274 : memref<1x!tpu.dma_semaphore, #tpu.memory_space<semaphore_mem>> -> memref<!tpu.dma_semaphore, #tpu.memory_space<semaphore_mem>>
          %dma_start3A_276 = arith.constant 0 : i32
          %dma_start3A_277 = tpu.memref_slice %arg4[%mul3A_267, %dma_start3A_276] : memref<327680x128xf32, #tpu.memory_space<hbm>> -> memref<128x128xf32, #tpu.memory_space<hbm>>
          %dma_start3A_278 = arith.constant 0 : i32
          %dma_start3A_279 = arith.constant 0 : i32
          %dma_start3A_280 = tpu.memref_slice %run_scoped3A_8[%rem3A_265, %dma_start3A_278, %dma_start3A_279] : memref<2x128x128xf32, #tpu.memory_space<vmem>> -> memref<1x128x128xf32, #tpu.memory_space<vmem>>
          %dma_start3A_281 = tpu.memref_squeeze %dma_start3A_280 : memref<1x128x128xf32, #tpu.memory_space<vmem>> -> memref<128x128xf32, #tpu.memory_space<vmem>>
          tpu.enqueue_dma source(%dma_start3A_281 : memref<128x128xf32, #tpu.memory_space<vmem>>) target(%dma_start3A_277 : memref<128x128xf32, #tpu.memory_space<hbm>>) target_semaphore(%dma_start3A_275 : memref<!tpu.dma_semaphore, #tpu.memory_space<semaphore_mem>>)
          "tpu.trace_stop"() : () -> ()
        } else {
        }
        %and3A_217 = arith.constant true
        %and3A_218 = arith.andi %or3A_213, %and3A_217 : i1
        %add3A_219 = arith.constant 1 : i32
        %add3A_220 = arith.addi %scan3A_124, %add3A_219 : i32
        %select_n3A_221 = arith.select %and3A_218, %add3A_220, %scan3A_124 : i32
        %ne3A_222 = arith.cmpi ne, %add3A_131, %add3A_140 : i32
        %or3A_223 = arith.constant false
        %or3A_224 = arith.ori %or3A_223, %ne3A_222 : i1
        %not3A_225 = arith.constant true
        %not3A_226 = arith.xori %eq3A_128, %not3A_225 : i1
        %and3A_227 = arith.andi %or3A_224, %not3A_226 : i1
        %convert_element_type3A_228 = arith.extui %and3A_227 : i1 to i32
        %cond3A_229 = arith.constant 0 : i32
        %cond3A_230 = arith.cmpi ne, %convert_element_type3A_228, %cond3A_229 : i32
        scf.if %cond3A_230 {
        } else {
        }
        %and3A_231 = arith.constant false
        %and3A_232 = arith.andi %and3A_227, %and3A_231 : i1
        %ne3A_233 = arith.cmpi ne, %add3A_131, %add3A_140 : i32
        %or3A_234 = arith.constant false
        %or3A_235 = arith.ori %or3A_234, %ne3A_233 : i1
        %or3A_236 = arith.constant false
        %or3A_237 = arith.ori %or3A_235, %or3A_236 : i1
        %not3A_238 = arith.constant true
        %not3A_239 = arith.xori %eq3A_128, %not3A_238 : i1
        %and3A_240 = arith.andi %or3A_237, %not3A_239 : i1
        %convert_element_type3A_241 = arith.extui %and3A_240 : i1 to i32
        %cond3A_242 = arith.constant 0 : i32
        %cond3A_243 = arith.cmpi ne, %convert_element_type3A_241, %cond3A_242 : i32
        scf.if %cond3A_243 {
          "tpu.trace_start"() <{level = 10 : i32, message = "ep_wait_out"}> : () -> ()
          %rem3A_264 = arith.constant 2 : i32
          %rem3A_265 = arith.remui %scan3A_125, %rem3A_264 : i32
          %mul3A_266 = arith.constant 128 : i32
          %mul3A_267 = arith.muli %mul3A_266, %add3A_140 : i32
          %dma_wait3A_268 = arith.constant 0 : i32
          %dma_wait3A_269 = arith.constant 0 : i32
          %dma_wait3A_270 = tpu.memref_slice %run_scoped3A_8[%rem3A_265, %dma_wait3A_268, %dma_wait3A_269] : memref<2x128x128xf32, #tpu.memory_space<vmem>> -> memref<1x128x128xf32, #tpu.memory_space<vmem>>
          %dma_wait3A_271 = tpu.memref_squeeze %dma_wait3A_270 : memref<1x128x128xf32, #tpu.memory_space<vmem>> -> memref<128x128xf32, #tpu.memory_space<vmem>>
          %dma_wait3A_272 = arith.constant 0 : i32
          %dma_wait3A_273 = tpu.memref_slice %arg4[%mul3A_267, %dma_wait3A_272] : memref<327680x128xf32, #tpu.memory_space<hbm>> -> memref<128x128xf32, #tpu.memory_space<hbm>>
          %dma_wait3A_274 = tpu.memref_slice %run_scoped3A_9[%rem3A_265] : memref<2x!tpu.dma_semaphore, #tpu.memory_space<semaphore_mem>> -> memref<1x!tpu.dma_semaphore, #tpu.memory_space<semaphore_mem>>
          %dma_wait3A_275 = tpu.memref_squeeze %dma_wait3A_274 : memref<1x!tpu.dma_semaphore, #tpu.memory_space<semaphore_mem>> -> memref<!tpu.dma_semaphore, #tpu.memory_space<semaphore_mem>>
          %dma_wait3A_276 = arith.constant 0 : i32
          %dma_wait3A_277 = tpu.memref_slice %arg4[%mul3A_267, %dma_wait3A_276] : memref<327680x128xf32, #tpu.memory_space<hbm>> -> memref<128x128xf32, #tpu.memory_space<hbm>>
          %dma_wait3A_278 = arith.constant 0 : i32
          %dma_wait3A_279 = arith.constant 0 : i32
          %dma_wait3A_280 = tpu.memref_slice %run_scoped3A_8[%rem3A_265, %dma_wait3A_278, %dma_wait3A_279] : memref<2x128x128xf32, #tpu.memory_space<vmem>> -> memref<1x128x128xf32, #tpu.memory_space<vmem>>
          %dma_wait3A_281 = tpu.memref_squeeze %dma_wait3A_280 : memref<1x128x128xf32, #tpu.memory_space<vmem>> -> memref<128x128xf32, #tpu.memory_space<vmem>>
          tpu.wait_dma2 semaphore(%dma_wait3A_275 : memref<!tpu.dma_semaphore, #tpu.memory_space<semaphore_mem>>) src(%dma_wait3A_281 : memref<128x128xf32, #tpu.memory_space<vmem>>) dst(%dma_wait3A_277 : memref<128x128xf32, #tpu.memory_space<hbm>>)
          "tpu.trace_stop"() : () -> ()
        } else {
        }
        %and3A_244 = arith.constant true
        %and3A_245 = arith.andi %and3A_240, %and3A_244 : i1
        %add3A_246 = arith.constant 1 : i32
        %add3A_247 = arith.addi %scan3A_125, %add3A_246 : i32
        %select_n3A_248 = arith.select %and3A_245, %add3A_247, %scan3A_125 : i32
        %ne3A_249 = arith.cmpi ne, %add3A_131, %add3A_149 : i32
        %or3A_250 = arith.constant false
        %or3A_251 = arith.ori %or3A_250, %ne3A_249 : i1
        %or3A_252 = arith.ori %or3A_251, %eq3A_130 : i1
        %add3A_253 = arith.constant 1 : i32
        %add3A_254 = arith.addi %scan3A_123, %add3A_253 : i32
        %select_n3A_255 = arith.select %or3A_252, %add3A_254, %scan3A_123 : i32
        %add3A_256 = arith.constant 1 : i32
        %add3A_257 = arith.addi %scan3A_126, %add3A_256 : i32
        %select_n3A_258 = arith.constant true
        %select_n3A_259 = arith.select %select_n3A_258, %add3A_257, %scan3A_126 : i32
        %eq3A_260 = arith.constant 80 : i32
        %eq3A_261 = arith.cmpi eq, %select_n3A_259, %eq3A_260 : i32
        %select_n3A_262 = arith.constant 0 : i32
        %select_n3A_263 = arith.select %eq3A_261, %select_n3A_262, %select_n3A_259 : i32
        scf.yield %select_n3A_167, %select_n3A_255, %select_n3A_221, %select_n3A_248, %select_n3A_263 : i32, i32, i32, i32, i32
      }
      %scan3A_68 = arith.constant 80 : i32
      %sub3A = arith.constant 1 : i32
      %sub3A_69 = arith.subi %scan3A_67#4, %sub3A : i32
      %select_n3A_70 = arith.constant true
      %select_n3A_71 = arith.select %select_n3A_70, %sub3A_69, %scan3A_67#4 : i32
      %eq3A_72 = arith.constant -1 : i32
      %eq3A_73 = arith.cmpi eq, %select_n3A_71, %eq3A_72 : i32
      %select_n3A_74 = arith.constant 79 : i32
      %select_n3A_75 = arith.select %eq3A_73, %select_n3A_74, %select_n3A_71 : i32
      %add3A_76 = arith.addi %select_n3A_75, %mul3A_6 : i32
      %sub3A_77 = arith.constant 1 : i32
      %sub3A_78 = arith.subi %select_n3A_75, %sub3A_77 : i32
      %select_n3A_79 = arith.constant true
      %select_n3A_80 = arith.select %select_n3A_79, %sub3A_78, %select_n3A_75 : i32
      %eq3A_81 = arith.constant -1 : i32
      %eq3A_82 = arith.cmpi eq, %select_n3A_80, %eq3A_81 : i32
      %select_n3A_83 = arith.constant 79 : i32
      %select_n3A_84 = arith.select %eq3A_82, %select_n3A_83, %select_n3A_80 : i32
      %add3A_85 = arith.addi %select_n3A_84, %mul3A_6 : i32
      %add3A_86 = arith.constant 1 : i32
      %add3A_87 = arith.addi %select_n3A_75, %add3A_86 : i32
      %select_n3A_88 = arith.constant true
      %select_n3A_89 = arith.select %select_n3A_88, %add3A_87, %select_n3A_75 : i32
      %eq3A_90 = arith.constant 80 : i32
      %eq3A_91 = arith.cmpi eq, %select_n3A_89, %eq3A_90 : i32
      %select_n3A_92 = arith.constant 0 : i32
      %select_n3A_93 = arith.select %eq3A_91, %select_n3A_92, %select_n3A_89 : i32
      %add3A_94 = arith.addi %select_n3A_93, %mul3A_6 : i32
      %add3A_95 = arith.constant 1 : i32
      %add3A_96 = arith.addi %select_n3A_93, %add3A_95 : i32
      %select_n3A_97 = arith.constant true
      %select_n3A_98 = arith.select %select_n3A_97, %add3A_96, %select_n3A_93 : i32
      %eq3A_99 = arith.constant 80 : i32
      %eq3A_100 = arith.cmpi eq, %select_n3A_98, %eq3A_99 : i32
      %select_n3A_101 = arith.constant 0 : i32
      %select_n3A_102 = arith.select %eq3A_100, %select_n3A_101, %select_n3A_98 : i32
      %add3A_103 = arith.addi %select_n3A_102, %mul3A_6 : i32
      "tpu.trace_start"() <{level = 10 : i32, message = "ep_finalize"}> : () -> ()
      %rem3A_104 = arith.constant 2 : i32
      %rem3A_105 = arith.remui %scan3A_67#3, %rem3A_104 : i32
      %mul3A_106 = arith.constant 128 : i32
      %mul3A_107 = arith.muli %mul3A_106, %add3A_76 : i32
      %dma_wait3A = arith.constant 0 : i32
      %dma_wait3A_108 = arith.constant 0 : i32
      %dma_wait3A_109 = tpu.memref_slice %run_scoped3A_8[%rem3A_105, %dma_wait3A, %dma_wait3A_108] : memref<2x128x128xf32, #tpu.memory_space<vmem>> -> memref<1x128x128xf32, #tpu.memory_space<vmem>>
      %dma_wait3A_110 = tpu.memref_squeeze %dma_wait3A_109 : memref<1x128x128xf32, #tpu.memory_space<vmem>> -> memref<128x128xf32, #tpu.memory_space<vmem>>
      %dma_wait3A_111 = arith.constant 0 : i32
      %dma_wait3A_112 = tpu.memref_slice %arg4[%mul3A_107, %dma_wait3A_111] : memref<327680x128xf32, #tpu.memory_space<hbm>> -> memref<128x128xf32, #tpu.memory_space<hbm>>
      %dma_wait3A_113 = tpu.memref_slice %run_scoped3A_9[%rem3A_105] : memref<2x!tpu.dma_semaphore, #tpu.memory_space<semaphore_mem>> -> memref<1x!tpu.dma_semaphore, #tpu.memory_space<semaphore_mem>>
      %dma_wait3A_114 = tpu.memref_squeeze %dma_wait3A_113 : memref<1x!tpu.dma_semaphore, #tpu.memory_space<semaphore_mem>> -> memref<!tpu.dma_semaphore, #tpu.memory_space<semaphore_mem>>
      %dma_wait3A_115 = arith.constant 0 : i32
      %dma_wait3A_116 = tpu.memref_slice %arg4[%mul3A_107, %dma_wait3A_115] : memref<327680x128xf32, #tpu.memory_space<hbm>> -> memref<128x128xf32, #tpu.memory_space<hbm>>
      %dma_wait3A_117 = arith.constant 0 : i32
      %dma_wait3A_118 = arith.constant 0 : i32
      %dma_wait3A_119 = tpu.memref_slice %run_scoped3A_8[%rem3A_105, %dma_wait3A_117, %dma_wait3A_118] : memref<2x128x128xf32, #tpu.memory_space<vmem>> -> memref<1x128x128xf32, #tpu.memory_space<vmem>>
      %dma_wait3A_120 = tpu.memref_squeeze %dma_wait3A_119 : memref<1x128x128xf32, #tpu.memory_space<vmem>> -> memref<128x128xf32, #tpu.memory_space<vmem>>
      tpu.wait_dma2 semaphore(%dma_wait3A_114 : memref<!tpu.dma_semaphore, #tpu.memory_space<semaphore_mem>>) src(%dma_wait3A_120 : memref<128x128xf32, #tpu.memory_space<vmem>>) dst(%dma_wait3A_116 : memref<128x128xf32, #tpu.memory_space<hbm>>)
      "tpu.trace_stop"() : () -> ()
      tpu.yield
    }) : () -> ()
    return
  }
}

module attributes {stable_mosaic.version = 14 : i64} {
  func.func @_pre_body(%arg0: i32, %arg1: memref<512x1xi32, #tpu.memory_space<vmem>>, %arg2: memref<512x1xi32, #tpu.memory_space<vmem>>, %arg3: memref<128x1xf32, #tpu.memory_space<vmem>>, %arg4: memref<1x64xf32, #tpu.memory_space<vmem>>, %arg5: memref<128x128xf32, #tpu.memory_space<vmem>>, %arg6: memref<128x128xf32, #tpu.memory_space<vmem>>, %arg7: memref<64x128xf32, #tpu.memory_space<vmem>>, %arg8: memref<1x128xf32, #tpu.memory_space<vmem>>, %arg9: memref<1x128xf32, #tpu.memory_space<vmem>>, %arg10: memref<1x128xf32, #tpu.memory_space<vmem>>, %arg11: memref<128x128xf32, #tpu.memory_space<vmem>>, %arg12: memref<128x128xf32, #tpu.memory_space<vmem>>, %arg13: memref<128x8xf32, #tpu.memory_space<vmem>>, %arg14: memref<8x128xf32, #tpu.memory_space<vmem>>, %arg15: memref<1x128xf32, #tpu.memory_space<vmem>>, %arg16: memref<512x128xf32, #tpu.memory_space<vmem>>, %arg17: memref<512x128xf32, #tpu.memory_space<vmem>>, %arg18: memref<512x128xf32, #tpu.memory_space<vmem>>, %arg19: memref<512x128xf32, #tpu.memory_space<vmem>>) attributes {dimension_semantics = [#tpu.dimension_semantics<arbitrary>], iteration_bounds = array<i64: 20>, scalar_prefetch = 0 : i64, scratch_operands = 0 : i64, tpu.core_type = #tpu.core_type<tc>, window_params = [{transform_indices = @transform_0, window_bounds = array<i64: 512, 1>}, {transform_indices = @transform_1, window_bounds = array<i64: 512, 1>}, {pipeline_mode = #tpu.pipeline_mode<synchronous>, transform_indices = @transform_2, window_bounds = array<i64: 128, 1>}, {pipeline_mode = #tpu.pipeline_mode<synchronous>, transform_indices = @transform_3, window_bounds = array<i64: 1, 64>}, {pipeline_mode = #tpu.pipeline_mode<synchronous>, transform_indices = @transform_4, window_bounds = array<i64: 128, 128>}, {pipeline_mode = #tpu.pipeline_mode<synchronous>, transform_indices = @transform_5, window_bounds = array<i64: 128, 128>}, {pipeline_mode = #tpu.pipeline_mode<synchronous>, transform_indices = @transform_6, window_bounds = array<i64: 64, 128>}, {pipeline_mode = #tpu.pipeline_mode<synchronous>, transform_indices = @transform_7, window_bounds = array<i64: 1, 128>}, {pipeline_mode = #tpu.pipeline_mode<synchronous>, transform_indices = @transform_8, window_bounds = array<i64: 1, 128>}, {pipeline_mode = #tpu.pipeline_mode<synchronous>, transform_indices = @transform_9, window_bounds = array<i64: 1, 128>}, {pipeline_mode = #tpu.pipeline_mode<synchronous>, transform_indices = @transform_10, window_bounds = array<i64: 128, 128>}, {pipeline_mode = #tpu.pipeline_mode<synchronous>, transform_indices = @transform_11, window_bounds = array<i64: 128, 128>}, {pipeline_mode = #tpu.pipeline_mode<synchronous>, transform_indices = @transform_12, window_bounds = array<i64: 128, 8>}, {pipeline_mode = #tpu.pipeline_mode<synchronous>, transform_indices = @transform_13, window_bounds = array<i64: 8, 128>}, {pipeline_mode = #tpu.pipeline_mode<synchronous>, transform_indices = @transform_14, window_bounds = array<i64: 1, 128>}, {transform_indices = @transform_15, window_bounds = array<i64: 512, 128>}, {transform_indices = @transform_16, window_bounds = array<i64: 512, 128>}, {transform_indices = @transform_17, window_bounds = array<i64: 512, 128>}, {transform_indices = @transform_18, window_bounds = array<i64: 512, 128>}]} {
    %iota3A = tpu.iota {dimensions = array<i32: 1>} : vector<512x128xi32>
    %get3A = arith.constant 0 : index
    %get3A_0 = arith.constant 0 : index
    %get3A_1 = vector.load %arg1[%get3A, %get3A_0] : memref<512x1xi32, #tpu.memory_space<vmem>>, vector<512x1xi32>
    %eq3A = vector.broadcast %get3A_1 : vector<512x1xi32> to vector<512x128xi32>
    %eq3A_2 = arith.cmpi eq, %eq3A, %iota3A : vector<512x128xi32>
    %convert_element_type3A = arith.extui %eq3A_2 : vector<512x128xi1> to vector<512x128xi32>
    %convert_element_type3A_3 = arith.sitofp %convert_element_type3A : vector<512x128xi32> to vector<512x128xf32>
    %get3A_4 = arith.constant 0 : index
    %get3A_5 = arith.constant 0 : index
    %get3A_6 = vector.load %arg2[%get3A_4, %get3A_5] : memref<512x1xi32, #tpu.memory_space<vmem>>, vector<512x1xi32>
    %eq3A_7 = vector.broadcast %get3A_6 : vector<512x1xi32> to vector<512x128xi32>
    %eq3A_8 = arith.cmpi eq, %eq3A_7, %iota3A : vector<512x128xi32>
    %convert_element_type3A_9 = arith.extui %eq3A_8 : vector<512x128xi1> to vector<512x128xi32>
    %convert_element_type3A_10 = arith.sitofp %convert_element_type3A_9 : vector<512x128xi32> to vector<512x128xf32>
    %get3A_11 = arith.constant 0 : index
    %get3A_12 = arith.constant 0 : index
    %get3A_13 = vector.load %arg3[%get3A_11, %get3A_12] : memref<128x1xf32, #tpu.memory_space<vmem>>, vector<128x1xf32>
    %get3A_14 = arith.constant 0 : index
    %get3A_15 = arith.constant 0 : index
    %get3A_16 = vector.load %arg4[%get3A_14, %get3A_15] : memref<1x64xf32, #tpu.memory_space<vmem>>, vector<1x64xf32>
    %dot_general3A = arith.constant dense<0.000000e+00> : vector<128x64xf32>
    %dot_general3A_17 = tpu.matmul %get3A_13, %get3A_16, %dot_general3A {dimension_numbers = #tpu.dot_dimension_numbers<[1], [0], [0], [1], [0, 0, 1, 1], [], []>, transpose_lhs_hint = false} : vector<128x1xf32>, vector<1x64xf32>, vector<128x64xf32> -> vector<128x64xf32>
    %get3A_18 = arith.constant 0 : index
    %get3A_19 = arith.constant 0 : index
    %get3A_20 = vector.load %arg5[%get3A_18, %get3A_19] : memref<128x128xf32, #tpu.memory_space<vmem>>, vector<128x128xf32>
    %dot_general3A_21 = arith.constant dense<0.000000e+00> : vector<512x128xf32>
    %dot_general3A_22 = tpu.matmul %convert_element_type3A_3, %get3A_20, %dot_general3A_21 {dimension_numbers = #tpu.dot_dimension_numbers<[1], [0], [0], [1], [0, 0, 1, 1], [], []>, transpose_lhs_hint = false} : vector<512x128xf32>, vector<128x128xf32>, vector<512x128xf32> -> vector<512x128xf32>
    %dot_general3A_23 = arith.constant dense<0.000000e+00> : vector<512x64xf32>
    %dot_general3A_24 = tpu.matmul %convert_element_type3A_10, %dot_general3A_17, %dot_general3A_23 {dimension_numbers = #tpu.dot_dimension_numbers<[1], [0], [0], [1], [0, 0, 1, 1], [], []>, transpose_lhs_hint = false} : vector<512x128xf32>, vector<128x64xf32>, vector<512x64xf32> -> vector<512x64xf32>
    %get3A_25 = arith.constant 0 : index
    %get3A_26 = arith.constant 0 : index
    %get3A_27 = vector.load %arg6[%get3A_25, %get3A_26] : memref<128x128xf32, #tpu.memory_space<vmem>>, vector<128x128xf32>
    %dot_general3A_28 = arith.constant dense<0.000000e+00> : vector<512x128xf32>
    %dot_general3A_29 = tpu.matmul %dot_general3A_22, %get3A_27, %dot_general3A_28 {dimension_numbers = #tpu.dot_dimension_numbers<[1], [0], [0], [1], [0, 0, 1, 1], [], []>, transpose_lhs_hint = false} : vector<512x128xf32>, vector<128x128xf32>, vector<512x128xf32> -> vector<512x128xf32>
    %get3A_30 = arith.constant 0 : index
    %get3A_31 = arith.constant 0 : index
    %get3A_32 = vector.load %arg7[%get3A_30, %get3A_31] : memref<64x128xf32, #tpu.memory_space<vmem>>, vector<64x128xf32>
    %dot_general3A_33 = arith.constant dense<0.000000e+00> : vector<512x128xf32>
    %dot_general3A_34 = tpu.matmul %dot_general3A_24, %get3A_32, %dot_general3A_33 {dimension_numbers = #tpu.dot_dimension_numbers<[1], [0], [0], [1], [0, 0, 1, 1], [], []>, transpose_lhs_hint = false} : vector<512x64xf32>, vector<64x128xf32>, vector<512x128xf32> -> vector<512x128xf32>
    %add3A = arith.addf %dot_general3A_29, %dot_general3A_34 : vector<512x128xf32>
    %get3A_35 = arith.constant 0 : index
    %get3A_36 = arith.constant 0 : index
    %get3A_37 = vector.load %arg8[%get3A_35, %get3A_36] : memref<1x128xf32, #tpu.memory_space<vmem>>, vector<1x128xf32>
    %add3A_38 = vector.broadcast %get3A_37 : vector<1x128xf32> to vector<512x128xf32>
    %add3A_39 = arith.addf %add3A, %add3A_38 : vector<512x128xf32>
    %logistic3A = arith.negf %add3A_39 : vector<512x128xf32>
    %logistic3A_40 = math.exp %logistic3A : vector<512x128xf32>
    %logistic3A_41 = arith.constant 1.000000e+00 : f32
    %logistic3A_42 = vector.broadcast %logistic3A_41 : f32 to vector<512x128xf32>
    %logistic3A_43 = arith.addf %logistic3A_42, %logistic3A_40 : vector<512x128xf32>
    %logistic3A_44 = arith.divf %logistic3A_42, %logistic3A_43 : vector<512x128xf32>
    %mul3A = arith.mulf %add3A_39, %logistic3A_44 : vector<512x128xf32>
    %get3A_45 = arith.constant 0 : index
    %get3A_46 = arith.constant 0 : index
    %get3A_47 = vector.load %arg9[%get3A_45, %get3A_46] : memref<1x128xf32, #tpu.memory_space<vmem>>, vector<1x128xf32>
    %get3A_48 = arith.constant 0 : index
    %get3A_49 = arith.constant 0 : index
    %get3A_50 = vector.load %arg10[%get3A_48, %get3A_49] : memref<1x128xf32, #tpu.memory_space<vmem>>, vector<1x128xf32>
    %reduce_sum3A = arith.constant dense<0.000000e+00> : vector<512xf32>
    %reduce_sum3A_51 = vector.multi_reduction <add>, %mul3A, %reduce_sum3A [1] : vector<512x128xf32> to vector<512xf32>
    %broadcast_in_dim3A = vector.shape_cast %reduce_sum3A_51 : vector<512xf32> to vector<512x1xf32>
    %div3A = arith.constant 1.280000e+02 : f32
    %div3A_52 = vector.broadcast %div3A : f32 to vector<512x1xf32>
    %div3A_53 = arith.divf %broadcast_in_dim3A, %div3A_52 : vector<512x1xf32>
    %sub3A = vector.broadcast %div3A_53 : vector<512x1xf32> to vector<512x128xf32>
    %sub3A_54 = arith.subf %mul3A, %sub3A : vector<512x128xf32>
    %integer_pow3A = arith.mulf %sub3A_54, %sub3A_54 : vector<512x128xf32>
    %reduce_sum3A_55 = arith.constant dense<0.000000e+00> : vector<512xf32>
    %reduce_sum3A_56 = vector.multi_reduction <add>, %integer_pow3A, %reduce_sum3A_55 [1] : vector<512x128xf32> to vector<512xf32>
    %broadcast_in_dim3A_57 = vector.shape_cast %reduce_sum3A_56 : vector<512xf32> to vector<512x1xf32>
    %div3A_58 = arith.constant 1.280000e+02 : f32
    %div3A_59 = vector.broadcast %div3A_58 : f32 to vector<512x1xf32>
    %div3A_60 = arith.divf %broadcast_in_dim3A_57, %div3A_59 : vector<512x1xf32>
    %sub3A_61 = vector.broadcast %div3A_53 : vector<512x1xf32> to vector<512x128xf32>
    %sub3A_62 = arith.subf %mul3A, %sub3A_61 : vector<512x128xf32>
    %add3A_63 = arith.constant 9.99999974E-6 : f32
    %add3A_64 = vector.broadcast %add3A_63 : f32 to vector<512x1xf32>
    %add3A_65 = arith.addf %div3A_60, %add3A_64 : vector<512x1xf32>
    %sqrt3A = math.sqrt %add3A_65 : vector<512x1xf32>
    %div3A_66 = vector.broadcast %sqrt3A : vector<512x1xf32> to vector<512x128xf32>
    %div3A_67 = arith.divf %sub3A_62, %div3A_66 : vector<512x128xf32>
    %mul3A_68 = vector.broadcast %get3A_47 : vector<1x128xf32> to vector<512x128xf32>
    %mul3A_69 = arith.mulf %div3A_67, %mul3A_68 : vector<512x128xf32>
    %add3A_70 = vector.broadcast %get3A_50 : vector<1x128xf32> to vector<512x128xf32>
    %add3A_71 = arith.addf %mul3A_69, %add3A_70 : vector<512x128xf32>
    %get3A_72 = arith.constant 0 : index
    %get3A_73 = arith.constant 0 : index
    %get3A_74 = vector.load %arg13[%get3A_72, %get3A_73] : memref<128x8xf32, #tpu.memory_space<vmem>>, vector<128x8xf32>
    %get3A_75 = arith.constant 0 : index
    %get3A_76 = arith.constant 0 : index
    %get3A_77 = vector.load %arg14[%get3A_75, %get3A_76] : memref<8x128xf32, #tpu.memory_space<vmem>>, vector<8x128xf32>
    %dot_general3A_78 = arith.constant dense<0.000000e+00> : vector<128x128xf32>
    %dot_general3A_79 = tpu.matmul %get3A_74, %get3A_77, %dot_general3A_78 {dimension_numbers = #tpu.dot_dimension_numbers<[1], [0], [0], [1], [0, 0, 1, 1], [], []>, transpose_lhs_hint = false} : vector<128x8xf32>, vector<8x128xf32>, vector<128x128xf32> -> vector<128x128xf32>
    %get3A_80 = arith.constant 0 : index
    %get3A_81 = arith.constant 0 : index
    %get3A_82 = vector.load %arg15[%get3A_80, %get3A_81] : memref<1x128xf32, #tpu.memory_space<vmem>>, vector<1x128xf32>
    %add3A_83 = vector.broadcast %get3A_82 : vector<1x128xf32> to vector<128x128xf32>
    %add3A_84 = arith.addf %dot_general3A_79, %add3A_83 : vector<128x128xf32>
    %dot_general3A_85 = arith.constant dense<0.000000e+00> : vector<512x128xf32>
    %dot_general3A_86 = tpu.matmul %convert_element_type3A_10, %add3A_84, %dot_general3A_85 {dimension_numbers = #tpu.dot_dimension_numbers<[1], [0], [0], [1], [0, 0, 1, 1], [], []>, transpose_lhs_hint = false} : vector<512x128xf32>, vector<128x128xf32>, vector<512x128xf32> -> vector<512x128xf32>
    %swap3A = arith.constant 0 : index
    %swap3A_87 = arith.constant 0 : index
    %swap3A_88 = vector.load %arg16[%swap3A, %swap3A_87] : memref<512x128xf32, #tpu.memory_space<vmem>>, vector<512x128xf32>
    tpu.vector_store %arg16[%swap3A, %swap3A_87], %mul3A {strides = array<i32>} : memref<512x128xf32, #tpu.memory_space<vmem>>, vector<512x128xf32>,
    %swap3A_89 = arith.constant 0 : index
    %swap3A_90 = arith.constant 0 : index
    %swap3A_91 = vector.load %arg17[%swap3A_89, %swap3A_90] : memref<512x128xf32, #tpu.memory_space<vmem>>, vector<512x128xf32>
    tpu.vector_store %arg17[%swap3A_89, %swap3A_90], %add3A_71 {strides = array<i32>} : memref<512x128xf32, #tpu.memory_space<vmem>>, vector<512x128xf32>,
    %get3A_92 = arith.constant 0 : index
    %get3A_93 = arith.constant 0 : index
    %get3A_94 = vector.load %arg11[%get3A_92, %get3A_93] : memref<128x128xf32, #tpu.memory_space<vmem>>, vector<128x128xf32>
    %dot_general3A_95 = arith.constant dense<0.000000e+00> : vector<512x128xf32>
    %dot_general3A_96 = tpu.matmul %add3A_71, %get3A_94, %dot_general3A_95 {dimension_numbers = #tpu.dot_dimension_numbers<[1], [0], [0], [1], [0, 0, 1, 1], [], []>, transpose_lhs_hint = false} : vector<512x128xf32>, vector<128x128xf32>, vector<512x128xf32> -> vector<512x128xf32>
    %add3A_97 = arith.addf %dot_general3A_96, %dot_general3A_86 : vector<512x128xf32>
    %swap3A_98 = arith.constant 0 : index
    %swap3A_99 = arith.constant 0 : index
    %swap3A_100 = vector.load %arg18[%swap3A_98, %swap3A_99] : memref<512x128xf32, #tpu.memory_space<vmem>>, vector<512x128xf32>
    tpu.vector_store %arg18[%swap3A_98, %swap3A_99], %add3A_97 {strides = array<i32>} : memref<512x128xf32, #tpu.memory_space<vmem>>, vector<512x128xf32>,
    %get3A_101 = arith.constant 0 : index
    %get3A_102 = arith.constant 0 : index
    %get3A_103 = vector.load %arg12[%get3A_101, %get3A_102] : memref<128x128xf32, #tpu.memory_space<vmem>>, vector<128x128xf32>
    %dot_general3A_104 = arith.constant dense<0.000000e+00> : vector<512x128xf32>
    %dot_general3A_105 = tpu.matmul %add3A_71, %get3A_103, %dot_general3A_104 {dimension_numbers = #tpu.dot_dimension_numbers<[1], [0], [0], [1], [0, 0, 1, 1], [], []>, transpose_lhs_hint = false} : vector<512x128xf32>, vector<128x128xf32>, vector<512x128xf32> -> vector<512x128xf32>
    %swap3A_106 = arith.constant 0 : index
    %swap3A_107 = arith.constant 0 : index
    %swap3A_108 = vector.load %arg19[%swap3A_106, %swap3A_107] : memref<512x128xf32, #tpu.memory_space<vmem>>, vector<512x128xf32>
    tpu.vector_store %arg19[%swap3A_106, %swap3A_107], %dot_general3A_105 {strides = array<i32>} : memref<512x128xf32, #tpu.memory_space<vmem>>, vector<512x128xf32>,
    return
  }
  func.func @transform_0(%arg0: i32) -> (i32, i32) {
    %c0_i32 = arith.constant 0 : i32
    %c0_i32_0 = arith.constant 0 : i32
    return %arg0, %c0_i32 : i32, i32
  }
  func.func @transform_1(%arg0: i32) -> (i32, i32) {
    %c0_i32 = arith.constant 0 : i32
    %c0_i32_0 = arith.constant 0 : i32
    return %arg0, %c0_i32 : i32, i32
  }
  func.func @transform_2(%arg0: i32) -> (i32, i32) {
    %c0_i32 = arith.constant 0 : i32
    %c0_i32_0 = arith.constant 0 : i32
    %c0_i32_1 = arith.constant 0 : i32
    return %c0_i32, %c0_i32_0 : i32, i32
  }
  func.func @transform_3(%arg0: i32) -> (i32, i32) {
    %c0_i32 = arith.constant 0 : i32
    %c0_i32_0 = arith.constant 0 : i32
    %c0_i32_1 = arith.constant 0 : i32
    return %c0_i32, %c0_i32_0 : i32, i32
  }
  func.func @transform_4(%arg0: i32) -> (i32, i32) {
    %c0_i32 = arith.constant 0 : i32
    %c0_i32_0 = arith.constant 0 : i32
    %c0_i32_1 = arith.constant 0 : i32
    return %c0_i32, %c0_i32_0 : i32, i32
  }
  func.func @transform_5(%arg0: i32) -> (i32, i32) {
    %c0_i32 = arith.constant 0 : i32
    %c0_i32_0 = arith.constant 0 : i32
    %c0_i32_1 = arith.constant 0 : i32
    return %c0_i32, %c0_i32_0 : i32, i32
  }
  func.func @transform_6(%arg0: i32) -> (i32, i32) {
    %c0_i32 = arith.constant 0 : i32
    %c0_i32_0 = arith.constant 0 : i32
    %c0_i32_1 = arith.constant 0 : i32
    return %c0_i32, %c0_i32_0 : i32, i32
  }
  func.func @transform_7(%arg0: i32) -> (i32, i32) {
    %c0_i32 = arith.constant 0 : i32
    %c0_i32_0 = arith.constant 0 : i32
    %c0_i32_1 = arith.constant 0 : i32
    return %c0_i32, %c0_i32_0 : i32, i32
  }
  func.func @transform_8(%arg0: i32) -> (i32, i32) {
    %c0_i32 = arith.constant 0 : i32
    %c0_i32_0 = arith.constant 0 : i32
    %c0_i32_1 = arith.constant 0 : i32
    return %c0_i32, %c0_i32_0 : i32, i32
  }
  func.func @transform_9(%arg0: i32) -> (i32, i32) {
    %c0_i32 = arith.constant 0 : i32
    %c0_i32_0 = arith.constant 0 : i32
    %c0_i32_1 = arith.constant 0 : i32
    return %c0_i32, %c0_i32_0 : i32, i32
  }
  func.func @transform_10(%arg0: i32) -> (i32, i32) {
    %c0_i32 = arith.constant 0 : i32
    %c0_i32_0 = arith.constant 0 : i32
    %c0_i32_1 = arith.constant 0 : i32
    return %c0_i32, %c0_i32_0 : i32, i32
  }
  func.func @transform_11(%arg0: i32) -> (i32, i32) {
    %c0_i32 = arith.constant 0 : i32
    %c0_i32_0 = arith.constant 0 : i32
    %c0_i32_1 = arith.constant 0 : i32
    return %c0_i32, %c0_i32_0 : i32, i32
  }
  func.func @transform_12(%arg0: i32) -> (i32, i32) {
    %c0_i32 = arith.constant 0 : i32
    %c0_i32_0 = arith.constant 0 : i32
    %c0_i32_1 = arith.constant 0 : i32
    return %c0_i32, %c0_i32_0 : i32, i32
  }
  func.func @transform_13(%arg0: i32) -> (i32, i32) {
    %c0_i32 = arith.constant 0 : i32
    %c0_i32_0 = arith.constant 0 : i32
    %c0_i32_1 = arith.constant 0 : i32
    return %c0_i32, %c0_i32_0 : i32, i32
  }
  func.func @transform_14(%arg0: i32) -> (i32, i32) {
    %c0_i32 = arith.constant 0 : i32
    %c0_i32_0 = arith.constant 0 : i32
    %c0_i32_1 = arith.constant 0 : i32
    return %c0_i32, %c0_i32_0 : i32, i32
  }
  func.func @transform_15(%arg0: i32) -> (i32, i32) {
    %c0_i32 = arith.constant 0 : i32
    %c0_i32_0 = arith.constant 0 : i32
    return %arg0, %c0_i32 : i32, i32
  }
  func.func @transform_16(%arg0: i32) -> (i32, i32) {
    %c0_i32 = arith.constant 0 : i32
    %c0_i32_0 = arith.constant 0 : i32
    return %arg0, %c0_i32 : i32, i32
  }
  func.func @transform_17(%arg0: i32) -> (i32, i32) {
    %c0_i32 = arith.constant 0 : i32
    %c0_i32_0 = arith.constant 0 : i32
    return %arg0, %c0_i32 : i32, i32
  }
  func.func @transform_18(%arg0: i32) -> (i32, i32) {
    %c0_i32 = arith.constant 0 : i32
    %c0_i32_0 = arith.constant 0 : i32
    return %arg0, %c0_i32 : i32, i32
  }
}

module attributes {stable_mosaic.version = 14 : i64} {
  func.func @_edge_body(%arg0: i32, %arg1: memref<512x128xf32, #tpu.memory_space<vmem>>, %arg2: memref<512x128xf32, #tpu.memory_space<vmem>>, %arg3: memref<512x8xf32, #tpu.memory_space<vmem>>, %arg4: memref<8x128xf32, #tpu.memory_space<vmem>>, %arg5: memref<128x128xf32, #tpu.memory_space<vmem>>, %arg6: memref<1x128xf32, #tpu.memory_space<vmem>>, %arg7: memref<512x128xf32, #tpu.memory_space<vmem>>) attributes {dimension_semantics = [#tpu.dimension_semantics<arbitrary>], iteration_bounds = array<i64: 320>, scalar_prefetch = 0 : i64, scratch_operands = 0 : i64, tpu.core_type = #tpu.core_type<tc>, window_params = [{transform_indices = @transform_0, window_bounds = array<i64: 512, 128>}, {transform_indices = @transform_1, window_bounds = array<i64: 512, 128>}, {transform_indices = @transform_2, window_bounds = array<i64: 512, 8>}, {pipeline_mode = #tpu.pipeline_mode<synchronous>, transform_indices = @transform_3, window_bounds = array<i64: 8, 128>}, {pipeline_mode = #tpu.pipeline_mode<synchronous>, transform_indices = @transform_4, window_bounds = array<i64: 128, 128>}, {pipeline_mode = #tpu.pipeline_mode<synchronous>, transform_indices = @transform_5, window_bounds = array<i64: 1, 128>}, {transform_indices = @transform_6, window_bounds = array<i64: 512, 128>}]} {
    %get3A = arith.constant 0 : index
    %get3A_0 = arith.constant 0 : index
    %get3A_1 = vector.load %arg1[%get3A, %get3A_0] : memref<512x128xf32, #tpu.memory_space<vmem>>, vector<512x128xf32>
    %get3A_2 = arith.constant 0 : index
    %get3A_3 = arith.constant 0 : index
    %get3A_4 = vector.load %arg2[%get3A_2, %get3A_3] : memref<512x128xf32, #tpu.memory_space<vmem>>, vector<512x128xf32>
    %add3A = arith.addf %get3A_1, %get3A_4 : vector<512x128xf32>
    %get3A_5 = arith.constant 0 : index
    %get3A_6 = arith.constant 0 : index
    %get3A_7 = vector.load %arg3[%get3A_5, %get3A_6] : memref<512x8xf32, #tpu.memory_space<vmem>>, vector<512x8xf32>
    %get3A_8 = arith.constant 0 : index
    %get3A_9 = arith.constant 0 : index
    %get3A_10 = vector.load %arg4[%get3A_8, %get3A_9] : memref<8x128xf32, #tpu.memory_space<vmem>>, vector<8x128xf32>
    %dot_general3A = arith.constant dense<0.000000e+00> : vector<512x128xf32>
    %dot_general3A_11 = tpu.matmul %get3A_7, %get3A_10, %dot_general3A {dimension_numbers = #tpu.dot_dimension_numbers<[1], [0], [0], [1], [0, 0, 1, 1], [], []>, transpose_lhs_hint = false} : vector<512x8xf32>, vector<8x128xf32>, vector<512x128xf32> -> vector<512x128xf32>
    %add3A_12 = arith.addf %add3A, %dot_general3A_11 : vector<512x128xf32>
    %logistic3A = arith.negf %add3A_12 : vector<512x128xf32>
    %logistic3A_13 = math.exp %logistic3A : vector<512x128xf32>
    %logistic3A_14 = arith.constant 1.000000e+00 : f32
    %logistic3A_15 = vector.broadcast %logistic3A_14 : f32 to vector<512x128xf32>
    %logistic3A_16 = arith.addf %logistic3A_15, %logistic3A_13 : vector<512x128xf32>
    %logistic3A_17 = arith.divf %logistic3A_15, %logistic3A_16 : vector<512x128xf32>
    %mul3A = arith.mulf %add3A_12, %logistic3A_17 : vector<512x128xf32>
    %get3A_18 = arith.constant 0 : index
    %get3A_19 = arith.constant 0 : index
    %get3A_20 = vector.load %arg5[%get3A_18, %get3A_19] : memref<128x128xf32, #tpu.memory_space<vmem>>, vector<128x128xf32>
    %dot_general3A_21 = arith.constant dense<0.000000e+00> : vector<512x128xf32>
    %dot_general3A_22 = tpu.matmul %mul3A, %get3A_20, %dot_general3A_21 {dimension_numbers = #tpu.dot_dimension_numbers<[1], [0], [0], [1], [0, 0, 1, 1], [], []>, transpose_lhs_hint = false} : vector<512x128xf32>, vector<128x128xf32>, vector<512x128xf32> -> vector<512x128xf32>
    %get3A_23 = arith.constant 0 : index
    %get3A_24 = arith.constant 0 : index
    %get3A_25 = vector.load %arg6[%get3A_23, %get3A_24] : memref<1x128xf32, #tpu.memory_space<vmem>>, vector<1x128xf32>
    %add3A_26 = vector.broadcast %get3A_25 : vector<1x128xf32> to vector<512x128xf32>
    %add3A_27 = arith.addf %dot_general3A_22, %add3A_26 : vector<512x128xf32>
    %logistic3A_28 = arith.negf %add3A_27 : vector<512x128xf32>
    %logistic3A_29 = math.exp %logistic3A_28 : vector<512x128xf32>
    %logistic3A_30 = arith.constant 1.000000e+00 : f32
    %logistic3A_31 = vector.broadcast %logistic3A_30 : f32 to vector<512x128xf32>
    %logistic3A_32 = arith.addf %logistic3A_31, %logistic3A_29 : vector<512x128xf32>
    %logistic3A_33 = arith.divf %logistic3A_31, %logistic3A_32 : vector<512x128xf32>
    %mul3A_34 = arith.mulf %add3A_27, %logistic3A_33 : vector<512x128xf32>
    %swap3A = arith.constant 0 : index
    %swap3A_35 = arith.constant 0 : index
    %swap3A_36 = vector.load %arg7[%swap3A, %swap3A_35] : memref<512x128xf32, #tpu.memory_space<vmem>>, vector<512x128xf32>
    tpu.vector_store %arg7[%swap3A, %swap3A_35], %mul3A_34 {strides = array<i32>} : memref<512x128xf32, #tpu.memory_space<vmem>>, vector<512x128xf32>,
    return
  }
  func.func @transform_0(%arg0: i32) -> (i32, i32) {
    %c0_i32 = arith.constant 0 : i32
    %c0_i32_0 = arith.constant 0 : i32
    return %arg0, %c0_i32 : i32, i32
  }
  func.func @transform_1(%arg0: i32) -> (i32, i32) {
    %add3A = arith.constant 320 : i32
    %add3A_0 = arith.addi %arg0, %add3A : i32
    %c0_i32 = arith.constant 0 : i32
    %c0_i32_1 = arith.constant 0 : i32
    return %add3A_0, %c0_i32 : i32, i32
  }
  func.func @transform_2(%arg0: i32) -> (i32, i32) {
    %c0_i32 = arith.constant 0 : i32
    %c0_i32_0 = arith.constant 0 : i32
    return %arg0, %c0_i32 : i32, i32
  }
  func.func @transform_3(%arg0: i32) -> (i32, i32) {
    %c0_i32 = arith.constant 0 : i32
    %c0_i32_0 = arith.constant 0 : i32
    %c0_i32_1 = arith.constant 0 : i32
    return %c0_i32, %c0_i32_0 : i32, i32
  }
  func.func @transform_4(%arg0: i32) -> (i32, i32) {
    %c0_i32 = arith.constant 0 : i32
    %c0_i32_0 = arith.constant 0 : i32
    %c0_i32_1 = arith.constant 0 : i32
    return %c0_i32, %c0_i32_0 : i32, i32
  }
  func.func @transform_5(%arg0: i32) -> (i32, i32) {
    %c0_i32 = arith.constant 0 : i32
    %c0_i32_0 = arith.constant 0 : i32
    %c0_i32_1 = arith.constant 0 : i32
    return %c0_i32, %c0_i32_0 : i32, i32
  }
  func.func @transform_6(%arg0: i32) -> (i32, i32) {
    %c0_i32 = arith.constant 0 : i32
    %c0_i32_0 = arith.constant 0 : i32
    return %arg0, %c0_i32 : i32, i32
  }
}

module attributes {stable_mosaic.version = 14 : i64} {
  func.func @_node_mid_body(%arg0: i32, %arg1: memref<512x128xf32, #tpu.memory_space<vmem>>, %arg2: memref<512x128xf32, #tpu.memory_space<vmem>>, %arg3: memref<1x512x128xf32, #tpu.memory_space<vmem>>, %arg4: memref<1x512x128xf32, #tpu.memory_space<vmem>>, %arg5: memref<1x512x128xf32, #tpu.memory_space<vmem>>, %arg6: memref<1x512x128xf32, #tpu.memory_space<vmem>>, %arg7: memref<512x1xi32, #tpu.memory_space<vmem>>, %arg8: memref<128x128xf32, #tpu.memory_space<vmem>>, %arg9: memref<128x128xf32, #tpu.memory_space<vmem>>, %arg10: memref<1x128xf32, #tpu.memory_space<vmem>>, %arg11: memref<128x128xf32, #tpu.memory_space<vmem>>, %arg12: memref<1x128xf32, #tpu.memory_space<vmem>>, %arg13: memref<1x128xf32, #tpu.memory_space<vmem>>, %arg14: memref<1x128xf32, #tpu.memory_space<vmem>>, %arg15: memref<128x128xf32, #tpu.memory_space<vmem>>, %arg16: memref<128x128xf32, #tpu.memory_space<vmem>>, %arg17: memref<128x8xf32, #tpu.memory_space<vmem>>, %arg18: memref<8x128xf32, #tpu.memory_space<vmem>>, %arg19: memref<1x128xf32, #tpu.memory_space<vmem>>, %arg20: memref<512x128xf32, #tpu.memory_space<vmem>>, %arg21: memref<512x128xf32, #tpu.memory_space<vmem>>, %arg22: memref<512x128xf32, #tpu.memory_space<vmem>>, %arg23: memref<512x128xf32, #tpu.memory_space<vmem>>) attributes {dimension_semantics = [#tpu.dimension_semantics<arbitrary>], iteration_bounds = array<i64: 20>, scalar_prefetch = 0 : i64, scratch_operands = 0 : i64, tpu.core_type = #tpu.core_type<tc>, window_params = [{transform_indices = @transform_0, window_bounds = array<i64: 512, 128>}, {transform_indices = @transform_1, window_bounds = array<i64: 512, 128>}, {transform_indices = @transform_2, window_bounds = array<i64: 1, 512, 128>}, {transform_indices = @transform_3, window_bounds = array<i64: 1, 512, 128>}, {transform_indices = @transform_4, window_bounds = array<i64: 1, 512, 128>}, {transform_indices = @transform_5, window_bounds = array<i64: 1, 512, 128>}, {transform_indices = @transform_6, window_bounds = array<i64: 512, 1>}, {pipeline_mode = #tpu.pipeline_mode<synchronous>, transform_indices = @transform_7, window_bounds = array<i64: 128, 128>}, {pipeline_mode = #tpu.pipeline_mode<synchronous>, transform_indices = @transform_8, window_bounds = array<i64: 128, 128>}, {pipeline_mode = #tpu.pipeline_mode<synchronous>, transform_indices = @transform_9, window_bounds = array<i64: 1, 128>}, {pipeline_mode = #tpu.pipeline_mode<synchronous>, transform_indices = @transform_10, window_bounds = array<i64: 128, 128>}, {pipeline_mode = #tpu.pipeline_mode<synchronous>, transform_indices = @transform_11, window_bounds = array<i64: 1, 128>}, {pipeline_mode = #tpu.pipeline_mode<synchronous>, transform_indices = @transform_12, window_bounds = array<i64: 1, 128>}, {pipeline_mode = #tpu.pipeline_mode<synchronous>, transform_indices = @transform_13, window_bounds = array<i64: 1, 128>}, {pipeline_mode = #tpu.pipeline_mode<synchronous>, transform_indices = @transform_14, window_bounds = array<i64: 128, 128>}, {pipeline_mode = #tpu.pipeline_mode<synchronous>, transform_indices = @transform_15, window_bounds = array<i64: 128, 128>}, {pipeline_mode = #tpu.pipeline_mode<synchronous>, transform_indices = @transform_16, window_bounds = array<i64: 128, 8>}, {pipeline_mode = #tpu.pipeline_mode<synchronous>, transform_indices = @transform_17, window_bounds = array<i64: 8, 128>}, {pipeline_mode = #tpu.pipeline_mode<synchronous>, transform_indices = @transform_18, window_bounds = array<i64: 1, 128>}, {transform_indices = @transform_19, window_bounds = array<i64: 512, 128>}, {transform_indices = @transform_20, window_bounds = array<i64: 512, 128>}, {transform_indices = @transform_21, window_bounds = array<i64: 512, 128>}, {transform_indices = @transform_22, window_bounds = array<i64: 512, 128>}]} {
    %get3A = arith.constant 0 : index
    %get3A_0 = arith.constant 0 : index
    %get3A_1 = arith.constant 0 : index
    %get3A_2 = vector.load %arg3[%get3A, %get3A_0, %get3A_1] : memref<1x512x128xf32, #tpu.memory_space<vmem>>, vector<1x512x128xf32>
    %get3A_3 = vector.shape_cast %get3A_2 : vector<1x512x128xf32> to vector<512x128xf32>
    %get3A_4 = arith.constant 0 : index
    %get3A_5 = arith.constant 0 : index
    %get3A_6 = arith.constant 0 : index
    %get3A_7 = vector.load %arg4[%get3A_4, %get3A_5, %get3A_6] : memref<1x512x128xf32, #tpu.memory_space<vmem>>, vector<1x512x128xf32>
    %get3A_8 = vector.shape_cast %get3A_7 : vector<1x512x128xf32> to vector<512x128xf32>
    %add3A = arith.addf %get3A_3, %get3A_8 : vector<512x128xf32>
    %get3A_9 = arith.constant 0 : index
    %get3A_10 = arith.constant 0 : index
    %get3A_11 = arith.constant 0 : index
    %get3A_12 = vector.load %arg5[%get3A_9, %get3A_10, %get3A_11] : memref<1x512x128xf32, #tpu.memory_space<vmem>>, vector<1x512x128xf32>
    %get3A_13 = vector.shape_cast %get3A_12 : vector<1x512x128xf32> to vector<512x128xf32>
    %slice3A = vector.extract_strided_slice %get3A_13 {offsets = [0, 0], sizes = [512, 1], strides = [1, 1]} : vector<512x128xf32> to vector<512x1xf32>
    %get3A_14 = arith.constant 0 : index
    %get3A_15 = arith.constant 0 : index
    %get3A_16 = arith.constant 0 : index
    %get3A_17 = vector.load %arg6[%get3A_14, %get3A_15, %get3A_16] : memref<1x512x128xf32, #tpu.memory_space<vmem>>, vector<1x512x128xf32>
    %get3A_18 = vector.shape_cast %get3A_17 : vector<1x512x128xf32> to vector<512x128xf32>
    %slice3A_19 = vector.extract_strided_slice %get3A_18 {offsets = [0, 0], sizes = [512, 1], strides = [1, 1]} : vector<512x128xf32> to vector<512x1xf32>
    %add3A_20 = arith.addf %slice3A, %slice3A_19 : vector<512x1xf32>
    %max3A = arith.constant 1.000000e+00 : f32
    %max3A_21 = vector.broadcast %max3A : f32 to vector<512x1xf32>
    %max3A_22 = arith.maximumf %add3A_20, %max3A_21 : vector<512x1xf32>
    %div3A = vector.broadcast %max3A_22 : vector<512x1xf32> to vector<512x128xf32>
    %div3A_23 = arith.divf %add3A, %div3A : vector<512x128xf32>
    %get3A_24 = arith.constant 0 : index
    %get3A_25 = arith.constant 0 : index
    %get3A_26 = vector.load %arg2[%get3A_24, %get3A_25] : memref<512x128xf32, #tpu.memory_space<vmem>>, vector<512x128xf32>
    %get3A_27 = arith.constant 0 : index
    %get3A_28 = arith.constant 0 : index
    %get3A_29 = vector.load %arg8[%get3A_27, %get3A_28] : memref<128x128xf32, #tpu.memory_space<vmem>>, vector<128x128xf32>
    %dot_general3A = arith.constant dense<0.000000e+00> : vector<512x128xf32>
    %dot_general3A_30 = tpu.matmul %get3A_26, %get3A_29, %dot_general3A {dimension_numbers = #tpu.dot_dimension_numbers<[1], [0], [0], [1], [0, 0, 1, 1], [], []>, transpose_lhs_hint = false} : vector<512x128xf32>, vector<128x128xf32>, vector<512x128xf32> -> vector<512x128xf32>
    %get3A_31 = arith.constant 0 : index
    %get3A_32 = arith.constant 0 : index
    %get3A_33 = vector.load %arg9[%get3A_31, %get3A_32] : memref<128x128xf32, #tpu.memory_space<vmem>>, vector<128x128xf32>
    %dot_general3A_34 = arith.constant dense<0.000000e+00> : vector<512x128xf32>
    %dot_general3A_35 = tpu.matmul %div3A_23, %get3A_33, %dot_general3A_34 {dimension_numbers = #tpu.dot_dimension_numbers<[1], [0], [0], [1], [0, 0, 1, 1], [], []>, transpose_lhs_hint = false} : vector<512x128xf32>, vector<128x128xf32>, vector<512x128xf32> -> vector<512x128xf32>
    %add3A_36 = arith.addf %dot_general3A_30, %dot_general3A_35 : vector<512x128xf32>
    %get3A_37 = arith.constant 0 : index
    %get3A_38 = arith.constant 0 : index
    %get3A_39 = vector.load %arg10[%get3A_37, %get3A_38] : memref<1x128xf32, #tpu.memory_space<vmem>>, vector<1x128xf32>
    %add3A_40 = vector.broadcast %get3A_39 : vector<1x128xf32> to vector<512x128xf32>
    %add3A_41 = arith.addf %add3A_36, %add3A_40 : vector<512x128xf32>
    %logistic3A = arith.negf %add3A_41 : vector<512x128xf32>
    %logistic3A_42 = math.exp %logistic3A : vector<512x128xf32>
    %logistic3A_43 = arith.constant 1.000000e+00 : f32
    %logistic3A_44 = vector.broadcast %logistic3A_43 : f32 to vector<512x128xf32>
    %logistic3A_45 = arith.addf %logistic3A_44, %logistic3A_42 : vector<512x128xf32>
    %logistic3A_46 = arith.divf %logistic3A_44, %logistic3A_45 : vector<512x128xf32>
    %mul3A = arith.mulf %add3A_41, %logistic3A_46 : vector<512x128xf32>
    %get3A_47 = arith.constant 0 : index
    %get3A_48 = arith.constant 0 : index
    %get3A_49 = vector.load %arg11[%get3A_47, %get3A_48] : memref<128x128xf32, #tpu.memory_space<vmem>>, vector<128x128xf32>
    %dot_general3A_50 = arith.constant dense<0.000000e+00> : vector<512x128xf32>
    %dot_general3A_51 = tpu.matmul %mul3A, %get3A_49, %dot_general3A_50 {dimension_numbers = #tpu.dot_dimension_numbers<[1], [0], [0], [1], [0, 0, 1, 1], [], []>, transpose_lhs_hint = false} : vector<512x128xf32>, vector<128x128xf32>, vector<512x128xf32> -> vector<512x128xf32>
    %get3A_52 = arith.constant 0 : index
    %get3A_53 = arith.constant 0 : index
    %get3A_54 = vector.load %arg12[%get3A_52, %get3A_53] : memref<1x128xf32, #tpu.memory_space<vmem>>, vector<1x128xf32>
    %add3A_55 = vector.broadcast %get3A_54 : vector<1x128xf32> to vector<512x128xf32>
    %add3A_56 = arith.addf %dot_general3A_51, %add3A_55 : vector<512x128xf32>
    %logistic3A_57 = arith.negf %add3A_56 : vector<512x128xf32>
    %logistic3A_58 = math.exp %logistic3A_57 : vector<512x128xf32>
    %logistic3A_59 = arith.constant 1.000000e+00 : f32
    %logistic3A_60 = vector.broadcast %logistic3A_59 : f32 to vector<512x128xf32>
    %logistic3A_61 = arith.addf %logistic3A_60, %logistic3A_58 : vector<512x128xf32>
    %logistic3A_62 = arith.divf %logistic3A_60, %logistic3A_61 : vector<512x128xf32>
    %mul3A_63 = arith.mulf %add3A_56, %logistic3A_62 : vector<512x128xf32>
    %get3A_64 = arith.constant 0 : index
    %get3A_65 = arith.constant 0 : index
    %get3A_66 = vector.load %arg1[%get3A_64, %get3A_65] : memref<512x128xf32, #tpu.memory_space<vmem>>, vector<512x128xf32>
    %add3A_67 = arith.addf %get3A_66, %mul3A_63 : vector<512x128xf32>
    %get3A_68 = arith.constant 0 : index
    %get3A_69 = arith.constant 0 : index
    %get3A_70 = vector.load %arg13[%get3A_68, %get3A_69] : memref<1x128xf32, #tpu.memory_space<vmem>>, vector<1x128xf32>
    %get3A_71 = arith.constant 0 : index
    %get3A_72 = arith.constant 0 : index
    %get3A_73 = vector.load %arg14[%get3A_71, %get3A_72] : memref<1x128xf32, #tpu.memory_space<vmem>>, vector<1x128xf32>
    %reduce_sum3A = arith.constant dense<0.000000e+00> : vector<512xf32>
    %reduce_sum3A_74 = vector.multi_reduction <add>, %add3A_67, %reduce_sum3A [1] : vector<512x128xf32> to vector<512xf32>
    %broadcast_in_dim3A = vector.shape_cast %reduce_sum3A_74 : vector<512xf32> to vector<512x1xf32>
    %div3A_75 = arith.constant 1.280000e+02 : f32
    %div3A_76 = vector.broadcast %div3A_75 : f32 to vector<512x1xf32>
    %div3A_77 = arith.divf %broadcast_in_dim3A, %div3A_76 : vector<512x1xf32>
    %sub3A = vector.broadcast %div3A_77 : vector<512x1xf32> to vector<512x128xf32>
    %sub3A_78 = arith.subf %add3A_67, %sub3A : vector<512x128xf32>
    %integer_pow3A = arith.mulf %sub3A_78, %sub3A_78 : vector<512x128xf32>
    %reduce_sum3A_79 = arith.constant dense<0.000000e+00> : vector<512xf32>
    %reduce_sum3A_80 = vector.multi_reduction <add>, %integer_pow3A, %reduce_sum3A_79 [1] : vector<512x128xf32> to vector<512xf32>
    %broadcast_in_dim3A_81 = vector.shape_cast %reduce_sum3A_80 : vector<512xf32> to vector<512x1xf32>
    %div3A_82 = arith.constant 1.280000e+02 : f32
    %div3A_83 = vector.broadcast %div3A_82 : f32 to vector<512x1xf32>
    %div3A_84 = arith.divf %broadcast_in_dim3A_81, %div3A_83 : vector<512x1xf32>
    %sub3A_85 = vector.broadcast %div3A_77 : vector<512x1xf32> to vector<512x128xf32>
    %sub3A_86 = arith.subf %add3A_67, %sub3A_85 : vector<512x128xf32>
    %add3A_87 = arith.constant 9.99999974E-6 : f32
    %add3A_88 = vector.broadcast %add3A_87 : f32 to vector<512x1xf32>
    %add3A_89 = arith.addf %div3A_84, %add3A_88 : vector<512x1xf32>
    %sqrt3A = math.sqrt %add3A_89 : vector<512x1xf32>
    %div3A_90 = vector.broadcast %sqrt3A : vector<512x1xf32> to vector<512x128xf32>
    %div3A_91 = arith.divf %sub3A_86, %div3A_90 : vector<512x128xf32>
    %mul3A_92 = vector.broadcast %get3A_70 : vector<1x128xf32> to vector<512x128xf32>
    %mul3A_93 = arith.mulf %div3A_91, %mul3A_92 : vector<512x128xf32>
    %add3A_94 = vector.broadcast %get3A_73 : vector<1x128xf32> to vector<512x128xf32>
    %add3A_95 = arith.addf %mul3A_93, %add3A_94 : vector<512x128xf32>
    %iota3A = tpu.iota {dimensions = array<i32: 1>} : vector<512x128xi32>
    %get3A_96 = arith.constant 0 : index
    %get3A_97 = arith.constant 0 : index
    %get3A_98 = vector.load %arg7[%get3A_96, %get3A_97] : memref<512x1xi32, #tpu.memory_space<vmem>>, vector<512x1xi32>
    %eq3A = vector.broadcast %get3A_98 : vector<512x1xi32> to vector<512x128xi32>
    %eq3A_99 = arith.cmpi eq, %eq3A, %iota3A : vector<512x128xi32>
    %convert_element_type3A = arith.extui %eq3A_99 : vector<512x128xi1> to vector<512x128xi32>
    %convert_element_type3A_100 = arith.sitofp %convert_element_type3A : vector<512x128xi32> to vector<512x128xf32>
    %get3A_101 = arith.constant 0 : index
    %get3A_102 = arith.constant 0 : index
    %get3A_103 = vector.load %arg17[%get3A_101, %get3A_102] : memref<128x8xf32, #tpu.memory_space<vmem>>, vector<128x8xf32>
    %get3A_104 = arith.constant 0 : index
    %get3A_105 = arith.constant 0 : index
    %get3A_106 = vector.load %arg18[%get3A_104, %get3A_105] : memref<8x128xf32, #tpu.memory_space<vmem>>, vector<8x128xf32>
    %dot_general3A_107 = arith.constant dense<0.000000e+00> : vector<128x128xf32>
    %dot_general3A_108 = tpu.matmul %get3A_103, %get3A_106, %dot_general3A_107 {dimension_numbers = #tpu.dot_dimension_numbers<[1], [0], [0], [1], [0, 0, 1, 1], [], []>, transpose_lhs_hint = false} : vector<128x8xf32>, vector<8x128xf32>, vector<128x128xf32> -> vector<128x128xf32>
    %get3A_109 = arith.constant 0 : index
    %get3A_110 = arith.constant 0 : index
    %get3A_111 = vector.load %arg19[%get3A_109, %get3A_110] : memref<1x128xf32, #tpu.memory_space<vmem>>, vector<1x128xf32>
    %add3A_112 = vector.broadcast %get3A_111 : vector<1x128xf32> to vector<128x128xf32>
    %add3A_113 = arith.addf %dot_general3A_108, %add3A_112 : vector<128x128xf32>
    %dot_general3A_114 = arith.constant dense<0.000000e+00> : vector<512x128xf32>
    %dot_general3A_115 = tpu.matmul %convert_element_type3A_100, %add3A_113, %dot_general3A_114 {dimension_numbers = #tpu.dot_dimension_numbers<[1], [0], [0], [1], [0, 0, 1, 1], [], []>, transpose_lhs_hint = false} : vector<512x128xf32>, vector<128x128xf32>, vector<512x128xf32> -> vector<512x128xf32>
    %swap3A = arith.constant 0 : index
    %swap3A_116 = arith.constant 0 : index
    %swap3A_117 = vector.load %arg20[%swap3A, %swap3A_116] : memref<512x128xf32, #tpu.memory_space<vmem>>, vector<512x128xf32>
    tpu.vector_store %arg20[%swap3A, %swap3A_116], %add3A_67 {strides = array<i32>} : memref<512x128xf32, #tpu.memory_space<vmem>>, vector<512x128xf32>,
    %swap3A_118 = arith.constant 0 : index
    %swap3A_119 = arith.constant 0 : index
    %swap3A_120 = vector.load %arg21[%swap3A_118, %swap3A_119] : memref<512x128xf32, #tpu.memory_space<vmem>>, vector<512x128xf32>
    tpu.vector_store %arg21[%swap3A_118, %swap3A_119], %add3A_95 {strides = array<i32>} : memref<512x128xf32, #tpu.memory_space<vmem>>, vector<512x128xf32>,
    %get3A_121 = arith.constant 0 : index
    %get3A_122 = arith.constant 0 : index
    %get3A_123 = vector.load %arg15[%get3A_121, %get3A_122] : memref<128x128xf32, #tpu.memory_space<vmem>>, vector<128x128xf32>
    %dot_general3A_124 = arith.constant dense<0.000000e+00> : vector<512x128xf32>
    %dot_general3A_125 = tpu.matmul %add3A_95, %get3A_123, %dot_general3A_124 {dimension_numbers = #tpu.dot_dimension_numbers<[1], [0], [0], [1], [0, 0, 1, 1], [], []>, transpose_lhs_hint = false} : vector<512x128xf32>, vector<128x128xf32>, vector<512x128xf32> -> vector<512x128xf32>
    %add3A_126 = arith.addf %dot_general3A_125, %dot_general3A_115 : vector<512x128xf32>
    %swap3A_127 = arith.constant 0 : index
    %swap3A_128 = arith.constant 0 : index
    %swap3A_129 = vector.load %arg22[%swap3A_127, %swap3A_128] : memref<512x128xf32, #tpu.memory_space<vmem>>, vector<512x128xf32>
    tpu.vector_store %arg22[%swap3A_127, %swap3A_128], %add3A_126 {strides = array<i32>} : memref<512x128xf32, #tpu.memory_space<vmem>>, vector<512x128xf32>,
    %get3A_130 = arith.constant 0 : index
    %get3A_131 = arith.constant 0 : index
    %get3A_132 = vector.load %arg16[%get3A_130, %get3A_131] : memref<128x128xf32, #tpu.memory_space<vmem>>, vector<128x128xf32>
    %dot_general3A_133 = arith.constant dense<0.000000e+00> : vector<512x128xf32>
    %dot_general3A_134 = tpu.matmul %add3A_95, %get3A_132, %dot_general3A_133 {dimension_numbers = #tpu.dot_dimension_numbers<[1], [0], [0], [1], [0, 0, 1, 1], [], []>, transpose_lhs_hint = false} : vector<512x128xf32>, vector<128x128xf32>, vector<512x128xf32> -> vector<512x128xf32>
    %swap3A_135 = arith.constant 0 : index
    %swap3A_136 = arith.constant 0 : index
    %swap3A_137 = vector.load %arg23[%swap3A_135, %swap3A_136] : memref<512x128xf32, #tpu.memory_space<vmem>>, vector<512x128xf32>
    tpu.vector_store %arg23[%swap3A_135, %swap3A_136], %dot_general3A_134 {strides = array<i32>} : memref<512x128xf32, #tpu.memory_space<vmem>>, vector<512x128xf32>,
    return
  }
  func.func @transform_0(%arg0: i32) -> (i32, i32) {
    %c0_i32 = arith.constant 0 : i32
    %c0_i32_0 = arith.constant 0 : i32
    return %arg0, %c0_i32 : i32, i32
  }
  func.func @transform_1(%arg0: i32) -> (i32, i32) {
    %c0_i32 = arith.constant 0 : i32
    %c0_i32_0 = arith.constant 0 : i32
    return %arg0, %c0_i32 : i32, i32
  }
  func.func @transform_2(%arg0: i32) -> (i32, i32, i32) {
    %c0_i32 = arith.constant 0 : i32
    %c0_i32_0 = arith.constant 0 : i32
    %c0_i32_1 = arith.constant 0 : i32
    return %c0_i32, %arg0, %c0_i32_0 : i32, i32, i32
  }
  func.func @transform_3(%arg0: i32) -> (i32, i32, i32) {
    %c1_i32 = arith.constant 1 : i32
    %c0_i32 = arith.constant 0 : i32
    %c0_i32_0 = arith.constant 0 : i32
    return %c1_i32, %arg0, %c0_i32 : i32, i32, i32
  }
  func.func @transform_4(%arg0: i32) -> (i32, i32, i32) {
    %c0_i32 = arith.constant 0 : i32
    %c0_i32_0 = arith.constant 0 : i32
    %c0_i32_1 = arith.constant 0 : i32
    return %c0_i32, %arg0, %c0_i32_0 : i32, i32, i32
  }
  func.func @transform_5(%arg0: i32) -> (i32, i32, i32) {
    %c1_i32 = arith.constant 1 : i32
    %c0_i32 = arith.constant 0 : i32
    %c0_i32_0 = arith.constant 0 : i32
    return %c1_i32, %arg0, %c0_i32 : i32, i32, i32
  }
  func.func @transform_6(%arg0: i32) -> (i32, i32) {
    %c0_i32 = arith.constant 0 : i32
    %c0_i32_0 = arith.constant 0 : i32
    return %arg0, %c0_i32 : i32, i32
  }
  func.func @transform_7(%arg0: i32) -> (i32, i32) {
    %c0_i32 = arith.constant 0 : i32
    %c0_i32_0 = arith.constant 0 : i32
    %c0_i32_1 = arith.constant 0 : i32
    return %c0_i32, %c0_i32_0 : i32, i32
  }
  func.func @transform_8(%arg0: i32) -> (i32, i32) {
    %c0_i32 = arith.constant 0 : i32
    %c0_i32_0 = arith.constant 0 : i32
    %c0_i32_1 = arith.constant 0 : i32
    return %c0_i32, %c0_i32_0 : i32, i32
  }
  func.func @transform_9(%arg0: i32) -> (i32, i32) {
    %c0_i32 = arith.constant 0 : i32
    %c0_i32_0 = arith.constant 0 : i32
    %c0_i32_1 = arith.constant 0 : i32
    return %c0_i32, %c0_i32_0 : i32, i32
  }
  func.func @transform_10(%arg0: i32) -> (i32, i32) {
    %c0_i32 = arith.constant 0 : i32
    %c0_i32_0 = arith.constant 0 : i32
    %c0_i32_1 = arith.constant 0 : i32
    return %c0_i32, %c0_i32_0 : i32, i32
  }
  func.func @transform_11(%arg0: i32) -> (i32, i32) {
    %c0_i32 = arith.constant 0 : i32
    %c0_i32_0 = arith.constant 0 : i32
    %c0_i32_1 = arith.constant 0 : i32
    return %c0_i32, %c0_i32_0 : i32, i32
  }
  func.func @transform_12(%arg0: i32) -> (i32, i32) {
    %c0_i32 = arith.constant 0 : i32
    %c0_i32_0 = arith.constant 0 : i32
    %c0_i32_1 = arith.constant 0 : i32
    return %c0_i32, %c0_i32_0 : i32, i32
  }
  func.func @transform_13(%arg0: i32) -> (i32, i32) {
    %c0_i32 = arith.constant 0 : i32
    %c0_i32_0 = arith.constant 0 : i32
    %c0_i32_1 = arith.constant 0 : i32
    return %c0_i32, %c0_i32_0 : i32, i32
  }
  func.func @transform_14(%arg0: i32) -> (i32, i32) {
    %c0_i32 = arith.constant 0 : i32
    %c0_i32_0 = arith.constant 0 : i32
    %c0_i32_1 = arith.constant 0 : i32
    return %c0_i32, %c0_i32_0 : i32, i32
  }
  func.func @transform_15(%arg0: i32) -> (i32, i32) {
    %c0_i32 = arith.constant 0 : i32
    %c0_i32_0 = arith.constant 0 : i32
    %c0_i32_1 = arith.constant 0 : i32
    return %c0_i32, %c0_i32_0 : i32, i32
  }
  func.func @transform_16(%arg0: i32) -> (i32, i32) {
    %c0_i32 = arith.constant 0 : i32
    %c0_i32_0 = arith.constant 0 : i32
    %c0_i32_1 = arith.constant 0 : i32
    return %c0_i32, %c0_i32_0 : i32, i32
  }
  func.func @transform_17(%arg0: i32) -> (i32, i32) {
    %c0_i32 = arith.constant 0 : i32
    %c0_i32_0 = arith.constant 0 : i32
    %c0_i32_1 = arith.constant 0 : i32
    return %c0_i32, %c0_i32_0 : i32, i32
  }
  func.func @transform_18(%arg0: i32) -> (i32, i32) {
    %c0_i32 = arith.constant 0 : i32
    %c0_i32_0 = arith.constant 0 : i32
    %c0_i32_1 = arith.constant 0 : i32
    return %c0_i32, %c0_i32_0 : i32, i32
  }
  func.func @transform_19(%arg0: i32) -> (i32, i32) {
    %c0_i32 = arith.constant 0 : i32
    %c0_i32_0 = arith.constant 0 : i32
    return %arg0, %c0_i32 : i32, i32
  }
  func.func @transform_20(%arg0: i32) -> (i32, i32) {
    %c0_i32 = arith.constant 0 : i32
    %c0_i32_0 = arith.constant 0 : i32
    return %arg0, %c0_i32 : i32, i32
  }
  func.func @transform_21(%arg0: i32) -> (i32, i32) {
    %c0_i32 = arith.constant 0 : i32
    %c0_i32_0 = arith.constant 0 : i32
    return %arg0, %c0_i32 : i32, i32
  }
  func.func @transform_22(%arg0: i32) -> (i32, i32) {
    %c0_i32 = arith.constant 0 : i32
    %c0_i32_0 = arith.constant 0 : i32
    return %arg0, %c0_i32 : i32, i32
  }
}

module attributes {stable_mosaic.version = 14 : i64} {
  func.func @_node_fin_body(%arg0: i32, %arg1: memref<512x128xf32, #tpu.memory_space<vmem>>, %arg2: memref<512x128xf32, #tpu.memory_space<vmem>>, %arg3: memref<1x512x128xf32, #tpu.memory_space<vmem>>, %arg4: memref<1x512x128xf32, #tpu.memory_space<vmem>>, %arg5: memref<1x512x128xf32, #tpu.memory_space<vmem>>, %arg6: memref<1x512x128xf32, #tpu.memory_space<vmem>>, %arg7: memref<128x128xf32, #tpu.memory_space<vmem>>, %arg8: memref<128x128xf32, #tpu.memory_space<vmem>>, %arg9: memref<1x128xf32, #tpu.memory_space<vmem>>, %arg10: memref<128x128xf32, #tpu.memory_space<vmem>>, %arg11: memref<1x128xf32, #tpu.memory_space<vmem>>, %arg12: memref<1x128xf32, #tpu.memory_space<vmem>>, %arg13: memref<1x128xf32, #tpu.memory_space<vmem>>, %arg14: memref<128x8xf32, #tpu.memory_space<vmem>>, %arg15: memref<512x8xf32, #tpu.memory_space<vmem>>) attributes {dimension_semantics = [#tpu.dimension_semantics<arbitrary>], iteration_bounds = array<i64: 20>, scalar_prefetch = 0 : i64, scratch_operands = 0 : i64, tpu.core_type = #tpu.core_type<tc>, window_params = [{transform_indices = @transform_0, window_bounds = array<i64: 512, 128>}, {transform_indices = @transform_1, window_bounds = array<i64: 512, 128>}, {transform_indices = @transform_2, window_bounds = array<i64: 1, 512, 128>}, {transform_indices = @transform_3, window_bounds = array<i64: 1, 512, 128>}, {transform_indices = @transform_4, window_bounds = array<i64: 1, 512, 128>}, {transform_indices = @transform_5, window_bounds = array<i64: 1, 512, 128>}, {pipeline_mode = #tpu.pipeline_mode<synchronous>, transform_indices = @transform_6, window_bounds = array<i64: 128, 128>}, {pipeline_mode = #tpu.pipeline_mode<synchronous>, transform_indices = @transform_7, window_bounds = array<i64: 128, 128>}, {pipeline_mode = #tpu.pipeline_mode<synchronous>, transform_indices = @transform_8, window_bounds = array<i64: 1, 128>}, {pipeline_mode = #tpu.pipeline_mode<synchronous>, transform_indices = @transform_9, window_bounds = array<i64: 128, 128>}, {pipeline_mode = #tpu.pipeline_mode<synchronous>, transform_indices = @transform_10, window_bounds = array<i64: 1, 128>}, {pipeline_mode = #tpu.pipeline_mode<synchronous>, transform_indices = @transform_11, window_bounds = array<i64: 1, 128>}, {pipeline_mode = #tpu.pipeline_mode<synchronous>, transform_indices = @transform_12, window_bounds = array<i64: 1, 128>}, {pipeline_mode = #tpu.pipeline_mode<synchronous>, transform_indices = @transform_13, window_bounds = array<i64: 128, 8>}, {transform_indices = @transform_14, window_bounds = array<i64: 512, 8>}]} {
    %get3A = arith.constant 0 : index
    %get3A_0 = arith.constant 0 : index
    %get3A_1 = arith.constant 0 : index
    %get3A_2 = vector.load %arg3[%get3A, %get3A_0, %get3A_1] : memref<1x512x128xf32, #tpu.memory_space<vmem>>, vector<1x512x128xf32>
    %get3A_3 = vector.shape_cast %get3A_2 : vector<1x512x128xf32> to vector<512x128xf32>
    %get3A_4 = arith.constant 0 : index
    %get3A_5 = arith.constant 0 : index
    %get3A_6 = arith.constant 0 : index
    %get3A_7 = vector.load %arg4[%get3A_4, %get3A_5, %get3A_6] : memref<1x512x128xf32, #tpu.memory_space<vmem>>, vector<1x512x128xf32>
    %get3A_8 = vector.shape_cast %get3A_7 : vector<1x512x128xf32> to vector<512x128xf32>
    %add3A = arith.addf %get3A_3, %get3A_8 : vector<512x128xf32>
    %get3A_9 = arith.constant 0 : index
    %get3A_10 = arith.constant 0 : index
    %get3A_11 = arith.constant 0 : index
    %get3A_12 = vector.load %arg5[%get3A_9, %get3A_10, %get3A_11] : memref<1x512x128xf32, #tpu.memory_space<vmem>>, vector<1x512x128xf32>
    %get3A_13 = vector.shape_cast %get3A_12 : vector<1x512x128xf32> to vector<512x128xf32>
    %slice3A = vector.extract_strided_slice %get3A_13 {offsets = [0, 0], sizes = [512, 1], strides = [1, 1]} : vector<512x128xf32> to vector<512x1xf32>
    %get3A_14 = arith.constant 0 : index
    %get3A_15 = arith.constant 0 : index
    %get3A_16 = arith.constant 0 : index
    %get3A_17 = vector.load %arg6[%get3A_14, %get3A_15, %get3A_16] : memref<1x512x128xf32, #tpu.memory_space<vmem>>, vector<1x512x128xf32>
    %get3A_18 = vector.shape_cast %get3A_17 : vector<1x512x128xf32> to vector<512x128xf32>
    %slice3A_19 = vector.extract_strided_slice %get3A_18 {offsets = [0, 0], sizes = [512, 1], strides = [1, 1]} : vector<512x128xf32> to vector<512x1xf32>
    %add3A_20 = arith.addf %slice3A, %slice3A_19 : vector<512x1xf32>
    %max3A = arith.constant 1.000000e+00 : f32
    %max3A_21 = vector.broadcast %max3A : f32 to vector<512x1xf32>
    %max3A_22 = arith.maximumf %add3A_20, %max3A_21 : vector<512x1xf32>
    %div3A = vector.broadcast %max3A_22 : vector<512x1xf32> to vector<512x128xf32>
    %div3A_23 = arith.divf %add3A, %div3A : vector<512x128xf32>
    %get3A_24 = arith.constant 0 : index
    %get3A_25 = arith.constant 0 : index
    %get3A_26 = vector.load %arg2[%get3A_24, %get3A_25] : memref<512x128xf32, #tpu.memory_space<vmem>>, vector<512x128xf32>
    %get3A_27 = arith.constant 0 : index
    %get3A_28 = arith.constant 0 : index
    %get3A_29 = vector.load %arg7[%get3A_27, %get3A_28] : memref<128x128xf32, #tpu.memory_space<vmem>>, vector<128x128xf32>
    %dot_general3A = arith.constant dense<0.000000e+00> : vector<512x128xf32>
    %dot_general3A_30 = tpu.matmul %get3A_26, %get3A_29, %dot_general3A {dimension_numbers = #tpu.dot_dimension_numbers<[1], [0], [0], [1], [0, 0, 1, 1], [], []>, transpose_lhs_hint = false} : vector<512x128xf32>, vector<128x128xf32>, vector<512x128xf32> -> vector<512x128xf32>
    %get3A_31 = arith.constant 0 : index
    %get3A_32 = arith.constant 0 : index
    %get3A_33 = vector.load %arg8[%get3A_31, %get3A_32] : memref<128x128xf32, #tpu.memory_space<vmem>>, vector<128x128xf32>
    %dot_general3A_34 = arith.constant dense<0.000000e+00> : vector<512x128xf32>
    %dot_general3A_35 = tpu.matmul %div3A_23, %get3A_33, %dot_general3A_34 {dimension_numbers = #tpu.dot_dimension_numbers<[1], [0], [0], [1], [0, 0, 1, 1], [], []>, transpose_lhs_hint = false} : vector<512x128xf32>, vector<128x128xf32>, vector<512x128xf32> -> vector<512x128xf32>
    %add3A_36 = arith.addf %dot_general3A_30, %dot_general3A_35 : vector<512x128xf32>
    %get3A_37 = arith.constant 0 : index
    %get3A_38 = arith.constant 0 : index
    %get3A_39 = vector.load %arg9[%get3A_37, %get3A_38] : memref<1x128xf32, #tpu.memory_space<vmem>>, vector<1x128xf32>
    %add3A_40 = vector.broadcast %get3A_39 : vector<1x128xf32> to vector<512x128xf32>
    %add3A_41 = arith.addf %add3A_36, %add3A_40 : vector<512x128xf32>
    %logistic3A = arith.negf %add3A_41 : vector<512x128xf32>
    %logistic3A_42 = math.exp %logistic3A : vector<512x128xf32>
    %logistic3A_43 = arith.constant 1.000000e+00 : f32
    %logistic3A_44 = vector.broadcast %logistic3A_43 : f32 to vector<512x128xf32>
    %logistic3A_45 = arith.addf %logistic3A_44, %logistic3A_42 : vector<512x128xf32>
    %logistic3A_46 = arith.divf %logistic3A_44, %logistic3A_45 : vector<512x128xf32>
    %mul3A = arith.mulf %add3A_41, %logistic3A_46 : vector<512x128xf32>
    %get3A_47 = arith.constant 0 : index
    %get3A_48 = arith.constant 0 : index
    %get3A_49 = vector.load %arg10[%get3A_47, %get3A_48] : memref<128x128xf32, #tpu.memory_space<vmem>>, vector<128x128xf32>
    %dot_general3A_50 = arith.constant dense<0.000000e+00> : vector<512x128xf32>
    %dot_general3A_51 = tpu.matmul %mul3A, %get3A_49, %dot_general3A_50 {dimension_numbers = #tpu.dot_dimension_numbers<[1], [0], [0], [1], [0, 0, 1, 1], [], []>, transpose_lhs_hint = false} : vector<512x128xf32>, vector<128x128xf32>, vector<512x128xf32> -> vector<512x128xf32>
    %get3A_52 = arith.constant 0 : index
    %get3A_53 = arith.constant 0 : index
    %get3A_54 = vector.load %arg11[%get3A_52, %get3A_53] : memref<1x128xf32, #tpu.memory_space<vmem>>, vector<1x128xf32>
    %add3A_55 = vector.broadcast %get3A_54 : vector<1x128xf32> to vector<512x128xf32>
    %add3A_56 = arith.addf %dot_general3A_51, %add3A_55 : vector<512x128xf32>
    %logistic3A_57 = arith.negf %add3A_56 : vector<512x128xf32>
    %logistic3A_58 = math.exp %logistic3A_57 : vector<512x128xf32>
    %logistic3A_59 = arith.constant 1.000000e+00 : f32
    %logistic3A_60 = vector.broadcast %logistic3A_59 : f32 to vector<512x128xf32>
    %logistic3A_61 = arith.addf %logistic3A_60, %logistic3A_58 : vector<512x128xf32>
    %logistic3A_62 = arith.divf %logistic3A_60, %logistic3A_61 : vector<512x128xf32>
    %mul3A_63 = arith.mulf %add3A_56, %logistic3A_62 : vector<512x128xf32>
    %get3A_64 = arith.constant 0 : index
    %get3A_65 = arith.constant 0 : index
    %get3A_66 = vector.load %arg1[%get3A_64, %get3A_65] : memref<512x128xf32, #tpu.memory_space<vmem>>, vector<512x128xf32>
    %add3A_67 = arith.addf %get3A_66, %mul3A_63 : vector<512x128xf32>
    %get3A_68 = arith.constant 0 : index
    %get3A_69 = arith.constant 0 : index
    %get3A_70 = vector.load %arg12[%get3A_68, %get3A_69] : memref<1x128xf32, #tpu.memory_space<vmem>>, vector<1x128xf32>
    %get3A_71 = arith.constant 0 : index
    %get3A_72 = arith.constant 0 : index
    %get3A_73 = vector.load %arg13[%get3A_71, %get3A_72] : memref<1x128xf32, #tpu.memory_space<vmem>>, vector<1x128xf32>
    %reduce_sum3A = arith.constant dense<0.000000e+00> : vector<512xf32>
    %reduce_sum3A_74 = vector.multi_reduction <add>, %add3A_67, %reduce_sum3A [1] : vector<512x128xf32> to vector<512xf32>
    %broadcast_in_dim3A = vector.shape_cast %reduce_sum3A_74 : vector<512xf32> to vector<512x1xf32>
    %div3A_75 = arith.constant 1.280000e+02 : f32
    %div3A_76 = vector.broadcast %div3A_75 : f32 to vector<512x1xf32>
    %div3A_77 = arith.divf %broadcast_in_dim3A, %div3A_76 : vector<512x1xf32>
    %sub3A = vector.broadcast %div3A_77 : vector<512x1xf32> to vector<512x128xf32>
    %sub3A_78 = arith.subf %add3A_67, %sub3A : vector<512x128xf32>
    %integer_pow3A = arith.mulf %sub3A_78, %sub3A_78 : vector<512x128xf32>
    %reduce_sum3A_79 = arith.constant dense<0.000000e+00> : vector<512xf32>
    %reduce_sum3A_80 = vector.multi_reduction <add>, %integer_pow3A, %reduce_sum3A_79 [1] : vector<512x128xf32> to vector<512xf32>
    %broadcast_in_dim3A_81 = vector.shape_cast %reduce_sum3A_80 : vector<512xf32> to vector<512x1xf32>
    %div3A_82 = arith.constant 1.280000e+02 : f32
    %div3A_83 = vector.broadcast %div3A_82 : f32 to vector<512x1xf32>
    %div3A_84 = arith.divf %broadcast_in_dim3A_81, %div3A_83 : vector<512x1xf32>
    %sub3A_85 = vector.broadcast %div3A_77 : vector<512x1xf32> to vector<512x128xf32>
    %sub3A_86 = arith.subf %add3A_67, %sub3A_85 : vector<512x128xf32>
    %add3A_87 = arith.constant 9.99999974E-6 : f32
    %add3A_88 = vector.broadcast %add3A_87 : f32 to vector<512x1xf32>
    %add3A_89 = arith.addf %div3A_84, %add3A_88 : vector<512x1xf32>
    %sqrt3A = math.sqrt %add3A_89 : vector<512x1xf32>
    %div3A_90 = vector.broadcast %sqrt3A : vector<512x1xf32> to vector<512x128xf32>
    %div3A_91 = arith.divf %sub3A_86, %div3A_90 : vector<512x128xf32>
    %mul3A_92 = vector.broadcast %get3A_70 : vector<1x128xf32> to vector<512x128xf32>
    %mul3A_93 = arith.mulf %div3A_91, %mul3A_92 : vector<512x128xf32>
    %add3A_94 = vector.broadcast %get3A_73 : vector<1x128xf32> to vector<512x128xf32>
    %add3A_95 = arith.addf %mul3A_93, %add3A_94 : vector<512x128xf32>
    %get3A_96 = arith.constant 0 : index
    %get3A_97 = arith.constant 0 : index
    %get3A_98 = vector.load %arg14[%get3A_96, %get3A_97] : memref<128x8xf32, #tpu.memory_space<vmem>>, vector<128x8xf32>
    %dot_general3A_99 = arith.constant dense<0.000000e+00> : vector<512x8xf32>
    %dot_general3A_100 = tpu.matmul %add3A_95, %get3A_98, %dot_general3A_99 {dimension_numbers = #tpu.dot_dimension_numbers<[1], [0], [0], [1], [0, 0, 1, 1], [], []>, transpose_lhs_hint = false} : vector<512x128xf32>, vector<128x8xf32>, vector<512x8xf32> -> vector<512x8xf32>
    %swap3A = arith.constant 0 : index
    %swap3A_101 = arith.constant 0 : index
    %swap3A_102 = vector.load %arg15[%swap3A, %swap3A_101] : memref<512x8xf32, #tpu.memory_space<vmem>>, vector<512x8xf32>
    tpu.vector_store %arg15[%swap3A, %swap3A_101], %dot_general3A_100 {strides = array<i32>} : memref<512x8xf32, #tpu.memory_space<vmem>>, vector<512x8xf32>,
    return
  }
  func.func @transform_0(%arg0: i32) -> (i32, i32) {
    %c0_i32 = arith.constant 0 : i32
    %c0_i32_0 = arith.constant 0 : i32
    return %arg0, %c0_i32 : i32, i32
  }
  func.func @transform_1(%arg0: i32) -> (i32, i32) {
    %c0_i32 = arith.constant 0 : i32
    %c0_i32_0 = arith.constant 0 : i32
    return %arg0, %c0_i32 : i32, i32
  }
  func.func @transform_2(%arg0: i32) -> (i32, i32, i32) {
    %c0_i32 = arith.constant 0 : i32
    %c0_i32_0 = arith.constant 0 : i32
    %c0_i32_1 = arith.constant 0 : i32
    return %c0_i32, %arg0, %c0_i32_0 : i32, i32, i32
  }
  func.func @transform_3(%arg0: i32) -> (i32, i32, i32) {
    %c1_i32 = arith.constant 1 : i32
    %c0_i32 = arith.constant 0 : i32
    %c0_i32_0 = arith.constant 0 : i32
    return %c1_i32, %arg0, %c0_i32 : i32, i32, i32
  }
  func.func @transform_4(%arg0: i32) -> (i32, i32, i32) {
    %c0_i32 = arith.constant 0 : i32
    %c0_i32_0 = arith.constant 0 : i32
    %c0_i32_1 = arith.constant 0 : i32
    return %c0_i32, %arg0, %c0_i32_0 : i32, i32, i32
  }
  func.func @transform_5(%arg0: i32) -> (i32, i32, i32) {
    %c1_i32 = arith.constant 1 : i32
    %c0_i32 = arith.constant 0 : i32
    %c0_i32_0 = arith.constant 0 : i32
    return %c1_i32, %arg0, %c0_i32 : i32, i32, i32
  }
  func.func @transform_6(%arg0: i32) -> (i32, i32) {
    %c0_i32 = arith.constant 0 : i32
    %c0_i32_0 = arith.constant 0 : i32
    %c0_i32_1 = arith.constant 0 : i32
    return %c0_i32, %c0_i32_0 : i32, i32
  }
  func.func @transform_7(%arg0: i32) -> (i32, i32) {
    %c0_i32 = arith.constant 0 : i32
    %c0_i32_0 = arith.constant 0 : i32
    %c0_i32_1 = arith.constant 0 : i32
    return %c0_i32, %c0_i32_0 : i32, i32
  }
  func.func @transform_8(%arg0: i32) -> (i32, i32) {
    %c0_i32 = arith.constant 0 : i32
    %c0_i32_0 = arith.constant 0 : i32
    %c0_i32_1 = arith.constant 0 : i32
    return %c0_i32, %c0_i32_0 : i32, i32
  }
  func.func @transform_9(%arg0: i32) -> (i32, i32) {
    %c0_i32 = arith.constant 0 : i32
    %c0_i32_0 = arith.constant 0 : i32
    %c0_i32_1 = arith.constant 0 : i32
    return %c0_i32, %c0_i32_0 : i32, i32
  }
  func.func @transform_10(%arg0: i32) -> (i32, i32) {
    %c0_i32 = arith.constant 0 : i32
    %c0_i32_0 = arith.constant 0 : i32
    %c0_i32_1 = arith.constant 0 : i32
    return %c0_i32, %c0_i32_0 : i32, i32
  }
  func.func @transform_11(%arg0: i32) -> (i32, i32) {
    %c0_i32 = arith.constant 0 : i32
    %c0_i32_0 = arith.constant 0 : i32
    %c0_i32_1 = arith.constant 0 : i32
    return %c0_i32, %c0_i32_0 : i32, i32
  }
  func.func @transform_12(%arg0: i32) -> (i32, i32) {
    %c0_i32 = arith.constant 0 : i32
    %c0_i32_0 = arith.constant 0 : i32
    %c0_i32_1 = arith.constant 0 : i32
    return %c0_i32, %c0_i32_0 : i32, i32
  }
  func.func @transform_13(%arg0: i32) -> (i32, i32) {
    %c0_i32 = arith.constant 0 : i32
    %c0_i32_0 = arith.constant 0 : i32
    %c0_i32_1 = arith.constant 0 : i32
    return %c0_i32, %c0_i32_0 : i32, i32
  }
  func.func @transform_14(%arg0: i32) -> (i32, i32) {
    %c0_i32 = arith.constant 0 : i32
    %c0_i32_0 = arith.constant 0 : i32
    return %arg0, %c0_i32 : i32, i32
  }
}

</mosaic_0001>

<sc_bundles>
// kernel: kernel.11.cloned.1.call-start
scs
__scs_entry_jumppad:
0x0: {  	(pc) =	sbr.rel $0x88, $3  }
0x1: {  	(tag) =	ssettag $0x0;
	lr =	simm.s32 $0x1  }
0x2: {  	[smem:$0x3F80] =	sst lr;
	_ =	strace $0xD0000000  }
0x3: {  	_ = 	snop  }
0x4: {  	_ = 	snop  }
0x5: {  	_ = 	snop  }
0x6: {  	_ = 	snop  }
0x7: {  	_ = 	snop  }
__scs_overlays_trampoline_lowered:
0x8: {  	[smem:$0x3F8F] =	sst s0  }
0x9: {  	[smem:$0x3F90] =	sst s1  }
0xa: {  	[smem:$0x3F91] =	sst s2  }
0xb: {  	[smem:$0x3F92] =	sst s3  }
0xc: {  	[smem:$0x3F93] =	sst s4  }
0xd: {  	[smem:$0x3F94] =	sst s5  }
0xe: {  	[smem:$0x3F95] =	sst s6  }
0xf: {  	[smem:$0x3F96] =	sst s7  }
0x10: {  	[smem:$0x3F97] =	sst s8  }
0x11: {  	[smem:$0x3F98] =	sst s9;
	s0 =	simm.s32 @!p0 $0x0  }
0x12: {  	s1 =	sld [smem:$0x3F7E];
	s0 =	simm.s32 @p0 $0x1  }
0x13: {  	[smem:$0x3F99] =	sst s0;
	s0 =	simm.s32 @!p1 $0x0  }
0x14: {  	s2 =	sld [smem:$0x3F7D];
	s0 =	simm.s32 @p1 $0x1  }
0x15: {  	[smem:$0x3F9A] =	sst s0;
	s0 =	simm.s32 @!p2 $0x0  }
0x16: {  	s3 =	sld [smem:$0x3FDB];
	s0 =	simm.s32 @p2 $0x1  }
0x17: {  	s4 =	simm.s32 $0x1BF5;
	[smem:$0x3F9C] =	sst s0  }
0x18: {  	s0 =	sld [smem:$0x3F7F];
	_ =	swait.ge [sflag:s4], $0x0  }
0x19: {  	s7 =	sld [smem:$0x3F80]  }
0x1a: {  	s8 =	sadd.s32 $0xFFFFE003, lr  }
0x1b: {  	s9 =	sadd.s32 $0xFFFFFEF7, lr;
	s5 =	simm.s32 $0xFFFFFFFF;
	p2 =	slt.u32 s8, $0xFFFFF086  }
0x1c: {  	p1 =	slt.u32 s9, $0xF7A;
	s5 =	simm.s32 @!p2 $0x0  }
0x1d: {  	s5 =	simm.s32 @p1 $0x1;
	p0 =	seq.s32 s7, s2  }
0x1e: {  	s7 =	smul.u32 @!p0 $0xF7A, s2;
	p2 =	seq.s32 @!p0 s5, $0x0  }
0x1f: {  	s9 =	smul.u32 $0xF7A, s1;
	s8 =	simm.s32 @!p0 $0x1BF5;
	p2 =	por !p2, p0  }
0x20: {  	[sflag:s8] =	ssyncset.s32 @!p0 $0xFFFFF086;
	s6 =	sadd.s32 @!p0 s3, s7;
	s7 =	simm.s32 @!p0 $0x108  }
0x21: {  	s3 =	sadd.s32 s3, s9;
	s6 =	sadd.s32 @!p0 $0x88, s6;
	s7 =	simm.s32 @p2 $0x1082  }
0x22: {  	[simem:s7], [sflag:s8] =	dma.local @!p0 [hbm:s6], $0xF7A  }
0x23: {  	s9 =	sor.u32 $0xD0000000, s2;
	s6 =	simm.s32 $0x108;
	_ =	swait.ge @!p0 [sflag:s8], $0x0  }
0x24: {  	s3 =	sadd.s32 $0x88, s3;
	s6 =	simm.s32 @!p1 $0x1082;
	[sflag:s4] =	ssyncset.s32 $0xFFFFF086  }
0x25: {  	[simem:s6], [sflag:s4] =	dma.local [hbm:s3], $0xF7A  }
0x26: {  	[smem:$0x3F80] =	sst s1;
	(tag) =	ssettag s2;
	_ =	strace s9  }
0x27: {  	s1 =	sld [smem:$0x3F90]  }
0x28: {  	s2 =	sld [smem:$0x3F91]  }
0x29: {  	s4 =	sld [smem:$0x3F93]  }
0x2a: {  	p0 =	seq.s32 s5, $0x0;
	s5 =	sld [smem:$0x3F94]  }
0x2b: {  	s6 =	sld [smem:$0x3F95]  }
0x2c: {  	s7 =	sld [smem:$0x3F96]  }
0x2d: {  	s3 =	simm.s32 $0x108;
	s8 =	sld [smem:$0x3F97]  }
0x2e: {  	s3 =	simm.s32 @!p0 $0x1082;
	s9 =	sld [smem:$0x3F98]  }
0x2f: {  	lr =	sadd.s32 s0, s3;
	s0 =	sld [smem:$0x3F8F]  }
0x30: {  	s3 =	sld [smem:$0x3F92]  }
0x31: {  	[smem:$0x3F9B] =	sst s10  }
0x32: {  	s10 =	sld [smem:$0x3F99];
	_ =	sdelay $0x3  }
0x33: {  	p0 =	seq.s32 s10, $0x1;
	s10 =	sld [smem:$0x3F9B];
	_ =	sdelay $0x3  }
0x34: {  	[smem:$0x3F9B] =	sst s10  }
0x35: {  	s10 =	sld [smem:$0x3F9A];
	_ =	sdelay $0x3  }
0x36: {  	p1 =	seq.s32 s10, $0x1;
	s10 =	sld [smem:$0x3F9B];
	_ =	sdelay $0x3  }
0x37: {  	[smem:$0x3F9B] =	sst s10  }
0x38: {  	s10 =	sld [smem:$0x3F9C]  }
0x39: {  	_ = 	snop;
	(pc) =	sbr.ind lr, $3  }
0x3a: {  	_ = 	snop  }
0x3b: {  	_ = 	snop  }
0x3c: {  	p2 =	seq.s32 s10, $0x1;
	s10 =	sld [smem:$0x3F9B]  }
0x3d: {  	_ =	shalt  }
0x3e: {  	_ =	shalt  }
0x3f: {  	_ =	shalt  }
0x40: {  	_ =	shalt  }
0x41: {  	_ =	shalt  }
0x42: {  	_ =	shalt  }
0x43: {  	_ =	shalt  }
0x44: {  	_ =	shalt  }
0x45: {  	_ =	shalt  }
0x46: {  	_ =	shalt  }
0x47: {  	_ =	shalt  }
0x48: {  	_ =	shalt  }
0x49: {  	_ =	shalt  }
0x4a: {  	_ =	shalt  }
0x4b: {  	_ =	shalt  }
0x4c: {  	_ =	shalt  }
0x4d: {  	_ =	shalt  }
0x4e: {  	_ =	shalt  }
0x4f: {  	_ =	shalt  }
0x50: {  	_ =	shalt  }
0x51: {  	_ =	shalt  }
0x52: {  	_ =	shalt  }
0x53: {  	_ =	shalt  }
0x54: {  	_ =	shalt  }
0x55: {  	_ =	shalt  }
0x56: {  	_ =	shalt  }
0x57: {  	_ =	shalt  }
0x58: {  	_ =	shalt  }
0x59: {  	_ =	shalt  }
0x5a: {  	_ =	shalt  }
0x5b: {  	_ =	shalt  }
0x5c: {  	_ =	shalt  }
0x5d: {  	_ =	shalt  }
0x5e: {  	_ =	shalt  }
0x5f: {  	_ =	shalt  }
0x60: {  	_ =	shalt  }
0x61: {  	_ =	shalt  }
0x62: {  	_ =	shalt  }
0x63: {  	_ =	shalt  }
0x64: {  	_ =	shalt  }
0x65: {  	_ =	shalt  }
0x66: {  	_ =	shalt  }
0x67: {  	_ =	shalt  }
0x68: {  	_ =	shalt  }
0x69: {  	_ =	shalt  }
0x6a: {  	_ =	shalt  }
0x6b: {  	_ =	shalt  }
0x6c: {  	_ =	shalt  }
0x6d: {  	_ =	shalt  }
0x6e: {  	_ =	shalt  }
0x6f: {  	_ =	shalt  }
0x70: {  	_ =	shalt  }
0x71: {  	_ =	shalt  }
0x72: {  	_ =	shalt  }
0x73: {  	_ =	shalt  }
0x74: {  	_ =	shalt  }
0x75: {  	_ =	shalt  }
0x76: {  	_ =	shalt  }
0x77: {  	_ =	shalt  }
0x78: {  	_ =	shalt  }
0x79: {  	_ =	shalt  }
0x7a: {  	_ =	shalt  }
0x7b: {  	_ =	shalt  }
0x7c: {  	_ =	shalt  }
0x7d: {  	_ =	shalt  }
0x7e: {  	_ =	shalt  }
0x7f: {  	_ =	shalt  }
0x80: {  	_ =	shalt  }
0x81: {  	_ =	shalt  }
0x82: {  	_ =	shalt  }
0x83: {  	_ =	shalt  }
0x84: {  	_ =	shalt  }
0x85: {  	_ =	shalt  }
0x86: {  	_ =	shalt  }
0x87: {  	_ =	shalt  }
.Lfunc_end0:
.L_simem_size_0:
called_computation_lowered:
.L_overlay_start_0:
0x88: {  	s2 =	sld [smem:$0x3FD9]  }
0x89: {  	s3 =	sld [smem:$0x3FFE];
	_ =	sdelay $0x1  }
0x8a: {  	s1 =	srdreg.scid  }
0x8b: {  	s0 =	sand.u32 $0x1, s1  }
0x8c: {  	s16 =	sshll.u32 s0, $0xA;
	s2 =	sadd.s32 s3, s2  }
0x8d: {  	s2 =	sadd.s32 s2, s16  }
0x8e: {  	[smem:$0x3FA7] =	sst s2  }
0x8f: {  	_ = 	snop  }
0x90: {  	(tm) =	ssettm $0x1  }
0x91: {  	s17 =	sld [smem:$0x3FFB];
	_ =	sdelay $0x3  }
0x92: {  	_ =	strace s17  }
0x93: {  	s2 =	sld [smem:$0x3FFC];
	_ =	sdelay $0x3  }
0x94: {  	_ =	strace s2  }
0x95: {  	s2 =	sld [smem:$0x3FFD];
	_ =	sdelay $0x3  }
0x96: {  	_ =	strace s2  }
0x97: {  	_ =	strace $0x8FFFFFFF  }
0x98: {  	s18 =	sld [smem:$0x3FDB];
	_ =	sdelay $0x1  }
0x99: {  	s19 =	simm.s32 $_scs_section_size  }
0x9a: {  	s4 =	simm.s32 $_size__tile_overlayer_lowered;
	s5 =	simm.s32 $_tile_overlayer_lowered  }
0x9b: {  	s22 =	simm.s32 $0x1BFF;
	s21 =	sshll.u32 s5, $0x1;
	s2 =	sadd.s32 s19, s18  }
0x9c: {  	s6 =	simm.s32 $0x0;
	s20 =	sshll.u32 s4, $0x1;
	s4 =	sadd.s32 s21, s2  }
0x9d: {  	[timem:s6], [sflag:s22] =	dma.local [hbm:s4], s20  }
0x9e: {  	_ =	swait.ge [sflag:s22], s20  }
0x9f: {  	s3 =	ssub.s32 $0x0, s20;
	[sflag:s22] =	ssyncset.done $0x0  }
0xa0: {  	[sflag:s22] =	ssyncadd.s32 s3;
	_ =	sdelay $0x1  }
0xa1: {  	s23 =	simm.s32 $0x1B8B  }
0xa2: {  	_ =	swait.ge [sflag:s23], $0x1  }
0xa3: {  	[sflag:s23] =	ssyncset.done $0x0  }
0xa4: {  	s25 =	simm.s32 $0x1B8E;
	s24 =	sld [smem:$0x3FFE];
	[sflag:s23] =	ssyncadd.s32 $0xFFFFFFFF  }
0xa5: {  	s26 =	simm.s32 $execute0_lowered;
	[smem:$0x3FD2] =	sst s25  }
0xa6: {  	s4 =	sshll.u32 s26, $0x1;
	_ =	strace $0x80000046;
	[dreg:$0x1] =	wrdreg $0xFFFFFFFF  }
0xa7: {  	s28 =	simm.s32 $_size_execute0_lowered;
	s2 =	sadd.s32 s2, s4;
	[dreg:$0x0] =	wrdreg $0x0  }
0xa8: {  	s4 =	sshll.u32 s28, $0x1;
	[dreg:$0x2] =	wrdreg s2  }
0xa9: {  	[dreg:$0x3] =	wrdreg s4  }
0xaa: {  	[dreg:$0x4] =	wrdreg $0xC0  }
0xab: {  	_ =	task [dreg:s6], $0x5FFFF  }
0xac: {  	[dreg:$0x1] =	wrdreg $0xFFFFFFFF  }
0xad: {  	[dreg:$0x0] =	wrdreg $0x60  }
0xae: {  	[dreg:$0x2] =	wrdreg s24  }
0xaf: {  	[dreg:$0x3] =	wrdreg $0x9  }
0xb0: {  	_ =	task.clear_ibuf [dreg:s6], $0x4FFFF;
	_ =	strace $0x90000046  }
0xb1: {  	s29 =	simm.s32 $0x9;
	_ =	strace $0x8000004F  }
0xb2: {  	_ =	swait.ge [sflag:s29], $0x1  }
0xb3: {  	[sflag:s29] =	ssyncadd.s32 $0xFFFFFFFF  }
0xb4: {  	_ =	strace $0x9000004F  }
0xb5: {  	_ =	sfence  }
0xb6: {  	s30 =	sld [smem:$0x0];
	_ =	sdelay $0x2  }
0xb7: {  	s31 =	sshll.u32 s1, $0xD;
	s1 =	sshrl.u32 s1, $0x2  }
0xb8: {  	s3 =	sand.u32 $0x4000, s31;
	s1 =	sadd.s32 s1, s30  }
0xb9: {  	s0 =	sor.u32 s3, s0;
	s1 =	sshll.u32 s1, $0x11  }
0xba: {  	s0 =	sor.u32 s1, s0  }
0xbb: {  	s0 =	sadd.s32 $0x8F2B, s0  }
0xbc: {  	[sflag:s0] =	ssyncadd.remote.s32 $0x1  }
0xbd: {  	_ =	sfence.sel $0xFFFF  }
0xbe: {  	[dreg:$0x0] =	wrdreg $0xFFFFFFFF;
	(pc) =	sbr.abs _section_cstart, $3  }
0xbf: {  	[dreg:$0x1] =	wrdreg $0xFFFFFFFF  }
0xc0: {  	_ =	task.clear_ibuf [dreg:s6], $0x2FFFF;
	_ =	strace $0x9FFFFFFF  }
0xc1: {  	(tm) =	ssettm $0x7FFFFFFF  }
tec
execute0_lowered:
.L_overlay_start_1:
0x0: {  	(tag) =	ssettag $0x1  }
0x1: {  	s3 =	rddreg [dreg:$0x0]  }
0x2: {  	s0 =	rddreg [dreg:$0x1];
	s1 =	simm.s32 $0x0;
	s2 =	srdreg.scid  }
0x3: {  	s31 =	simm.s32 $0x80;
	s9 =	simm.s32 $0x4;
	s10 =	simm.s32 $0x0  }
0x4: {  	[smem:$0x7FF] =	sst s1;
	s4 =	sand.u32 $0x1, s2;
	s5 =	sadd.s32 $0x7E000, s3  }
0x5: {  	s2 =	stileid.u32;
	s29 =	sadd.s32 $0xDD000, s3;
	s3 =	sadd.s32 $0xD3000, s3  }
0x6: {  	_ =	strace $0x80000047;
	s6 =	sshll.u32 s4, $0x4;
	[dreg:$0x2] =	wrdreg s5  }
0x7: {  	s4 =	ssub.s32 $0x2, s4;
	[dreg:$0x4] =	wrdreg s29;
	s28 =	sor.u32 s2, s6  }
0x8: {  	[dreg:$0x3] =	wrdreg s31;
	s7 =	sshrl.u32 s4, $0x1;
	s8 =	smul.u32 $0x500, s28  }
0x9: {  	s30 =	ssub.s32 s4, s7;
	s4 =	smul.u32 $0x50, s28;
	s7 =	simm.s32 $0x1  }
0xa: {  	s6 =	smax.u32 s30, $0x1;
	s5 =	sadd.s32 s3, s8;
	s8 =	simm.s32 $0x5  }
.LBB2_1:
0xb: {  	_ =	strace $0x80000048;
	s11 =	simm.s32 $0x1;
	p0 =	por $0x0, $0x0  }
0xc: {  	[tilespmem:s1], [sflag:$0x1] =	stream.linear.gather [hbm4b:s5+s1], $0x80, $0x200038;
	[tilespmem:$0x8100] =	vst v63  }
0xd: {  	s11 =	simm.s32 @p0 $0x0  }
0xe: {  	p4 =	por $0x1, $0x1;
	s20 =	sand.u32 $0x1, s1;
	p1 =	sne.s32 s11, $0x0  }
0xf: {  	p2 =	por $0x1, $0x1;
	s18 =	simm.s32 $0x4E;
	p0 =	por !p4, !p1  }
0x10: {  	s16 =	simm.s32 $0x0;
	p5 =	por $0x0, $0x0;
	p0 =	por !p0, !p0  }
0x11: {  	s23 =	sadd.s32 $0x0, s4;
	s30 =	sadd.s32 $0x1, s20;
	s12 =	sadd.s32 @p0 s4, s11  }
0x12: {  	_ =	strace $0x90000048;
	s13 =	sand.u32 @p0 $0x1, s7;
	s12 =	sshll.u32 @p0 s12, $0x4  }
0x13: {  	_ =	strace @p0 $0x80000049;
	s15 =	simm.s32 @p0 $0x0;
	s12 =	sand.u32 @p0 $0x1FFFFFF0, s12  }
0x14: {  	s14 =	sshll.u32 @p0 s13, $0x7;
	s13 =	sadd.s32 @p0 $0x1, s13;
	s12 =	sadd.s32 @p0 s3, s12  }
0x15: {  	[tilespmem:s14], [sflag:s13] =	stream.linear.gather @p0 [hbm4b:s12+s15], $0x80, $0x200038;
	[tilespmem:$0x8100] =	vst v63  }
0x16: {  	p3 =	por p2, p2;
	s21 =	sshll.u32 s20, $0xE;
	_ =	strace @p0 $0x90000049  }
0x17: {  	s16 =	sand.u32 $0x80, s16;
	p2 =	por p5, p5;
	_ =	strace $0x8000004A  }
0x18: {  	s17 =	sadd.s32 $0x1, s11;
	s22 =	sor.u32 $0x100, s21;
	_ =	swait.ge [sflag:s30], $0x80  }
0x19: {  	s21 =	simm.s32 $0x1;
	p6 =	por p1, p1;
	[sflag:s30] =	ssyncset.done $0x0  }
0x1a: {  	p1 =	por p3, p3;
	p4 =	por $0x1, $0x1;
	[sflag:s30] =	ssyncadd.s32 $0xFFFFFF80  }
0x1b: {  	s12 =	simm.s32 $0x4F;
	s15 =	sand.u32 @!p3 $0x1, s1;
	_ =	strace $0x9000004A  }
0x1c: {  	s13 =	simm.s32 $0x1;
	p3 =	seq.s32 s17, $0x50;
	_ =	strace $0x8000004B  }
0x1d: {  	s13 =	simm.s32 @!p0 $0x0;
	s17 =	simm.s32 @p3 $0x0;
	s19 =	rddreg [dreg:$0x3]  }
0x1e: {  	p0 =	por $0x0, $0x0;
	s14 =	sadd.s32 $0x1, s13;
	s31 =	rddreg [dreg:$0x2]  }
0x1f: {  	[tilespmem:s22], [sflag:$0x5] =	stream.indirect.gather [hbm4b:s31+s19], $0x80, s16, s19, $0x2000b8;
	[tilespmem:$0x8100] =	vst v63  }
0x20: {  	p3 =	sne.s32 s11, s17;
	s21 =	simm.s32 @!p0 $0x0;
	_ =	swait.ge [sflag:s8], $0x4000  }
0x21: {  	p5 =	por !p4, !p3;
	p4 =	por $0x0, $0x0;
	[sflag:s8] =	ssyncset.done $0x0  }
0x22: {  	s13 =	simm.s32 $0x0;
	p6 =	por p4, p6;
	[sflag:s8] =	ssyncadd.s32 $0xFFFFC000  }
0x23: {  	s16 =	simm.s32 $0x0;
	s19 =	simm.s32 $0x0;
	_ =	strace $0x9000004B  }
.LBB2_2:
0x24: {  	_ =	strace @p6 $0x8000004C;
	s13 =	sadd.s32 s21, s13;
	s21 =	smov.u32 s12  }
0x25: {  	s12 =	smov.u32 s18;
	s18 =	sadd.s32 $0xFFFFFFFF, s18;
	p0 =	por p3, p3  }
0x26: {  	s28 =	sshll.u32 @p6 s23, $0xB;
	s20 =	sadd.s32 @p6 $0x3, s20;
	s24 =	simm.s32 @!p0 $0x0  }
0x27: {  	s25 =	rddreg [dreg:$0x4];
	s28 =	sand.u32 @p6 $0x1FFFF800, s28;
	s24 =	simm.s32 @p0 $0x1  }
0x28: {  	s25 =	sadd.s32 @p6 s25, s28;
	s28 =	simm.s32 @p6 $0x0;
	p0 =	sne.s32 s18, $0x0  }
0x29: {  	[hbm4b:s25+s28] =	stream.linear.scatter @p6 [tilespmem:s22], [sflag:s20], $0x4000, $0x200038;
	[tilespmem:$0x8100] =	vst v63  }
0x2a: {  	s20 =	sadd.s32 @!p1 $0x3, s15;
	s15 =	simm.s32 @!p0 $0x0  }
0x2b: {  	s26 =	simm.s32 $0x1;
	[smem:$0x7FC] =	sst s24;
	s15 =	simm.s32 @p0 $0x1  }
0x2c: {  	s26 =	simm.s32 @!p6 $0x0;
	_ =	strace @p6 $0x9000004C;
	[smem:$0x7FD] =	sst s15  }
0x2d: {  	p5 =	por !p5, !p5;
	s19 =	sadd.s32 s26, s19;
	_ =	strace @!p1 $0x8000004D  }
0x2e: {  	s24 =	sand.u32 @!p2 $0x1, s13;
	s22 =	sand.u32 @p5 $0x1, s14;
	_ =	swait.ge @!p1 [sflag:s20], $0x4000  }
0x2f: {  	s15 =	smov.u32 s24;
	s24 =	sadd.s32 @p5 s4, s17;
	[sflag:s20] =	ssyncset.done @!p1 $0x0  }
0x30: {  	s25 =	sshll.u32 @p5 s22, $0x7;
	s24 =	sshll.u32 @p5 s24, $0x4;
	[sflag:s20] =	ssyncadd.s32 @!p1 $0xFFFFC000  }
0x31: {  	s20 =	sadd.s32 @p5 $0x1, s22;
	s22 =	sand.u32 @p5 $0x1FFFFFF0, s24;
	_ =	strace @!p1 $0x9000004D  }
0x32: {  	s24 =	simm.s32 @p5 $0x0;
	s22 =	sadd.s32 @p5 s3, s22;
	_ =	strace @p5 $0x80000049  }
0x33: {  	[tilespmem:s25], [sflag:s20] =	stream.linear.gather @p5 [hbm4b:s22+s24], $0x80, $0x200038;
	[tilespmem:$0x8100] =	vst v63  }
0x34: {  	s16 =	sadd.s32 s26, s16;
	s26 =	sand.u32 $0x1, s19;
	_ =	strace @p5 $0x90000049  }
0x35: {  	s24 =	sadd.s32 $0x1, s26;
	_ =	strace $0x8000004A  }
0x36: {  	_ =	swait.ge [sflag:s24], $0x80  }
0x37: {  	[sflag:s24] =	ssyncset.done $0x0  }
0x38: {  	s20 =	simm.s32 $0x1;
	[sflag:s24] =	ssyncadd.s32 $0xFFFFFF80  }
0x39: {  	s20 =	simm.s32 @!p5 $0x0;
	_ =	strace $0x9000004A  }
0x3a: {  	s14 =	sadd.s32 s20, s14;
	s20 =	sand.u32 $0x1, s16;
	_ =	strace $0x8000004B  }
0x3b: {  	s29 =	sshll.u32 s19, $0x7;
	s25 =	sshll.u32 s20, $0xE;
	s26 =	rddreg [dreg:$0x3]  }
0x3c: {  	s29 =	sand.u32 $0x80, s29;
	s22 =	sor.u32 $0x100, s25;
	s30 =	rddreg [dreg:$0x2]  }
0x3d: {  	[tilespmem:s22], [sflag:$0x5] =	stream.indirect.gather [hbm4b:s30+s26], $0x80, s29, s26, $0x2000b8;
	[tilespmem:$0x8100] =	vst v63  }
0x3e: {  	_ =	swait.ge [sflag:s8], $0x4000  }
0x3f: {  	s31 =	sadd.s32 $0x1, s17;
	[sflag:s8] =	ssyncset.done $0x0  }
0x40: {  	s23 =	sadd.s32 s4, s11;
	s11 =	smov.u32 s17;
	[sflag:s8] =	ssyncadd.s32 $0xFFFFC000  }
0x41: {  	p3 =	seq.s32 s31, $0x50;
	s17 =	smov.u32 s31;
	_ =	strace $0x9000004B  }
0x42: {  	s17 =	simm.s32 @p3 $0x0;
	s31 =	sld [smem:$0x7FD]  }
0x43: {  	p6 =	sne.s32 s12, $0x1;
	p0 =	sne.s32 s21, $0x50;
	p3 =	sne.s32 s11, s17  }
0x44: {  	p5 =	por !p6, !p3;
	p6 =	seq.s32 s21, $0x1;
	s21 =	simm.s32 $0x1  }
0x45: {  	s21 =	simm.s32 @!p0 $0x0;
	p0 =	seq.s32 s31, $0x1  }
.Ltmp0:
0x46: {  	s30 =	sld [smem:$0x7FC];
	(pc) =	sbr.rel @p0 .LBB2_2-.Ltmp0, $4  }
0x47: {  	_ = 	snop  }
0x48: {  	p4 =	seq.s32 s12, $0x50  }
0x49: {  	p1 =	por p2, p2;
	p2 =	por p4, p4;
	p4 =	seq.s32 s30, $0x1  }
0x4a: {  	p6 =	por p6, p4  }
0x4b: {  	_ =	strace @p6 $0x8000004C;
	s23 =	sshll.u32 @p6 s23, $0xB  }
0x4c: {  	s18 =	rddreg [dreg:$0x4];
	s23 =	sand.u32 @p6 $0x1FFFF800, s23  }
0x4d: {  	s20 =	sadd.s32 @p6 $0x3, s20;
	s18 =	sadd.s32 @p6 s18, s23;
	s23 =	simm.s32 @p6 $0x0  }
0x4e: {  	[hbm4b:s18+s23] =	stream.linear.scatter @p6 [tilespmem:s22], [sflag:s20], $0x4000, $0x200038;
	[tilespmem:$0x8100] =	vst v63  }
0x4f: {  	p0 =	por !p5, !p5;
	_ =	strace @p6 $0x9000004C  }
0x50: {  	s15 =	sadd.s32 @!p1 $0x3, s15;
	s17 =	sadd.s32 @p0 s4, s17;
	_ =	strace @!p1 $0x8000004D  }
0x51: {  	s14 =	sand.u32 @p0 $0x1, s14;
	s17 =	sshll.u32 @p0 s17, $0x4;
	_ =	swait.ge @!p1 [sflag:s15], $0x4000  }
0x52: {  	s18 =	simm.s32 $0x1;
	s20 =	sshll.u32 @p0 s14, $0x7;
	[sflag:s15] =	ssyncset.done @!p1 $0x0  }
0x53: {  	s14 =	sadd.s32 @p0 $0x1, s14;
	s18 =	simm.s32 @!p6 $0x0;
	[sflag:s15] =	ssyncadd.s32 @!p1 $0xFFFFC000  }
0x54: {  	s19 =	sadd.s32 s18, s19;
	s15 =	sand.u32 @p0 $0x1FFFFFF0, s17;
	_ =	strace @!p1 $0x9000004D  }
0x55: {  	s17 =	simm.s32 @p0 $0x0;
	s15 =	sadd.s32 @p0 s3, s15;
	_ =	strace @p0 $0x80000049  }
0x56: {  	[tilespmem:s20], [sflag:s14] =	stream.linear.gather @p0 [hbm4b:s15+s17], $0x80, $0x200038;
	[tilespmem:$0x8100] =	vst v63  }
0x57: {  	s25 =	sand.u32 $0x1, s19;
	_ =	strace @p0 $0x90000049  }
0x58: {  	s14 =	sadd.s32 $0x1, s25;
	_ =	strace $0x8000004A  }
0x59: {  	_ =	swait.ge [sflag:s14], $0x80  }
0x5a: {  	[sflag:s14] =	ssyncset.done $0x0  }
0x5b: {  	[sflag:s14] =	ssyncadd.s32 $0xFFFFFF80  }
0x5c: {  	s26 =	sadd.s32 s18, s16;
	_ =	strace $0x9000004A  }
0x5d: {  	s14 =	sand.u32 $0x1, s26;
	_ =	strace $0x8000004B  }
0x5e: {  	s30 =	sshll.u32 s19, $0x7;
	s31 =	sshll.u32 s14, $0xE;
	s28 =	rddreg [dreg:$0x3]  }
0x5f: {  	s17 =	sand.u32 $0x80, s30;
	s18 =	sor.u32 $0x100, s31;
	s29 =	rddreg [dreg:$0x2]  }
0x60: {  	[tilespmem:s18], [sflag:$0x5] =	stream.indirect.gather [hbm4b:s29+s28], $0x80, s17, s28, $0x2000b8;
	[tilespmem:$0x8100] =	vst v63  }
0x61: {  	_ =	swait.ge [sflag:s8], $0x4000  }
0x62: {  	[sflag:s8] =	ssyncset.done $0x0  }
0x63: {  	p5 =	por p3, p3;
	p6 =	seq.s32 s12, $0x1;
	[sflag:s8] =	ssyncadd.s32 $0xFFFFC000  }
0x64: {  	s11 =	sadd.s32 s4, s11;
	p0 =	por p6, p5;
	_ =	strace $0x9000004B  }
0x65: {  	s11 =	sshll.u32 @p0 s11, $0xB;
	_ =	strace @p0 $0x8000004C  }
0x66: {  	s13 =	sadd.s32 s21, s13;
	s11 =	sand.u32 @p0 $0x1FFFF800, s11;
	s12 =	rddreg [dreg:$0x4]  }
0x67: {  	s14 =	sadd.s32 @p0 $0x3, s14;
	s11 =	sadd.s32 @p0 s12, s11;
	s12 =	simm.s32 @p0 $0x0  }
0x68: {  	[hbm4b:s11+s12] =	stream.linear.scatter @p0 [tilespmem:s18], [sflag:s14], $0x4000, $0x200038;
	[tilespmem:$0x8100] =	vst v63  }
0x69: {  	p1 =	por p2, p2;
	s11 =	sand.u32 @!p2 $0x1, s13;
	_ =	strace @p0 $0x9000004C  }
0x6a: {  	s11 =	sadd.s32 @!p1 $0x3, s11;
	_ =	strace @!p1 $0x8000004D  }
0x6b: {  	_ =	swait.ge @!p1 [sflag:s11], $0x4000  }
0x6c: {  	[sflag:s11] =	ssyncset.done @!p1 $0x0  }
0x6d: {  	s10 =	sadd.s32 $0x1, s10;
	[sflag:s11] =	ssyncadd.s32 @!p1 $0xFFFFC000  }
0x6e: {  	p0 =	sne.s32 s10, s6;
	_ =	strace @!p1 $0x9000004D  }
.Ltmp1:
0x6f: {  	_ =	strace $0x8000004E;
	(pc) =	sbr.rel @p0 .LBB2_1-.Ltmp1, $4  }
0x70: {  	_ =	swait.ge [sflag:s9], $0x4000  }
0x71: {  	[sflag:s9] =	ssyncset.done $0x0  }
0x72: {  	[sflag:s9] =	ssyncadd.s32 $0xFFFFC000  }
0x73: {  	_ =	strace $0x9000004E  }
0x74: {  	_ =	sfence.sel $0x180000  }
0x75: {  	[bflag:$0x0] =	sbarrier.arrive $0xFFFF  }
0x76: {  	p0 =	sne.s32 s2, $0x0;
	_ =	strace $0x90000047  }
0x77: {  	s0 =	sadd.s32 @!p0 $0x100000, s0;
	[bflag:$0x2] =	sbarrier.arrive $0xFFFF  }
0x78: {  	[sflag:s0] =	ssyncadd.tile.s32 @!p0 $0x1;
	_ =	shalt  }
.Lfunc_end2:
_tile_overlayer_lowered:
.L_overlay_start_2:
0x79: {  	(tag) =	ssettag $0x2  }
0x7a: {  	s0 =	rddreg [dreg:$0x0];
	s2 =	stileid.u32  }
0x7b: {  	s1 =	rddreg [dreg:$0x1];
	p0 =	sne.s32 s2, $0x0  }
0x7c: {  	s3 =	rddreg [dreg:$0x2];
	[bflag:$0x3] =	sbarrier.arrive $0xFFFF;
	s2 =	simm.s32 @!p0 $0x1C01  }
0x7d: {  	[timem:s3], [sflag:s2] =	dma.local @!p0 [hbm:s0], s1  }
0x7e: {  	s0 =	simm.s32 @!p0 $0x1  }
0x7f: {  	_ =	swait.ge @!p0 [sflag:s0], s1  }
0x80: {  	s1 =	ssub.s32 @!p0 $0x0, s1;
	[sflag:s0] =	ssyncset.done @!p0 $0x0  }
0x81: {  	[sflag:s0] =	ssyncadd.s32 @!p0 s1  }
0x82: {  	[bflag:$0x3] =	sbarrier.arrive $0xFFFF  }
0x83: {  	_ =	shalt  }

// kernel: kernel.14.cloned.1.call-start
scs
__scs_entry_jumppad:
0x0: {  	(pc) =	sbr.rel $0x88, $3  }
0x1: {  	(tag) =	ssettag $0x0;
	lr =	simm.s32 $0x1  }
0x2: {  	[smem:$0x3F80] =	sst lr;
	_ =	strace $0xD0000000  }
0x3: {  	_ = 	snop  }
0x4: {  	_ = 	snop  }
0x5: {  	_ = 	snop  }
0x6: {  	_ = 	snop  }
0x7: {  	_ = 	snop  }
__scs_overlays_trampoline_lowered:
0x8: {  	[smem:$0x3F8F] =	sst s0  }
0x9: {  	[smem:$0x3F90] =	sst s1  }
0xa: {  	[smem:$0x3F91] =	sst s2  }
0xb: {  	[smem:$0x3F92] =	sst s3  }
0xc: {  	[smem:$0x3F93] =	sst s4  }
0xd: {  	[smem:$0x3F94] =	sst s5  }
0xe: {  	[smem:$0x3F95] =	sst s6  }
0xf: {  	[smem:$0x3F96] =	sst s7  }
0x10: {  	[smem:$0x3F97] =	sst s8  }
0x11: {  	[smem:$0x3F98] =	sst s9;
	s0 =	simm.s32 @!p0 $0x0  }
0x12: {  	s1 =	sld [smem:$0x3F7E];
	s0 =	simm.s32 @p0 $0x1  }
0x13: {  	[smem:$0x3F99] =	sst s0;
	s0 =	simm.s32 @!p1 $0x0  }
0x14: {  	s2 =	sld [smem:$0x3F7D];
	s0 =	simm.s32 @p1 $0x1  }
0x15: {  	[smem:$0x3F9A] =	sst s0;
	s0 =	simm.s32 @!p2 $0x0  }
0x16: {  	s3 =	sld [smem:$0x3FDB];
	s0 =	simm.s32 @p2 $0x1  }
0x17: {  	s4 =	simm.s32 $0x1BF5;
	[smem:$0x3F9C] =	sst s0  }
0x18: {  	s0 =	sld [smem:$0x3F7F];
	_ =	swait.ge [sflag:s4], $0x0  }
0x19: {  	s7 =	sld [smem:$0x3F80]  }
0x1a: {  	s8 =	sadd.s32 $0xFFFFE003, lr  }
0x1b: {  	s9 =	sadd.s32 $0xFFFFFEF7, lr;
	s5 =	simm.s32 $0xFFFFFFFF;
	p2 =	slt.u32 s8, $0xFFFFF086  }
0x1c: {  	p1 =	slt.u32 s9, $0xF7A;
	s5 =	simm.s32 @!p2 $0x0  }
0x1d: {  	s5 =	simm.s32 @p1 $0x1;
	p0 =	seq.s32 s7, s2  }
0x1e: {  	s7 =	smul.u32 @!p0 $0xF7A, s2;
	p2 =	seq.s32 @!p0 s5, $0x0  }
0x1f: {  	s9 =	smul.u32 $0xF7A, s1;
	s8 =	simm.s32 @!p0 $0x1BF5;
	p2 =	por !p2, p0  }
0x20: {  	[sflag:s8] =	ssyncset.s32 @!p0 $0xFFFFF086;
	s6 =	sadd.s32 @!p0 s3, s7;
	s7 =	simm.s32 @!p0 $0x108  }
0x21: {  	s3 =	sadd.s32 s3, s9;
	s6 =	sadd.s32 @!p0 $0x88, s6;
	s7 =	simm.s32 @p2 $0x1082  }
0x22: {  	[simem:s7], [sflag:s8] =	dma.local @!p0 [hbm:s6], $0xF7A  }
0x23: {  	s9 =	sor.u32 $0xD0000000, s2;
	s6 =	simm.s32 $0x108;
	_ =	swait.ge @!p0 [sflag:s8], $0x0  }
0x24: {  	s3 =	sadd.s32 $0x88, s3;
	s6 =	simm.s32 @!p1 $0x1082;
	[sflag:s4] =	ssyncset.s32 $0xFFFFF086  }
0x25: {  	[simem:s6], [sflag:s4] =	dma.local [hbm:s3], $0xF7A  }
0x26: {  	[smem:$0x3F80] =	sst s1;
	(tag) =	ssettag s2;
	_ =	strace s9  }
0x27: {  	s1 =	sld [smem:$0x3F90]  }
0x28: {  	s2 =	sld [smem:$0x3F91]  }
0x29: {  	s4 =	sld [smem:$0x3F93]  }
0x2a: {  	p0 =	seq.s32 s5, $0x0;
	s5 =	sld [smem:$0x3F94]  }
0x2b: {  	s6 =	sld [smem:$0x3F95]  }
0x2c: {  	s7 =	sld [smem:$0x3F96]  }
0x2d: {  	s3 =	simm.s32 $0x108;
	s8 =	sld [smem:$0x3F97]  }
0x2e: {  	s3 =	simm.s32 @!p0 $0x1082;
	s9 =	sld [smem:$0x3F98]  }
0x2f: {  	lr =	sadd.s32 s0, s3;
	s0 =	sld [smem:$0x3F8F]  }
0x30: {  	s3 =	sld [smem:$0x3F92]  }
0x31: {  	[smem:$0x3F9B] =	sst s10  }
0x32: {  	s10 =	sld [smem:$0x3F99];
	_ =	sdelay $0x3  }
0x33: {  	p0 =	seq.s32 s10, $0x1;
	s10 =	sld [smem:$0x3F9B];
	_ =	sdelay $0x3  }
0x34: {  	[smem:$0x3F9B] =	sst s10  }
0x35: {  	s10 =	sld [smem:$0x3F9A];
	_ =	sdelay $0x3  }
0x36: {  	p1 =	seq.s32 s10, $0x1;
	s10 =	sld [smem:$0x3F9B];
	_ =	sdelay $0x3  }
0x37: {  	[smem:$0x3F9B] =	sst s10  }
0x38: {  	s10 =	sld [smem:$0x3F9C]  }
0x39: {  	_ = 	snop;
	(pc) =	sbr.ind lr, $3  }
0x3a: {  	_ = 	snop  }
0x3b: {  	_ = 	snop  }
0x3c: {  	p2 =	seq.s32 s10, $0x1;
	s10 =	sld [smem:$0x3F9B]  }
0x3d: {  	_ =	shalt  }
0x3e: {  	_ =	shalt  }
0x3f: {  	_ =	shalt  }
0x40: {  	_ =	shalt  }
0x41: {  	_ =	shalt  }
0x42: {  	_ =	shalt  }
0x43: {  	_ =	shalt  }
0x44: {  	_ =	shalt  }
0x45: {  	_ =	shalt  }
0x46: {  	_ =	shalt  }
0x47: {  	_ =	shalt  }
0x48: {  	_ =	shalt  }
0x49: {  	_ =	shalt  }
0x4a: {  	_ =	shalt  }
0x4b: {  	_ =	shalt  }
0x4c: {  	_ =	shalt  }
0x4d: {  	_ =	shalt  }
0x4e: {  	_ =	shalt  }
0x4f: {  	_ =	shalt  }
0x50: {  	_ =	shalt  }
0x51: {  	_ =	shalt  }
0x52: {  	_ =	shalt  }
0x53: {  	_ =	shalt  }
0x54: {  	_ =	shalt  }
0x55: {  	_ =	shalt  }
0x56: {  	_ =	shalt  }
0x57: {  	_ =	shalt  }
0x58: {  	_ =	shalt  }
0x59: {  	_ =	shalt  }
0x5a: {  	_ =	shalt  }
0x5b: {  	_ =	shalt  }
0x5c: {  	_ =	shalt  }
0x5d: {  	_ =	shalt  }
0x5e: {  	_ =	shalt  }
0x5f: {  	_ =	shalt  }
0x60: {  	_ =	shalt  }
0x61: {  	_ =	shalt  }
0x62: {  	_ =	shalt  }
0x63: {  	_ =	shalt  }
0x64: {  	_ =	shalt  }
0x65: {  	_ =	shalt  }
0x66: {  	_ =	shalt  }
0x67: {  	_ =	shalt  }
0x68: {  	_ =	shalt  }
0x69: {  	_ =	shalt  }
0x6a: {  	_ =	shalt  }
0x6b: {  	_ =	shalt  }
0x6c: {  	_ =	shalt  }
0x6d: {  	_ =	shalt  }
0x6e: {  	_ =	shalt  }
0x6f: {  	_ =	shalt  }
0x70: {  	_ =	shalt  }
0x71: {  	_ =	shalt  }
0x72: {  	_ =	shalt  }
0x73: {  	_ =	shalt  }
0x74: {  	_ =	shalt  }
0x75: {  	_ =	shalt  }
0x76: {  	_ =	shalt  }
0x77: {  	_ =	shalt  }
0x78: {  	_ =	shalt  }
0x79: {  	_ =	shalt  }
0x7a: {  	_ =	shalt  }
0x7b: {  	_ =	shalt  }
0x7c: {  	_ =	shalt  }
0x7d: {  	_ =	shalt  }
0x7e: {  	_ =	shalt  }
0x7f: {  	_ =	shalt  }
0x80: {  	_ =	shalt  }
0x81: {  	_ =	shalt  }
0x82: {  	_ =	shalt  }
0x83: {  	_ =	shalt  }
0x84: {  	_ =	shalt  }
0x85: {  	_ =	shalt  }
0x86: {  	_ =	shalt  }
0x87: {  	_ =	shalt  }
.Lfunc_end0:
.L_simem_size_0:
called_computation.1_lowered:
.L_overlay_start_0:
0x88: {  	s2 =	sld [smem:$0x3FD9]  }
0x89: {  	s3 =	sld [smem:$0x3FFE];
	_ =	sdelay $0x1  }
0x8a: {  	s1 =	srdreg.scid  }
0x8b: {  	s0 =	sand.u32 $0x1, s1  }
0x8c: {  	s16 =	sshll.u32 s0, $0xA;
	s2 =	sadd.s32 s3, s2  }
0x8d: {  	s2 =	sadd.s32 s2, s16  }
0x8e: {  	[smem:$0x3FA7] =	sst s2  }
0x8f: {  	_ = 	snop  }
0x90: {  	(tm) =	ssettm $0x1  }
0x91: {  	s17 =	sld [smem:$0x3FFB];
	_ =	sdelay $0x3  }
0x92: {  	_ =	strace s17  }
0x93: {  	s2 =	sld [smem:$0x3FFC];
	_ =	sdelay $0x3  }
0x94: {  	_ =	strace s2  }
0x95: {  	s2 =	sld [smem:$0x3FFD];
	_ =	sdelay $0x3  }
0x96: {  	_ =	strace s2  }
0x97: {  	_ =	strace $0x8FFFFFFF  }
0x98: {  	s18 =	sld [smem:$0x3FDB];
	_ =	sdelay $0x1  }
0x99: {  	s19 =	simm.s32 $_scs_section_size  }
0x9a: {  	s4 =	simm.s32 $_size__tile_overlayer_lowered;
	s5 =	simm.s32 $_tile_overlayer_lowered  }
0x9b: {  	s22 =	simm.s32 $0x1BFF;
	s21 =	sshll.u32 s5, $0x1;
	s2 =	sadd.s32 s19, s18  }
0x9c: {  	s6 =	simm.s32 $0x0;
	s20 =	sshll.u32 s4, $0x1;
	s4 =	sadd.s32 s21, s2  }
0x9d: {  	[timem:s6], [sflag:s22] =	dma.local [hbm:s4], s20  }
0x9e: {  	_ =	swait.ge [sflag:s22], s20  }
0x9f: {  	s3 =	ssub.s32 $0x0, s20;
	[sflag:s22] =	ssyncset.done $0x0  }
0xa0: {  	[sflag:s22] =	ssyncadd.s32 s3;
	_ =	sdelay $0x1  }
0xa1: {  	s23 =	simm.s32 $0x1B8B  }
0xa2: {  	_ =	swait.ge [sflag:s23], $0x1  }
0xa3: {  	[sflag:s23] =	ssyncset.done $0x0  }
0xa4: {  	s25 =	simm.s32 $0x1B8E;
	s24 =	sld [smem:$0x3FFE];
	[sflag:s23] =	ssyncadd.s32 $0xFFFFFFFF  }
0xa5: {  	s26 =	simm.s32 $execute0_lowered;
	[smem:$0x3FD2] =	sst s25  }
0xa6: {  	s4 =	sshll.u32 s26, $0x1;
	_ =	strace $0x80000050;
	[dreg:$0x1] =	wrdreg $0xFFFFFFFF  }
0xa7: {  	s28 =	simm.s32 $_size_execute0_lowered;
	s2 =	sadd.s32 s2, s4;
	[dreg:$0x0] =	wrdreg $0x0  }
0xa8: {  	s4 =	sshll.u32 s28, $0x1;
	[dreg:$0x2] =	wrdreg s2  }
0xa9: {  	[dreg:$0x3] =	wrdreg s4  }
0xaa: {  	[dreg:$0x4] =	wrdreg $0xC0  }
0xab: {  	_ =	task [dreg:s6], $0x5FFFF  }
0xac: {  	[dreg:$0x1] =	wrdreg $0xFFFFFFFF  }
0xad: {  	[dreg:$0x0] =	wrdreg $0x60  }
0xae: {  	[dreg:$0x2] =	wrdreg s24  }
0xaf: {  	[dreg:$0x3] =	wrdreg $0x0  }
0xb0: {  	[dreg:$0x4] =	wrdreg $0x9  }
0xb1: {  	_ =	task.clear_ibuf [dreg:s6], $0x5FFFF;
	_ =	strace $0x90000050  }
0xb2: {  	s29 =	simm.s32 $0x9;
	_ =	strace $0x80000052  }
0xb3: {  	_ =	swait.ge [sflag:s29], $0x1  }
0xb4: {  	[sflag:s29] =	ssyncadd.s32 $0xFFFFFFFF  }
0xb5: {  	_ =	strace $0x90000052  }
0xb6: {  	_ =	sfence  }
0xb7: {  	s30 =	sld [smem:$0x0];
	_ =	sdelay $0x2  }
0xb8: {  	s31 =	sshll.u32 s1, $0xD;
	s1 =	sshrl.u32 s1, $0x2  }
0xb9: {  	s3 =	sand.u32 $0x4000, s31;
	s1 =	sadd.s32 s1, s30  }
0xba: {  	s0 =	sor.u32 s3, s0;
	s1 =	sshll.u32 s1, $0x11  }
0xbb: {  	s0 =	sor.u32 s1, s0  }
0xbc: {  	s0 =	sadd.s32 $0x8F2B, s0  }
0xbd: {  	[sflag:s0] =	ssyncadd.remote.s32 $0x1  }
0xbe: {  	_ =	sfence.sel $0xFFFF  }
0xbf: {  	[dreg:$0x0] =	wrdreg $0xFFFFFFFF;
	(pc) =	sbr.abs _section_cstart, $3  }
0xc0: {  	[dreg:$0x1] =	wrdreg $0xFFFFFFFF  }
0xc1: {  	_ =	task.clear_ibuf [dreg:s6], $0x2FFFF;
	_ =	strace $0x9FFFFFFF  }
0xc2: {  	(tm) =	ssettm $0x7FFFFFFF  }
0xc3: {  	_ =	shalt  }
tec
execute0_lowered:
.L_overlay_start_1:
0x0: {  	(tag) =	ssettag $0x1  }
0x1: {  	s0 =	rddreg [dreg:$0x0]  }
0x2: {  	s2 =	rddreg [dreg:$0x1];
	s18 =	stileid.u32  }
0x3: {  	s1 =	srdreg.scid;
	s3 =	simm.s32 $0x0;
	s28 =	simm.s32 $0x1C080  }
0x4: {  	s29 =	simm.s32 $0x6;
	s30 =	simm.s32 $0x2;
	s4 =	smul.u32 $0x14000, s18  }
0x5: {  	s31 =	simm.s32 $0x3;
	s1 =	sand.u32 $0x1, s1;
	s8 =	smul.u32 $0x50000, s18  }
0x6: {  	[smem:$0x7FF] =	sst s3;
	s9 =	sadd.s32 $0xACE000, s0;
	s23 =	smul.u32 $0x280, s18  }
0x7: {  	s10 =	sadd.s32 $0xCE000, s0;
	s14 =	sshll.u32 s18, $0x6;
	s5 =	smul.u32 $0x140000, s1  }
0x8: {  	_ =	strace $0x80000051;
	s7 =	sshll.u32 s1, $0x4;
	s16 =	smul.u32 $0x14000, s1  }
0x9: {  	s24 =	ssub.s32 $0x2, s1;
	s22 =	smul.u32 $0x2800, s1;
	s1 =	simm.s32 $0x0  }
0xa: {  	s6 =	sshrl.u32 s4, $0x3;
	s7 =	sor.u32 s18, s7;
	s11 =	sshrl.u32 s24, $0x1  }
0xb: {  	s8 =	sshrl.u32 s8, $0x2;
	s6 =	sadd.s32 s6, s0;
	s12 =	smul.u32 $0x14000, s7  }
0xc: {  	s4 =	sadd.s32 s4, s5;
	s11 =	ssub.s32 s24, s11;
	s26 =	smul.u32 $0x280, s7  }
0xd: {  	s25 =	sadd.s32 s8, s2;
	s13 =	smul.u32 $0x1400, s7;
	s5 =	sshrl.u32 s4, $0x3  }
0xe: {  	[dreg:$0x3] =	wrdreg s25;
	s11 =	smax.u32 s11, $0x1;
	s25 =	sadd.s32 s9, s4  }
0xf: {  	s0 =	sadd.s32 s5, s0;
	s5 =	sadd.s32 $0x7E000, s6;
	s6 =	sor.u32 $0x1C05, s14  }
0x10: {  	s15 =	sadd.s32 s9, s12;
	s8 =	sadd.s32 s10, s26;
	s19 =	sor.u32 $0x80, s13  }
0x11: {  	[dreg:$0x6] =	wrdreg s11;
	s17 =	sadd.s32 $0xDD000, s0;
	s0 =	sadd.s32 $0x12D000, s0  }
0x12: {  	s20 =	sshll.u32 s19, $0x4;
	s12 =	smov.u32 s15;
	[dreg:$0x4] =	wrdreg s17  }
0x13: {  	s14 =	sadd.s32 $0x1000, s15;
	s15 =	sadd.s32 $0x20, s8;
	[dreg:$0x5] =	wrdreg s0  }
0x14: {  	s21 =	sadd.s32 s9, s20;
	s0 =	sshrl.u32 s19, $0x3;
	s17 =	smul.u32 $0x1400, s18  }
0x15: {  	s9 =	sadd.s32 $0x2000, s25;
	s25 =	simm.s32 $0x18000;
	[dreg:$0x7] =	wrdreg s21  }
0x16: {  	s13 =	sadd.s32 s10, s0;
	s0 =	sadd.s32 s22, s10;
	s21 =	simm.s32 $0x5  }
0x17: {  	s22 =	simm.s32 $0x14000;
	s17 =	sadd.s32 s17, s16;
	s16 =	sadd.s32 $0x270, s8  }
0x18: {  	s24 =	sor.u32 $0x180, s17;
	s17 =	sadd.s32 s23, s0;
	s23 =	simm.s32 $0x1C000  }
0x19: {  	s0 =	simm.s32 $0x4;
	s26 =	sshrl.u32 s24, $0x3;
	s18 =	sadd.s32 $0x40, s17  }
0x1a: {  	v0 =	vimm.f32 $1.000000000e+00;
	s24 =	simm.s32 $0x1;
	s20 =	sadd.s32 s26, s10;
	s26 =	simm.s32 $0x80  }
.LBB2_1:
0x1b: {  	s4 =	rddreg [dreg:$0x3]  }
0x1c: {  	s4 =	sshrl.u32 s4, $0x3  }
0x1d: {  	[spmem:s4], [sflag:s6] =	dma.local [hbm:s5], $0x2800  }
0x1e: {  	_ =	swait.ge [sflag:s21], $0x2800  }
0x1f: {  	[sflag:s21] =	ssyncset.done $0x0  }
0x20: {  	[sflag:s21] =	ssyncadd.s32 $0xFFFFD800  }
0x21: {  	[bflag:$0x0] =	sbarrier.arrive $0xFFFF  }
0x22: {  	[tilespmem:s22], [sflag:$0x1] =	stream.linear.gather [hbm4b:s12+s3], $0x4000, $0x38;
	[tilespmem:$0x1C100] =	vst v63  }
0x23: {  	_ = 	snop  }
0x24: {  	[tilespmem:s23], [sflag:$0x5] =	stream.linear.gather [hbm4b:s8+s3], $0x80, $0x38;
	[tilespmem:$0x1C100] =	vst v63  }
0x25: {  	_ =	swait.ge [sflag:s21], $0x80  }
0x26: {  	[sflag:s21] =	ssyncset.done $0x0  }
0x27: {  	[sflag:s21] =	ssyncadd.s32 $0xFFFFFF80  }
0x28: {  	_ =	swait.ge [sflag:s24], $0x4000  }
0x29: {  	[sflag:s24] =	ssyncset.done $0x0  }
0x2a: {  	s7 =	rddreg [dreg:$0x7];
	[sflag:s24] =	ssyncadd.s32 $0xFFFFC000  }
0x2b: {  	[tilespmem:s25], [sflag:$0x2] =	stream.linear.gather [hbm4b:s7+s3], $0x4000, $0x38;
	[tilespmem:$0x1C100] =	vst v63  }
0x2c: {  	_ = 	snop  }
0x2d: {  	[spmem:s2] =	stream.indirect.scatter.add.f32 [tilespmem:s22], [sflag:$0x3], $0x80, s23, s26, $0xb8;
	[tilespmem:$0x1C100] =	vst v63  }
0x2e: {  	_ = 	snop  }
0x2f: {  	[tilespmem:s28], [sflag:$0x6] =	stream.linear.gather [hbm4b:s13+s3], $0x80, $0x38;
	[tilespmem:$0x1C100] =	vst v63  }
0x30: {  	_ =	swait.ge [sflag:s29], $0x80  }
0x31: {  	[sflag:s29] =	ssyncset.done $0x0  }
0x32: {  	[sflag:s29] =	ssyncadd.s32 $0xFFFFFF80  }
0x33: {  	_ =	swait.ge [sflag:s30], $0x4000  }
0x34: {  	[sflag:s30] =	ssyncset.done $0x0  }
0x35: {  	[sflag:s30] =	ssyncadd.s32 $0xFFFFC000  }
0x36: {  	_ =	swait.ge [sflag:s31], $0x4000  }
0x37: {  	[sflag:s31] =	ssyncset.done $0x0  }
0x38: {  	[sflag:s31] =	ssyncadd.s32 $0xFFFFC000  }
0x39: {  	[tilespmem:s22], [sflag:$0x1] =	stream.linear.gather [hbm4b:s14+s3], $0x4000, $0x38;
	[tilespmem:$0x1C100] =	vst v63  }
0x3a: {  	_ = 	snop  }
0x3b: {  	[spmem:s2] =	stream.indirect.scatter.add.f32 [tilespmem:s25], [sflag:$0x4], $0x80, s28, s26, $0xb8;
	[tilespmem:$0x1C100] =	vst v63  }
0x3c: {  	_ = 	snop  }
0x3d: {  	[tilespmem:s23], [sflag:$0x5] =	stream.linear.gather [hbm4b:s15+s3], $0x80, $0x38;
	[tilespmem:$0x1C100] =	vst v63  }
0x3e: {  	_ =	swait.ge [sflag:s21], $0x80  }
0x3f: {  	[sflag:s21] =	ssyncset.done $0x0  }
0x40: {  	s19 =	smov.u32 s9;
	s10 =	simm.s32 $0x0;
	[sflag:s21] =	ssyncadd.s32 $0xFFFFFF80  }
.LBB2_2:
0x41: {  	_ =	swait.ge [sflag:s24], $0x4000  }
0x42: {  	[sflag:s24] =	ssyncset.done $0x0  }
0x43: {  	[sflag:s24] =	ssyncadd.s32 $0xFFFFC000  }
0x44: {  	_ =	swait.ge [sflag:s0], $0x4000  }
0x45: {  	[sflag:s0] =	ssyncset.done $0x0  }
0x46: {  	s11 =	sadd.s32 $0xFFFFF800, s19;
	[sflag:s0] =	ssyncadd.s32 $0xFFFFC000  }
0x47: {  	[tilespmem:s25], [sflag:$0x2] =	stream.linear.gather [hbm4b:s11+s3], $0x4000, $0x38;
	[tilespmem:$0x1C100] =	vst v63  }
0x48: {  	_ = 	snop  }
0x49: {  	[spmem:s2] =	stream.indirect.scatter.add.f32 [tilespmem:s22], [sflag:$0x3], $0x80, s23, s26, $0xb8;
	[tilespmem:$0x1C100] =	vst v63  }
0x4a: {  	s7 =	sadd.s32 s10, s20  }
0x4b: {  	[tilespmem:s28], [sflag:$0x6] =	stream.linear.gather [hbm4b:s7+s3], $0x80, $0x38;
	[tilespmem:$0x1C100] =	vst v63  }
0x4c: {  	_ =	swait.ge [sflag:s29], $0x80  }
0x4d: {  	[sflag:s29] =	ssyncset.done $0x0  }
0x4e: {  	[sflag:s29] =	ssyncadd.s32 $0xFFFFFF80  }
0x4f: {  	p0 =	seq.s32 s10, $0x240;
	_ =	swait.ge [sflag:s30], $0x4000  }
.Ltmp0:
0x50: {  	[sflag:s30] =	ssyncset.done $0x0;
	(pc) =	sbr.rel @p0 .LBB2_4-.Ltmp0, $4  }
0x51: {  	[sflag:s30] =	ssyncadd.s32 $0xFFFFC000  }
0x52: {  	_ =	swait.ge [sflag:s31], $0x4000  }
0x53: {  	[sflag:s31] =	ssyncset.done $0x0  }
0x54: {  	[sflag:s31] =	ssyncadd.s32 $0xFFFFC000  }
0x55: {  	[tilespmem:s22], [sflag:$0x1] =	stream.linear.gather [hbm4b:s19+s3], $0x4000, $0x38;
	[tilespmem:$0x1C100] =	vst v63  }
0x56: {  	_ = 	snop  }
0x57: {  	[spmem:s2] =	stream.indirect.scatter.add.f32 [tilespmem:s25], [sflag:$0x4], $0x80, s28, s26, $0xb8;
	[tilespmem:$0x1C100] =	vst v63  }
.Ltmp1:
0x58: {  	s11 =	sadd.s32 s10, s18;
	(pc) =	sbr.rel .LBB2_2-.Ltmp1, $4  }
0x59: {  	[tilespmem:s23], [sflag:$0x5] =	stream.linear.gather [hbm4b:s11+s3], $0x80, $0x38;
	[tilespmem:$0x1C100] =	vst v63  }
0x5a: {  	_ =	swait.ge [sflag:s21], $0x80  }
0x5b: {  	[sflag:s21] =	ssyncset.done $0x0  }
0x5c: {  	s10 =	sadd.s32 $0x20, s10;
	s19 =	sadd.s32 $0x1000, s19;
	[sflag:s21] =	ssyncadd.s32 $0xFFFFFF80  }
.LBB2_4:
0x5d: {  	[spmem:s2] =	stream.indirect.scatter.add.f32 [tilespmem:s25], [sflag:$0x4], $0x80, s28, s26, $0xb8;
	[tilespmem:$0x1C100] =	vst v63  }
0x5e: {  	_ =	swait.ge [sflag:s0], $0x4000  }
0x5f: {  	[sflag:s0] =	ssyncset.done $0x0  }
0x60: {  	[sflag:s0] =	ssyncadd.s32 $0xFFFFC000  }
0x61: {  	[bflag:$0x0] =	sbarrier.arrive $0xFFFF  }
0x62: {  	s7 =	rddreg [dreg:$0x4]  }
0x63: {  	[hbm:s7], [sflag:s6] =	dma.local [spmem:s4], $0x2800  }
0x64: {  	_ =	swait.ge [sflag:s21], $0x2800  }
0x65: {  	[sflag:s21] =	ssyncset.done $0x0  }
0x66: {  	[sflag:s21] =	ssyncadd.s32 $0xFFFFD800  }
0x67: {  	[bflag:$0x0] =	sbarrier.arrive $0xFFFF  }
0x68: {  	[spmem:s4], [sflag:s6] =	dma.local [hbm:s5], $0x2800  }
0x69: {  	_ =	swait.ge [sflag:s21], $0x2800  }
0x6a: {  	[sflag:s21] =	ssyncset.done $0x0  }
0x6b: {  	s10 =	simm.s32 $0x0;
	s19 =	simm.s32 $0x200;
	[sflag:s21] =	ssyncadd.s32 $0xFFFFD800  }
.LBB2_5:
0x6c: {  	p0 =	sne.s32 s19, $0xFE00;
	[tilespmem:s10+$0x14070] =	vst v0  }
0x6d: {  	[tilespmem:s10+$0x14000] =	vst v0  }
0x6e: {  	[tilespmem:s10+$0x14010] =	vst v0  }
.Ltmp2:
0x6f: {  	[tilespmem:s10+$0x14020] =	vst v0;
	(pc) =	sbr.rel @p0 .LBB2_5-.Ltmp2, $4  }
0x70: {  	[tilespmem:s10+$0x14030] =	vst v0  }
0x71: {  	[tilespmem:s10+$0x14040] =	vst v0  }
0x72: {  	[tilespmem:s10+$0x14050] =	vst v0  }
0x73: {  	[tilespmem:s10+$0x14060] =	vst v0;
	s10 =	sshra.s32 s19, $0x2;
	s19 =	sadd.s32 $0x200, s19  }
0x74: {  	[tilespmem:s10+$0x14070] =	vst v0  }
0x75: {  	[tilespmem:s10+$0x14000] =	vst v0  }
0x76: {  	[tilespmem:s10+$0x14010] =	vst v0  }
0x77: {  	[tilespmem:s10+$0x14020] =	vst v0  }
0x78: {  	[tilespmem:s10+$0x14030] =	vst v0  }
0x79: {  	[tilespmem:s10+$0x14040] =	vst v0  }
0x7a: {  	[tilespmem:s10+$0x14050] =	vst v0  }
0x7b: {  	[tilespmem:s10+$0x14060] =	vst v0  }
0x7c: {  	[bflag:$0x0] =	sbarrier.arrive $0xFFFF  }
0x7d: {  	[tilespmem:s23], [sflag:$0x5] =	stream.linear.gather [hbm4b:s8+s3], $0x80, $0x38;
	[tilespmem:$0x1C100] =	vst v63  }
0x7e: {  	_ =	swait.ge [sflag:s21], $0x80  }
0x7f: {  	[sflag:s21] =	ssyncset.done $0x0  }
0x80: {  	s19 =	sadd.s32 $0xFFFFFDA0, s17;
	[sflag:s21] =	ssyncadd.s32 $0xFFFFFF80  }
0x81: {  	[spmem:s2] =	stream.indirect.scatter.add.f32 [tilespmem:s22], [sflag:$0x3], $0x80, s23, s26, $0xb8;
	[tilespmem:$0x1C100] =	vst v63  }
0x82: {  	s11 =	sadd.s32 $0x270, s19  }
0x83: {  	[tilespmem:s28], [sflag:$0x5] =	stream.linear.gather [hbm4b:s11+s3], $0x80, $0x38;
	[tilespmem:$0x1C100] =	vst v63  }
0x84: {  	_ =	swait.ge [sflag:s21], $0x80  }
0x85: {  	[sflag:s21] =	ssyncset.done $0x0  }
0x86: {  	[sflag:s21] =	ssyncadd.s32 $0xFFFFFF80  }
0x87: {  	[spmem:s2] =	stream.indirect.scatter.add.f32 [tilespmem:s22], [sflag:$0x4], $0x80, s28, s26, $0xb8;
	[tilespmem:$0x1C100] =	vst v63  }
0x88: {  	_ =	swait.ge [sflag:s31], $0x4000  }
0x89: {  	[sflag:s31] =	ssyncset.done $0x0  }
0x8a: {  	s10 =	sadd.s32 $0x280, s19;
	[sflag:s31] =	ssyncadd.s32 $0xFFFFC000  }
0x8b: {  	[tilespmem:s23], [sflag:$0x5] =	stream.linear.gather [hbm4b:s10+s3], $0x80, $0x38;
	[tilespmem:$0x1C100] =	vst v63  }
0x8c: {  	_ =	swait.ge [sflag:s21], $0x80  }
0x8d: {  	[sflag:s21] =	ssyncset.done $0x0  }
0x8e: {  	[sflag:s21] =	ssyncadd.s32 $0xFFFFFF80  }
0x8f: {  	_ =	swait.ge [sflag:s0], $0x4000  }
0x90: {  	s10 =	simm.s32 $0xFFFFFDC0;
	[sflag:s0] =	ssyncset.done $0x0  }
.LBB2_7:
0x91: {  	s19 =	smov.u32 s10  }
0x92: {  	s11 =	sadd.s32 s10, s17;
	[sflag:s0] =	ssyncadd.s32 $0xFFFFC000;
	s19 =	sadd.s32 $0x20, s10  }
0x93: {  	[spmem:s2] =	stream.indirect.scatter.add.f32 [tilespmem:s22], [sflag:$0x3], $0x80, s23, s26, $0xb8;
	[tilespmem:$0x1C100] =	vst v63  }
0x94: {  	p0 =	sne.s32 s10, $0xFFFFFFE0;
	s7 =	sadd.s32 $0x270, s11  }
0x95: {  	[tilespmem:s28], [sflag:$0x5] =	stream.linear.gather [hbm4b:s7+s3], $0x80, $0x38;
	[tilespmem:$0x1C100] =	vst v63  }
0x96: {  	_ =	swait.ge [sflag:s21], $0x80  }
0x97: {  	[sflag:s21] =	ssyncset.done $0x0  }
0x98: {  	[sflag:s21] =	ssyncadd.s32 $0xFFFFFF80  }
0x99: {  	[spmem:s2] =	stream.indirect.scatter.add.f32 [tilespmem:s22], [sflag:$0x4], $0x80, s28, s26, $0xb8;
	[tilespmem:$0x1C100] =	vst v63  }
0x9a: {  	_ =	swait.ge [sflag:s31], $0x4000  }
0x9b: {  	[sflag:s31] =	ssyncset.done $0x0  }
0x9c: {  	s7 =	sadd.s32 $0x280, s11;
	[sflag:s31] =	ssyncadd.s32 $0xFFFFC000  }
0x9d: {  	[tilespmem:s23], [sflag:$0x5] =	stream.linear.gather [hbm4b:s7+s3], $0x80, $0x38;
	[tilespmem:$0x1C100] =	vst v63  }
.Ltmp3:
0x9e: {  	_ =	swait.ge [sflag:s21], $0x80;
	(pc) =	sbr.rel @p0 .LBB2_7-.Ltmp3, $4  }
0x9f: {  	[sflag:s21] =	ssyncset.done $0x0  }
0xa0: {  	[sflag:s21] =	ssyncadd.s32 $0xFFFFFF80  }
0xa1: {  	_ =	swait.ge [sflag:s0], $0x4000  }
0xa2: {  	s10 =	smov.u32 s19;
	[sflag:s0] =	ssyncset.done $0x0  }
0xa3: {  	[sflag:s0] =	ssyncadd.s32 $0xFFFFC000  }
0xa4: {  	[spmem:s2] =	stream.indirect.scatter.add.f32 [tilespmem:s22], [sflag:$0x3], $0x80, s23, s26, $0xb8;
	[tilespmem:$0x1C100] =	vst v63  }
0xa5: {  	_ = 	snop  }
0xa6: {  	[tilespmem:s28], [sflag:$0x5] =	stream.linear.gather [hbm4b:s16+s3], $0x80, $0x38;
	[tilespmem:$0x1C100] =	vst v63  }
0xa7: {  	_ =	swait.ge [sflag:s21], $0x80  }
0xa8: {  	[sflag:s21] =	ssyncset.done $0x0  }
0xa9: {  	[sflag:s21] =	ssyncadd.s32 $0xFFFFFF80  }
0xaa: {  	[spmem:s2] =	stream.indirect.scatter.add.f32 [tilespmem:s22], [sflag:$0x4], $0x80, s28, s26, $0xb8;
	[tilespmem:$0x1C100] =	vst v63  }
0xab: {  	_ =	swait.ge [sflag:s31], $0x4000  }
0xac: {  	[sflag:s31] =	ssyncset.done $0x0  }
0xad: {  	[sflag:s31] =	ssyncadd.s32 $0xFFFFC000  }
0xae: {  	_ =	swait.ge [sflag:s0], $0x4000  }
0xaf: {  	[sflag:s0] =	ssyncset.done $0x0  }
0xb0: {  	[sflag:s0] =	ssyncadd.s32 $0xFFFFC000  }
0xb1: {  	[bflag:$0x0] =	sbarrier.arrive $0xFFFF  }
0xb2: {  	s7 =	rddreg [dreg:$0x5]  }
0xb3: {  	[hbm:s7], [sflag:s6] =	dma.local [spmem:s4], $0x2800  }
0xb4: {  	_ =	swait.ge [sflag:s21], $0x2800  }
0xb5: {  	s1 =	sadd.s32 $0x1, s1;
	s19 =	rddreg [dreg:$0x6]  }
0xb6: {  	p0 =	sne.s32 s1, s19  }
.Ltmp4:
0xb7: {  	_ = 	snop;
	(pc) =	sbr.rel @p0 .LBB2_1-.Ltmp4, $3  }
0xb8: {  	_ =	sdelay $0x1  }
0xb9: {  	[sflag:s21] =	ssyncset.done $0x0  }
0xba: {  	[sflag:s21] =	ssyncadd.s32 $0xFFFFD800  }
0xbb: {  	_ =	sfence.sel $0x180000  }
0xbc: {  	[bflag:$0x0] =	sbarrier.arrive $0xFFFF  }
0xbd: {  	_ =	strace $0x90000051  }
0xbe: {  	s0 =	stileid.u32;
	[bflag:$0x2] =	sbarrier.arrive $0xFFFF  }
0xbf: {  	p0 =	sne.s32 s0, $0x0;
	s0 =	rddreg [dreg:$0x2]  }
0xc0: {  	s0 =	sadd.s32 @!p0 $0x100000, s0  }
0xc1: {  	[sflag:s0] =	ssyncadd.tile.s32 @!p0 $0x1;
	_ =	shalt  }
.Lfunc_end2:
_tile_overlayer_lowered:
.L_overlay_start_2:
0xc2: {  	(tag) =	ssettag $0x2  }
0xc3: {  	s0 =	rddreg [dreg:$0x0];
	s2 =	stileid.u32  }
0xc4: {  	s1 =	rddreg [dreg:$0x1];
	p0 =	sne.s32 s2, $0x0  }
0xc5: {  	s3 =	rddreg [dreg:$0x2];
	[bflag:$0x3] =	sbarrier.arrive $0xFFFF;
	s2 =	simm.s32 @!p0 $0x1C05  }
0xc6: {  	[timem:s3], [sflag:s2] =	dma.local @!p0 [hbm:s0], s1  }
0xc7: {  	s0 =	simm.s32 @!p0 $0x5  }
0xc8: {  	_ =	swait.ge @!p0 [sflag:s0], s1  }
0xc9: {  	s1 =	ssub.s32 @!p0 $0x0, s1;
	[sflag:s0] =	ssyncset.done @!p0 $0x0  }
0xca: {  	[sflag:s0] =	ssyncadd.s32 @!p0 s1  }
0xcb: {  	[bflag:$0x3] =	sbarrier.arrive $0xFFFF  }
0xcc: {  	_ =	shalt  }

// kernel: kernel.17.cloned.1.call-start
scs
__scs_entry_jumppad:
0x0: {  	(pc) =	sbr.rel $0x88, $3  }
0x1: {  	(tag) =	ssettag $0x0;
	lr =	simm.s32 $0x1  }
0x2: {  	[smem:$0x3F80] =	sst lr;
	_ =	strace $0xD0000000  }
0x3: {  	_ = 	snop  }
0x4: {  	_ = 	snop  }
0x5: {  	_ = 	snop  }
0x6: {  	_ = 	snop  }
0x7: {  	_ = 	snop  }
__scs_overlays_trampoline_lowered:
0x8: {  	[smem:$0x3F8F] =	sst s0  }
0x9: {  	[smem:$0x3F90] =	sst s1  }
0xa: {  	[smem:$0x3F91] =	sst s2  }
0xb: {  	[smem:$0x3F92] =	sst s3  }
0xc: {  	[smem:$0x3F93] =	sst s4  }
0xd: {  	[smem:$0x3F94] =	sst s5  }
0xe: {  	[smem:$0x3F95] =	sst s6  }
0xf: {  	[smem:$0x3F96] =	sst s7  }
0x10: {  	[smem:$0x3F97] =	sst s8  }
0x11: {  	[smem:$0x3F98] =	sst s9;
	s0 =	simm.s32 @!p0 $0x0  }
0x12: {  	s1 =	sld [smem:$0x3F7E];
	s0 =	simm.s32 @p0 $0x1  }
0x13: {  	[smem:$0x3F99] =	sst s0;
	s0 =	simm.s32 @!p1 $0x0  }
0x14: {  	s2 =	sld [smem:$0x3F7D];
	s0 =	simm.s32 @p1 $0x1  }
0x15: {  	[smem:$0x3F9A] =	sst s0;
	s0 =	simm.s32 @!p2 $0x0  }
0x16: {  	s3 =	sld [smem:$0x3FDB];
	s0 =	simm.s32 @p2 $0x1  }
0x17: {  	s4 =	simm.s32 $0x1BF5;
	[smem:$0x3F9C] =	sst s0  }
0x18: {  	s0 =	sld [smem:$0x3F7F];
	_ =	swait.ge [sflag:s4], $0x0  }
0x19: {  	s7 =	sld [smem:$0x3F80]  }
0x1a: {  	s8 =	sadd.s32 $0xFFFFE003, lr  }
0x1b: {  	s9 =	sadd.s32 $0xFFFFFEF7, lr;
	s5 =	simm.s32 $0xFFFFFFFF;
	p2 =	slt.u32 s8, $0xFFFFF086  }
0x1c: {  	p1 =	slt.u32 s9, $0xF7A;
	s5 =	simm.s32 @!p2 $0x0  }
0x1d: {  	s5 =	simm.s32 @p1 $0x1;
	p0 =	seq.s32 s7, s2  }
0x1e: {  	s7 =	smul.u32 @!p0 $0xF7A, s2;
	p2 =	seq.s32 @!p0 s5, $0x0  }
0x1f: {  	s9 =	smul.u32 $0xF7A, s1;
	s8 =	simm.s32 @!p0 $0x1BF5;
	p2 =	por !p2, p0  }
0x20: {  	[sflag:s8] =	ssyncset.s32 @!p0 $0xFFFFF086;
	s6 =	sadd.s32 @!p0 s3, s7;
	s7 =	simm.s32 @!p0 $0x108  }
0x21: {  	s3 =	sadd.s32 s3, s9;
	s6 =	sadd.s32 @!p0 $0x88, s6;
	s7 =	simm.s32 @p2 $0x1082  }
0x22: {  	[simem:s7], [sflag:s8] =	dma.local @!p0 [hbm:s6], $0xF7A  }
0x23: {  	s9 =	sor.u32 $0xD0000000, s2;
	s6 =	simm.s32 $0x108;
	_ =	swait.ge @!p0 [sflag:s8], $0x0  }
0x24: {  	s3 =	sadd.s32 $0x88, s3;
	s6 =	simm.s32 @!p1 $0x1082;
	[sflag:s4] =	ssyncset.s32 $0xFFFFF086  }
0x25: {  	[simem:s6], [sflag:s4] =	dma.local [hbm:s3], $0xF7A  }
0x26: {  	[smem:$0x3F80] =	sst s1;
	(tag) =	ssettag s2;
	_ =	strace s9  }
0x27: {  	s1 =	sld [smem:$0x3F90]  }
0x28: {  	s2 =	sld [smem:$0x3F91]  }
0x29: {  	s4 =	sld [smem:$0x3F93]  }
0x2a: {  	p0 =	seq.s32 s5, $0x0;
	s5 =	sld [smem:$0x3F94]  }
0x2b: {  	s6 =	sld [smem:$0x3F95]  }
0x2c: {  	s7 =	sld [smem:$0x3F96]  }
0x2d: {  	s3 =	simm.s32 $0x108;
	s8 =	sld [smem:$0x3F97]  }
0x2e: {  	s3 =	simm.s32 @!p0 $0x1082;
	s9 =	sld [smem:$0x3F98]  }
0x2f: {  	lr =	sadd.s32 s0, s3;
	s0 =	sld [smem:$0x3F8F]  }
0x30: {  	s3 =	sld [smem:$0x3F92]  }
0x31: {  	[smem:$0x3F9B] =	sst s10  }
0x32: {  	s10 =	sld [smem:$0x3F99];
	_ =	sdelay $0x3  }
0x33: {  	p0 =	seq.s32 s10, $0x1;
	s10 =	sld [smem:$0x3F9B];
	_ =	sdelay $0x3  }
0x34: {  	[smem:$0x3F9B] =	sst s10  }
0x35: {  	s10 =	sld [smem:$0x3F9A];
	_ =	sdelay $0x3  }
0x36: {  	p1 =	seq.s32 s10, $0x1;
	s10 =	sld [smem:$0x3F9B];
	_ =	sdelay $0x3  }
0x37: {  	[smem:$0x3F9B] =	sst s10  }
0x38: {  	s10 =	sld [smem:$0x3F9C]  }
0x39: {  	_ = 	snop;
	(pc) =	sbr.ind lr, $3  }
0x3a: {  	_ = 	snop  }
0x3b: {  	_ = 	snop  }
0x3c: {  	p2 =	seq.s32 s10, $0x1;
	s10 =	sld [smem:$0x3F9B]  }
0x3d: {  	_ =	shalt  }
0x3e: {  	_ =	shalt  }
0x3f: {  	_ =	shalt  }
0x40: {  	_ =	shalt  }
0x41: {  	_ =	shalt  }
0x42: {  	_ =	shalt  }
0x43: {  	_ =	shalt  }
0x44: {  	_ =	shalt  }
0x45: {  	_ =	shalt  }
0x46: {  	_ =	shalt  }
0x47: {  	_ =	shalt  }
0x48: {  	_ =	shalt  }
0x49: {  	_ =	shalt  }
0x4a: {  	_ =	shalt  }
0x4b: {  	_ =	shalt  }
0x4c: {  	_ =	shalt  }
0x4d: {  	_ =	shalt  }
0x4e: {  	_ =	shalt  }
0x4f: {  	_ =	shalt  }
0x50: {  	_ =	shalt  }
0x51: {  	_ =	shalt  }
0x52: {  	_ =	shalt  }
0x53: {  	_ =	shalt  }
0x54: {  	_ =	shalt  }
0x55: {  	_ =	shalt  }
0x56: {  	_ =	shalt  }
0x57: {  	_ =	shalt  }
0x58: {  	_ =	shalt  }
0x59: {  	_ =	shalt  }
0x5a: {  	_ =	shalt  }
0x5b: {  	_ =	shalt  }
0x5c: {  	_ =	shalt  }
0x5d: {  	_ =	shalt  }
0x5e: {  	_ =	shalt  }
0x5f: {  	_ =	shalt  }
0x60: {  	_ =	shalt  }
0x61: {  	_ =	shalt  }
0x62: {  	_ =	shalt  }
0x63: {  	_ =	shalt  }
0x64: {  	_ =	shalt  }
0x65: {  	_ =	shalt  }
0x66: {  	_ =	shalt  }
0x67: {  	_ =	shalt  }
0x68: {  	_ =	shalt  }
0x69: {  	_ =	shalt  }
0x6a: {  	_ =	shalt  }
0x6b: {  	_ =	shalt  }
0x6c: {  	_ =	shalt  }
0x6d: {  	_ =	shalt  }
0x6e: {  	_ =	shalt  }
0x6f: {  	_ =	shalt  }
0x70: {  	_ =	shalt  }
0x71: {  	_ =	shalt  }
0x72: {  	_ =	shalt  }
0x73: {  	_ =	shalt  }
0x74: {  	_ =	shalt  }
0x75: {  	_ =	shalt  }
0x76: {  	_ =	shalt  }
0x77: {  	_ =	shalt  }
0x78: {  	_ =	shalt  }
0x79: {  	_ =	shalt  }
0x7a: {  	_ =	shalt  }
0x7b: {  	_ =	shalt  }
0x7c: {  	_ =	shalt  }
0x7d: {  	_ =	shalt  }
0x7e: {  	_ =	shalt  }
0x7f: {  	_ =	shalt  }
0x80: {  	_ =	shalt  }
0x81: {  	_ =	shalt  }
0x82: {  	_ =	shalt  }
0x83: {  	_ =	shalt  }
0x84: {  	_ =	shalt  }
0x85: {  	_ =	shalt  }
0x86: {  	_ =	shalt  }
0x87: {  	_ =	shalt  }
.Lfunc_end0:
.L_simem_size_0:
called_computation.2_lowered:
.L_overlay_start_0:
0x88: {  	s2 =	sld [smem:$0x3FD9]  }
0x89: {  	s3 =	sld [smem:$0x3FFE];
	_ =	sdelay $0x1  }
0x8a: {  	s1 =	srdreg.scid  }
0x8b: {  	s0 =	sand.u32 $0x1, s1  }
0x8c: {  	s16 =	sshll.u32 s0, $0xA;
	s2 =	sadd.s32 s3, s2  }
0x8d: {  	s2 =	sadd.s32 s2, s16  }
0x8e: {  	[smem:$0x3FA7] =	sst s2  }
0x8f: {  	_ = 	snop  }
0x90: {  	(tm) =	ssettm $0x1  }
0x91: {  	s17 =	sld [smem:$0x3FFB];
	_ =	sdelay $0x3  }
0x92: {  	_ =	strace s17  }
0x93: {  	s2 =	sld [smem:$0x3FFC];
	_ =	sdelay $0x3  }
0x94: {  	_ =	strace s2  }
0x95: {  	s2 =	sld [smem:$0x3FFD];
	_ =	sdelay $0x3  }
0x96: {  	_ =	strace s2  }
0x97: {  	_ =	strace $0x8FFFFFFF  }
0x98: {  	s18 =	sld [smem:$0x3FDB];
	_ =	sdelay $0x1  }
0x99: {  	s19 =	simm.s32 $_scs_section_size  }
0x9a: {  	s4 =	simm.s32 $_size__tile_overlayer_lowered;
	s5 =	simm.s32 $_tile_overlayer_lowered  }
0x9b: {  	s22 =	simm.s32 $0x1BFF;
	s21 =	sshll.u32 s5, $0x1;
	s2 =	sadd.s32 s19, s18  }
0x9c: {  	s6 =	simm.s32 $0x0;
	s20 =	sshll.u32 s4, $0x1;
	s4 =	sadd.s32 s21, s2  }
0x9d: {  	[timem:s6], [sflag:s22] =	dma.local [hbm:s4], s20  }
0x9e: {  	_ =	swait.ge [sflag:s22], s20  }
0x9f: {  	s3 =	ssub.s32 $0x0, s20;
	[sflag:s22] =	ssyncset.done $0x0  }
0xa0: {  	[sflag:s22] =	ssyncadd.s32 s3;
	_ =	sdelay $0x1  }
0xa1: {  	s23 =	simm.s32 $0x1B8B  }
0xa2: {  	_ =	swait.ge [sflag:s23], $0x1  }
0xa3: {  	[sflag:s23] =	ssyncset.done $0x0  }
0xa4: {  	s25 =	simm.s32 $0x1B8E;
	s24 =	sld [smem:$0x3FFE];
	[sflag:s23] =	ssyncadd.s32 $0xFFFFFFFF  }
0xa5: {  	s26 =	simm.s32 $execute0_lowered;
	[smem:$0x3FD2] =	sst s25  }
0xa6: {  	s4 =	sshll.u32 s26, $0x1;
	_ =	strace $0x80000053;
	[dreg:$0x1] =	wrdreg $0xFFFFFFFF  }
0xa7: {  	s28 =	simm.s32 $_size_execute0_lowered;
	s2 =	sadd.s32 s2, s4;
	[dreg:$0x0] =	wrdreg $0x0  }
0xa8: {  	s4 =	sshll.u32 s28, $0x1;
	[dreg:$0x2] =	wrdreg s2  }
0xa9: {  	[dreg:$0x3] =	wrdreg s4  }
0xaa: {  	[dreg:$0x4] =	wrdreg $0xC0  }
0xab: {  	_ =	task [dreg:s6], $0x5FFFF  }
0xac: {  	[dreg:$0x1] =	wrdreg $0xFFFFFFFF  }
0xad: {  	[dreg:$0x0] =	wrdreg $0x60  }
0xae: {  	[dreg:$0x2] =	wrdreg s24  }
0xaf: {  	[dreg:$0x3] =	wrdreg $0x9  }
0xb0: {  	_ =	task.clear_ibuf [dreg:s6], $0x4FFFF;
	_ =	strace $0x90000053  }
0xb1: {  	s29 =	simm.s32 $0x9;
	_ =	strace $0x8000005C  }
0xb2: {  	_ =	swait.ge [sflag:s29], $0x1  }
0xb3: {  	[sflag:s29] =	ssyncadd.s32 $0xFFFFFFFF  }
0xb4: {  	_ =	strace $0x9000005C  }
0xb5: {  	_ =	sfence  }
0xb6: {  	s30 =	sld [smem:$0x0];
	_ =	sdelay $0x2  }
0xb7: {  	s31 =	sshll.u32 s1, $0xD;
	s1 =	sshrl.u32 s1, $0x2  }
0xb8: {  	s3 =	sand.u32 $0x4000, s31;
	s1 =	sadd.s32 s1, s30  }
0xb9: {  	s0 =	sor.u32 s3, s0;
	s1 =	sshll.u32 s1, $0x11  }
0xba: {  	s0 =	sor.u32 s1, s0  }
0xbb: {  	s0 =	sadd.s32 $0x8F2B, s0  }
0xbc: {  	[sflag:s0] =	ssyncadd.remote.s32 $0x1  }
0xbd: {  	_ =	sfence.sel $0xFFFF  }
0xbe: {  	[dreg:$0x0] =	wrdreg $0xFFFFFFFF;
	(pc) =	sbr.abs _section_cstart, $3  }
0xbf: {  	[dreg:$0x1] =	wrdreg $0xFFFFFFFF  }
0xc0: {  	_ =	task.clear_ibuf [dreg:s6], $0x2FFFF;
	_ =	strace $0x9FFFFFFF  }
0xc1: {  	(tm) =	ssettm $0x7FFFFFFF  }
tec
execute0_lowered:
.L_overlay_start_1:
0x0: {  	(tag) =	ssettag $0x1  }
0x1: {  	s3 =	rddreg [dreg:$0x0]  }
0x2: {  	s0 =	rddreg [dreg:$0x1];
	s1 =	simm.s32 $0x0;
	s2 =	srdreg.scid  }
0x3: {  	s31 =	simm.s32 $0x80;
	s9 =	simm.s32 $0x4;
	s10 =	simm.s32 $0x0  }
0x4: {  	[smem:$0x7FF] =	sst s1;
	s4 =	sand.u32 $0x1, s2;
	s5 =	sadd.s32 $0x6000, s3  }
0x5: {  	s2 =	stileid.u32;
	s29 =	sadd.s32 $0x17D000, s3;
	s3 =	sadd.s32 $0xD3000, s3  }
0x6: {  	_ =	strace $0x80000054;
	s6 =	sshll.u32 s4, $0x4;
	[dreg:$0x2] =	wrdreg s5  }
0x7: {  	s4 =	ssub.s32 $0x2, s4;
	[dreg:$0x4] =	wrdreg s29;
	s28 =	sor.u32 s2, s6  }
0x8: {  	[dreg:$0x3] =	wrdreg s31;
	s7 =	sshrl.u32 s4, $0x1;
	s8 =	smul.u32 $0x500, s28  }
0x9: {  	s30 =	ssub.s32 s4, s7;
	s4 =	smul.u32 $0x50, s28;
	s7 =	simm.s32 $0x1  }
0xa: {  	s6 =	smax.u32 s30, $0x1;
	s5 =	sadd.s32 s3, s8;
	s8 =	simm.s32 $0x5  }
.LBB2_1:
0xb: {  	_ =	strace $0x80000055;
	s11 =	simm.s32 $0x1;
	p0 =	por $0x0, $0x0  }
0xc: {  	[tilespmem:s1], [sflag:$0x1] =	stream.linear.gather [hbm4b:s5+s1], $0x80, $0x200038;
	[tilespmem:$0x8100] =	vst v63  }
0xd: {  	s11 =	simm.s32 @p0 $0x0  }
0xe: {  	p4 =	por $0x1, $0x1;
	s20 =	sand.u32 $0x1, s1;
	p1 =	sne.s32 s11, $0x0  }
0xf: {  	p2 =	por $0x1, $0x1;
	s18 =	simm.s32 $0x4E;
	p0 =	por !p4, !p1  }
0x10: {  	s16 =	simm.s32 $0x0;
	p5 =	por $0x0, $0x0;
	p0 =	por !p0, !p0  }
0x11: {  	s23 =	sadd.s32 $0x0, s4;
	s30 =	sadd.s32 $0x1, s20;
	s12 =	sadd.s32 @p0 s4, s11  }
0x12: {  	_ =	strace $0x90000055;
	s13 =	sand.u32 @p0 $0x1, s7;
	s12 =	sshll.u32 @p0 s12, $0x4  }
0x13: {  	_ =	strace @p0 $0x80000056;
	s15 =	simm.s32 @p0 $0x0;
	s12 =	sand.u32 @p0 $0x1FFFFFF0, s12  }
0x14: {  	s14 =	sshll.u32 @p0 s13, $0x7;
	s13 =	sadd.s32 @p0 $0x1, s13;
	s12 =	sadd.s32 @p0 s3, s12  }
0x15: {  	[tilespmem:s14], [sflag:s13] =	stream.linear.gather @p0 [hbm4b:s12+s15], $0x80, $0x200038;
	[tilespmem:$0x8100] =	vst v63  }
0x16: {  	p3 =	por p2, p2;
	s21 =	sshll.u32 s20, $0xE;
	_ =	strace @p0 $0x90000056  }
0x17: {  	s16 =	sand.u32 $0x80, s16;
	p2 =	por p5, p5;
	_ =	strace $0x80000057  }
0x18: {  	s17 =	sadd.s32 $0x1, s11;
	s22 =	sor.u32 $0x100, s21;
	_ =	swait.ge [sflag:s30], $0x80  }
0x19: {  	s21 =	simm.s32 $0x1;
	p6 =	por p1, p1;
	[sflag:s30] =	ssyncset.done $0x0  }
0x1a: {  	p1 =	por p3, p3;
	p4 =	por $0x1, $0x1;
	[sflag:s30] =	ssyncadd.s32 $0xFFFFFF80  }
0x1b: {  	s12 =	simm.s32 $0x4F;
	s15 =	sand.u32 @!p3 $0x1, s1;
	_ =	strace $0x90000057  }
0x1c: {  	s13 =	simm.s32 $0x1;
	p3 =	seq.s32 s17, $0x50;
	_ =	strace $0x80000058  }
0x1d: {  	s13 =	simm.s32 @!p0 $0x0;
	s17 =	simm.s32 @p3 $0x0;
	s19 =	rddreg [dreg:$0x3]  }
0x1e: {  	p0 =	por $0x0, $0x0;
	s14 =	sadd.s32 $0x1, s13;
	s31 =	rddreg [dreg:$0x2]  }
0x1f: {  	[tilespmem:s22], [sflag:$0x5] =	stream.indirect.gather [hbm4b:s31+s19], $0x80, s16, s19, $0x2000b8;
	[tilespmem:$0x8100] =	vst v63  }
0x20: {  	p3 =	sne.s32 s11, s17;
	s21 =	simm.s32 @!p0 $0x0;
	_ =	swait.ge [sflag:s8], $0x4000  }
0x21: {  	p5 =	por !p4, !p3;
	p4 =	por $0x0, $0x0;
	[sflag:s8] =	ssyncset.done $0x0  }
0x22: {  	s13 =	simm.s32 $0x0;
	p6 =	por p4, p6;
	[sflag:s8] =	ssyncadd.s32 $0xFFFFC000  }
0x23: {  	s16 =	simm.s32 $0x0;
	s19 =	simm.s32 $0x0;
	_ =	strace $0x90000058  }
.LBB2_2:
0x24: {  	_ =	strace @p6 $0x80000059;
	s13 =	sadd.s32 s21, s13;
	s21 =	smov.u32 s12  }
0x25: {  	s12 =	smov.u32 s18;
	s18 =	sadd.s32 $0xFFFFFFFF, s18;
	p0 =	por p3, p3  }
0x26: {  	s28 =	sshll.u32 @p6 s23, $0xB;
	s20 =	sadd.s32 @p6 $0x3, s20;
	s24 =	simm.s32 @!p0 $0x0  }
0x27: {  	s25 =	rddreg [dreg:$0x4];
	s28 =	sand.u32 @p6 $0x1FFFF800, s28;
	s24 =	simm.s32 @p0 $0x1  }
0x28: {  	s25 =	sadd.s32 @p6 s25, s28;
	s28 =	simm.s32 @p6 $0x0;
	p0 =	sne.s32 s18, $0x0  }
0x29: {  	[hbm4b:s25+s28] =	stream.linear.scatter @p6 [tilespmem:s22], [sflag:s20], $0x4000, $0x200038;
	[tilespmem:$0x8100] =	vst v63  }
0x2a: {  	s20 =	sadd.s32 @!p1 $0x3, s15;
	s15 =	simm.s32 @!p0 $0x0  }
0x2b: {  	s26 =	simm.s32 $0x1;
	[smem:$0x7FC] =	sst s24;
	s15 =	simm.s32 @p0 $0x1  }
0x2c: {  	s26 =	simm.s32 @!p6 $0x0;
	_ =	strace @p6 $0x90000059;
	[smem:$0x7FD] =	sst s15  }
0x2d: {  	p5 =	por !p5, !p5;
	s19 =	sadd.s32 s26, s19;
	_ =	strace @!p1 $0x8000005A  }
0x2e: {  	s24 =	sand.u32 @!p2 $0x1, s13;
	s22 =	sand.u32 @p5 $0x1, s14;
	_ =	swait.ge @!p1 [sflag:s20], $0x4000  }
0x2f: {  	s15 =	smov.u32 s24;
	s24 =	sadd.s32 @p5 s4, s17;
	[sflag:s20] =	ssyncset.done @!p1 $0x0  }
0x30: {  	s25 =	sshll.u32 @p5 s22, $0x7;
	s24 =	sshll.u32 @p5 s24, $0x4;
	[sflag:s20] =	ssyncadd.s32 @!p1 $0xFFFFC000  }
0x31: {  	s20 =	sadd.s32 @p5 $0x1, s22;
	s22 =	sand.u32 @p5 $0x1FFFFFF0, s24;
	_ =	strace @!p1 $0x9000005A  }
0x32: {  	s24 =	simm.s32 @p5 $0x0;
	s22 =	sadd.s32 @p5 s3, s22;
	_ =	strace @p5 $0x80000056  }
0x33: {  	[tilespmem:s25], [sflag:s20] =	stream.linear.gather @p5 [hbm4b:s22+s24], $0x80, $0x200038;
	[tilespmem:$0x8100] =	vst v63  }
0x34: {  	s16 =	sadd.s32 s26, s16;
	s26 =	sand.u32 $0x1, s19;
	_ =	strace @p5 $0x90000056  }
0x35: {  	s24 =	sadd.s32 $0x1, s26;
	_ =	strace $0x80000057  }
0x36: {  	_ =	swait.ge [sflag:s24], $0x80  }
0x37: {  	[sflag:s24] =	ssyncset.done $0x0  }
0x38: {  	s20 =	simm.s32 $0x1;
	[sflag:s24] =	ssyncadd.s32 $0xFFFFFF80  }
0x39: {  	s20 =	simm.s32 @!p5 $0x0;
	_ =	strace $0x90000057  }
0x3a: {  	s14 =	sadd.s32 s20, s14;
	s20 =	sand.u32 $0x1, s16;
	_ =	strace $0x80000058  }
0x3b: {  	s29 =	sshll.u32 s19, $0x7;
	s25 =	sshll.u32 s20, $0xE;
	s26 =	rddreg [dreg:$0x3]  }
0x3c: {  	s29 =	sand.u32 $0x80, s29;
	s22 =	sor.u32 $0x100, s25;
	s30 =	rddreg [dreg:$0x2]  }
0x3d: {  	[tilespmem:s22], [sflag:$0x5] =	stream.indirect.gather [hbm4b:s30+s26], $0x80, s29, s26, $0x2000b8;
	[tilespmem:$0x8100] =	vst v63  }
0x3e: {  	_ =	swait.ge [sflag:s8], $0x4000  }
0x3f: {  	s31 =	sadd.s32 $0x1, s17;
	[sflag:s8] =	ssyncset.done $0x0  }
0x40: {  	s23 =	sadd.s32 s4, s11;
	s11 =	smov.u32 s17;
	[sflag:s8] =	ssyncadd.s32 $0xFFFFC000  }
0x41: {  	p3 =	seq.s32 s31, $0x50;
	s17 =	smov.u32 s31;
	_ =	strace $0x90000058  }
0x42: {  	s17 =	simm.s32 @p3 $0x0;
	s31 =	sld [smem:$0x7FD]  }
0x43: {  	p6 =	sne.s32 s12, $0x1;
	p0 =	sne.s32 s21, $0x50;
	p3 =	sne.s32 s11, s17  }
0x44: {  	p5 =	por !p6, !p3;
	p6 =	seq.s32 s21, $0x1;
	s21 =	simm.s32 $0x1  }
0x45: {  	s21 =	simm.s32 @!p0 $0x0;
	p0 =	seq.s32 s31, $0x1  }
.Ltmp0:
0x46: {  	s30 =	sld [smem:$0x7FC];
	(pc) =	sbr.rel @p0 .LBB2_2-.Ltmp0, $4  }
0x47: {  	_ = 	snop  }
0x48: {  	p4 =	seq.s32 s12, $0x50  }
0x49: {  	p1 =	por p2, p2;
	p2 =	por p4, p4;
	p4 =	seq.s32 s30, $0x1  }
0x4a: {  	p6 =	por p6, p4  }
0x4b: {  	_ =	strace @p6 $0x80000059;
	s23 =	sshll.u32 @p6 s23, $0xB  }
0x4c: {  	s18 =	rddreg [dreg:$0x4];
	s23 =	sand.u32 @p6 $0x1FFFF800, s23  }
0x4d: {  	s20 =	sadd.s32 @p6 $0x3, s20;
	s18 =	sadd.s32 @p6 s18, s23;
	s23 =	simm.s32 @p6 $0x0  }
0x4e: {  	[hbm4b:s18+s23] =	stream.linear.scatter @p6 [tilespmem:s22], [sflag:s20], $0x4000, $0x200038;
	[tilespmem:$0x8100] =	vst v63  }
0x4f: {  	p0 =	por !p5, !p5;
	_ =	strace @p6 $0x90000059  }
0x50: {  	s15 =	sadd.s32 @!p1 $0x3, s15;
	s17 =	sadd.s32 @p0 s4, s17;
	_ =	strace @!p1 $0x8000005A  }
0x51: {  	s14 =	sand.u32 @p0 $0x1, s14;
	s17 =	sshll.u32 @p0 s17, $0x4;
	_ =	swait.ge @!p1 [sflag:s15], $0x4000  }
0x52: {  	s18 =	simm.s32 $0x1;
	s20 =	sshll.u32 @p0 s14, $0x7;
	[sflag:s15] =	ssyncset.done @!p1 $0x0  }
0x53: {  	s14 =	sadd.s32 @p0 $0x1, s14;
	s18 =	simm.s32 @!p6 $0x0;
	[sflag:s15] =	ssyncadd.s32 @!p1 $0xFFFFC000  }
0x54: {  	s19 =	sadd.s32 s18, s19;
	s15 =	sand.u32 @p0 $0x1FFFFFF0, s17;
	_ =	strace @!p1 $0x9000005A  }
0x55: {  	s17 =	simm.s32 @p0 $0x0;
	s15 =	sadd.s32 @p0 s3, s15;
	_ =	strace @p0 $0x80000056  }
0x56: {  	[tilespmem:s20], [sflag:s14] =	stream.linear.gather @p0 [hbm4b:s15+s17], $0x80, $0x200038;
	[tilespmem:$0x8100] =	vst v63  }
0x57: {  	s25 =	sand.u32 $0x1, s19;
	_ =	strace @p0 $0x90000056  }
0x58: {  	s14 =	sadd.s32 $0x1, s25;
	_ =	strace $0x80000057  }
0x59: {  	_ =	swait.ge [sflag:s14], $0x80  }
0x5a: {  	[sflag:s14] =	ssyncset.done $0x0  }
0x5b: {  	[sflag:s14] =	ssyncadd.s32 $0xFFFFFF80  }
0x5c: {  	s26 =	sadd.s32 s18, s16;
	_ =	strace $0x90000057  }
0x5d: {  	s14 =	sand.u32 $0x1, s26;
	_ =	strace $0x80000058  }
0x5e: {  	s30 =	sshll.u32 s19, $0x7;
	s31 =	sshll.u32 s14, $0xE;
	s28 =	rddreg [dreg:$0x3]  }
0x5f: {  	s17 =	sand.u32 $0x80, s30;
	s18 =	sor.u32 $0x100, s31;
	s29 =	rddreg [dreg:$0x2]  }
0x60: {  	[tilespmem:s18], [sflag:$0x5] =	stream.indirect.gather [hbm4b:s29+s28], $0x80, s17, s28, $0x2000b8;
	[tilespmem:$0x8100] =	vst v63  }
0x61: {  	_ =	swait.ge [sflag:s8], $0x4000  }
0x62: {  	[sflag:s8] =	ssyncset.done $0x0  }
0x63: {  	p5 =	por p3, p3;
	p6 =	seq.s32 s12, $0x1;
	[sflag:s8] =	ssyncadd.s32 $0xFFFFC000  }
0x64: {  	s11 =	sadd.s32 s4, s11;
	p0 =	por p6, p5;
	_ =	strace $0x90000058  }
0x65: {  	s11 =	sshll.u32 @p0 s11, $0xB;
	_ =	strace @p0 $0x80000059  }
0x66: {  	s13 =	sadd.s32 s21, s13;
	s11 =	sand.u32 @p0 $0x1FFFF800, s11;
	s12 =	rddreg [dreg:$0x4]  }
0x67: {  	s14 =	sadd.s32 @p0 $0x3, s14;
	s11 =	sadd.s32 @p0 s12, s11;
	s12 =	simm.s32 @p0 $0x0  }
0x68: {  	[hbm4b:s11+s12] =	stream.linear.scatter @p0 [tilespmem:s18], [sflag:s14], $0x4000, $0x200038;
	[tilespmem:$0x8100] =	vst v63  }
0x69: {  	p1 =	por p2, p2;
	s11 =	sand.u32 @!p2 $0x1, s13;
	_ =	strace @p0 $0x90000059  }
0x6a: {  	s11 =	sadd.s32 @!p1 $0x3, s11;
	_ =	strace @!p1 $0x8000005A  }
0x6b: {  	_ =	swait.ge @!p1 [sflag:s11], $0x4000  }
0x6c: {  	[sflag:s11] =	ssyncset.done @!p1 $0x0  }
0x6d: {  	s10 =	sadd.s32 $0x1, s10;
	[sflag:s11] =	ssyncadd.s32 @!p1 $0xFFFFC000  }
0x6e: {  	p0 =	sne.s32 s10, s6;
	_ =	strace @!p1 $0x9000005A  }
.Ltmp1:
0x6f: {  	_ =	strace $0x8000005B;
	(pc) =	sbr.rel @p0 .LBB2_1-.Ltmp1, $4  }
0x70: {  	_ =	swait.ge [sflag:s9], $0x4000  }
0x71: {  	[sflag:s9] =	ssyncset.done $0x0  }
0x72: {  	[sflag:s9] =	ssyncadd.s32 $0xFFFFC000  }
0x73: {  	_ =	strace $0x9000005B  }
0x74: {  	_ =	sfence.sel $0x180000  }
0x75: {  	[bflag:$0x0] =	sbarrier.arrive $0xFFFF  }
0x76: {  	p0 =	sne.s32 s2, $0x0;
	_ =	strace $0x90000054  }
0x77: {  	s0 =	sadd.s32 @!p0 $0x100000, s0;
	[bflag:$0x2] =	sbarrier.arrive $0xFFFF  }
0x78: {  	[sflag:s0] =	ssyncadd.tile.s32 @!p0 $0x1;
	_ =	shalt  }
.Lfunc_end2:
_tile_overlayer_lowered:
.L_overlay_start_2:
0x79: {  	(tag) =	ssettag $0x2  }
0x7a: {  	s0 =	rddreg [dreg:$0x0];
	s2 =	stileid.u32  }
0x7b: {  	s1 =	rddreg [dreg:$0x1];
	p0 =	sne.s32 s2, $0x0  }
0x7c: {  	s3 =	rddreg [dreg:$0x2];
	[bflag:$0x3] =	sbarrier.arrive $0xFFFF;
	s2 =	simm.s32 @!p0 $0x1C01  }
0x7d: {  	[timem:s3], [sflag:s2] =	dma.local @!p0 [hbm:s0], s1  }
0x7e: {  	s0 =	simm.s32 @!p0 $0x1  }
0x7f: {  	_ =	swait.ge @!p0 [sflag:s0], s1  }
0x80: {  	s1 =	ssub.s32 @!p0 $0x0, s1;
	[sflag:s0] =	ssyncset.done @!p0 $0x0  }
0x81: {  	[sflag:s0] =	ssyncadd.s32 @!p0 s1  }
0x82: {  	[bflag:$0x3] =	sbarrier.arrive $0xFFFF  }
0x83: {  	_ =	shalt  }

// kernel: kernel.20.cloned.1.call-start
scs
__scs_entry_jumppad:
0x0: {  	(pc) =	sbr.rel $0x88, $3  }
0x1: {  	(tag) =	ssettag $0x0;
	lr =	simm.s32 $0x1  }
0x2: {  	[smem:$0x3F80] =	sst lr;
	_ =	strace $0xD0000000  }
0x3: {  	_ = 	snop  }
0x4: {  	_ = 	snop  }
0x5: {  	_ = 	snop  }
0x6: {  	_ = 	snop  }
0x7: {  	_ = 	snop  }
__scs_overlays_trampoline_lowered:
0x8: {  	[smem:$0x3F8F] =	sst s0  }
0x9: {  	[smem:$0x3F90] =	sst s1  }
0xa: {  	[smem:$0x3F91] =	sst s2  }
0xb: {  	[smem:$0x3F92] =	sst s3  }
0xc: {  	[smem:$0x3F93] =	sst s4  }
0xd: {  	[smem:$0x3F94] =	sst s5  }
0xe: {  	[smem:$0x3F95] =	sst s6  }
0xf: {  	[smem:$0x3F96] =	sst s7  }
0x10: {  	[smem:$0x3F97] =	sst s8  }
0x11: {  	[smem:$0x3F98] =	sst s9;
	s0 =	simm.s32 @!p0 $0x0  }
0x12: {  	s1 =	sld [smem:$0x3F7E];
	s0 =	simm.s32 @p0 $0x1  }
0x13: {  	[smem:$0x3F99] =	sst s0;
	s0 =	simm.s32 @!p1 $0x0  }
0x14: {  	s2 =	sld [smem:$0x3F7D];
	s0 =	simm.s32 @p1 $0x1  }
0x15: {  	[smem:$0x3F9A] =	sst s0;
	s0 =	simm.s32 @!p2 $0x0  }
0x16: {  	s3 =	sld [smem:$0x3FDB];
	s0 =	simm.s32 @p2 $0x1  }
0x17: {  	s4 =	simm.s32 $0x1BF5;
	[smem:$0x3F9C] =	sst s0  }
0x18: {  	s0 =	sld [smem:$0x3F7F];
	_ =	swait.ge [sflag:s4], $0x0  }
0x19: {  	s7 =	sld [smem:$0x3F80]  }
0x1a: {  	s8 =	sadd.s32 $0xFFFFE003, lr  }
0x1b: {  	s9 =	sadd.s32 $0xFFFFFEF7, lr;
	s5 =	simm.s32 $0xFFFFFFFF;
	p2 =	slt.u32 s8, $0xFFFFF086  }
0x1c: {  	p1 =	slt.u32 s9, $0xF7A;
	s5 =	simm.s32 @!p2 $0x0  }
0x1d: {  	s5 =	simm.s32 @p1 $0x1;
	p0 =	seq.s32 s7, s2  }
0x1e: {  	s7 =	smul.u32 @!p0 $0xF7A, s2;
	p2 =	seq.s32 @!p0 s5, $0x0  }
0x1f: {  	s9 =	smul.u32 $0xF7A, s1;
	s8 =	simm.s32 @!p0 $0x1BF5;
	p2 =	por !p2, p0  }
0x20: {  	[sflag:s8] =	ssyncset.s32 @!p0 $0xFFFFF086;
	s6 =	sadd.s32 @!p0 s3, s7;
	s7 =	simm.s32 @!p0 $0x108  }
0x21: {  	s3 =	sadd.s32 s3, s9;
	s6 =	sadd.s32 @!p0 $0x88, s6;
	s7 =	simm.s32 @p2 $0x1082  }
0x22: {  	[simem:s7], [sflag:s8] =	dma.local @!p0 [hbm:s6], $0xF7A  }
0x23: {  	s9 =	sor.u32 $0xD0000000, s2;
	s6 =	simm.s32 $0x108;
	_ =	swait.ge @!p0 [sflag:s8], $0x0  }
0x24: {  	s3 =	sadd.s32 $0x88, s3;
	s6 =	simm.s32 @!p1 $0x1082;
	[sflag:s4] =	ssyncset.s32 $0xFFFFF086  }
0x25: {  	[simem:s6], [sflag:s4] =	dma.local [hbm:s3], $0xF7A  }
0x26: {  	[smem:$0x3F80] =	sst s1;
	(tag) =	ssettag s2;
	_ =	strace s9  }
0x27: {  	s1 =	sld [smem:$0x3F90]  }
0x28: {  	s2 =	sld [smem:$0x3F91]  }
0x29: {  	s4 =	sld [smem:$0x3F93]  }
0x2a: {  	p0 =	seq.s32 s5, $0x0;
	s5 =	sld [smem:$0x3F94]  }
0x2b: {  	s6 =	sld [smem:$0x3F95]  }
0x2c: {  	s7 =	sld [smem:$0x3F96]  }
0x2d: {  	s3 =	simm.s32 $0x108;
	s8 =	sld [smem:$0x3F97]  }
0x2e: {  	s3 =	simm.s32 @!p0 $0x1082;
	s9 =	sld [smem:$0x3F98]  }
0x2f: {  	lr =	sadd.s32 s0, s3;
	s0 =	sld [smem:$0x3F8F]  }
0x30: {  	s3 =	sld [smem:$0x3F92]  }
0x31: {  	[smem:$0x3F9B] =	sst s10  }
0x32: {  	s10 =	sld [smem:$0x3F99];
	_ =	sdelay $0x3  }
0x33: {  	p0 =	seq.s32 s10, $0x1;
	s10 =	sld [smem:$0x3F9B];
	_ =	sdelay $0x3  }
0x34: {  	[smem:$0x3F9B] =	sst s10  }
0x35: {  	s10 =	sld [smem:$0x3F9A];
	_ =	sdelay $0x3  }
0x36: {  	p1 =	seq.s32 s10, $0x1;
	s10 =	sld [smem:$0x3F9B];
	_ =	sdelay $0x3  }
0x37: {  	[smem:$0x3F9B] =	sst s10  }
0x38: {  	s10 =	sld [smem:$0x3F9C]  }
0x39: {  	_ = 	snop;
	(pc) =	sbr.ind lr, $3  }
0x3a: {  	_ = 	snop  }
0x3b: {  	_ = 	snop  }
0x3c: {  	p2 =	seq.s32 s10, $0x1;
	s10 =	sld [smem:$0x3F9B]  }
0x3d: {  	_ =	shalt  }
0x3e: {  	_ =	shalt  }
0x3f: {  	_ =	shalt  }
0x40: {  	_ =	shalt  }
0x41: {  	_ =	shalt  }
0x42: {  	_ =	shalt  }
0x43: {  	_ =	shalt  }
0x44: {  	_ =	shalt  }
0x45: {  	_ =	shalt  }
0x46: {  	_ =	shalt  }
0x47: {  	_ =	shalt  }
0x48: {  	_ =	shalt  }
0x49: {  	_ =	shalt  }
0x4a: {  	_ =	shalt  }
0x4b: {  	_ =	shalt  }
0x4c: {  	_ =	shalt  }
0x4d: {  	_ =	shalt  }
0x4e: {  	_ =	shalt  }
0x4f: {  	_ =	shalt  }
0x50: {  	_ =	shalt  }
0x51: {  	_ =	shalt  }
0x52: {  	_ =	shalt  }
0x53: {  	_ =	shalt  }
0x54: {  	_ =	shalt  }
0x55: {  	_ =	shalt  }
0x56: {  	_ =	shalt  }
0x57: {  	_ =	shalt  }
0x58: {  	_ =	shalt  }
0x59: {  	_ =	shalt  }
0x5a: {  	_ =	shalt  }
0x5b: {  	_ =	shalt  }
0x5c: {  	_ =	shalt  }
0x5d: {  	_ =	shalt  }
0x5e: {  	_ =	shalt  }
0x5f: {  	_ =	shalt  }
0x60: {  	_ =	shalt  }
0x61: {  	_ =	shalt  }
0x62: {  	_ =	shalt  }
0x63: {  	_ =	shalt  }
0x64: {  	_ =	shalt  }
0x65: {  	_ =	shalt  }
0x66: {  	_ =	shalt  }
0x67: {  	_ =	shalt  }
0x68: {  	_ =	shalt  }
0x69: {  	_ =	shalt  }
0x6a: {  	_ =	shalt  }
0x6b: {  	_ =	shalt  }
0x6c: {  	_ =	shalt  }
0x6d: {  	_ =	shalt  }
0x6e: {  	_ =	shalt  }
0x6f: {  	_ =	shalt  }
0x70: {  	_ =	shalt  }
0x71: {  	_ =	shalt  }
0x72: {  	_ =	shalt  }
0x73: {  	_ =	shalt  }
0x74: {  	_ =	shalt  }
0x75: {  	_ =	shalt  }
0x76: {  	_ =	shalt  }
0x77: {  	_ =	shalt  }
0x78: {  	_ =	shalt  }
0x79: {  	_ =	shalt  }
0x7a: {  	_ =	shalt  }
0x7b: {  	_ =	shalt  }
0x7c: {  	_ =	shalt  }
0x7d: {  	_ =	shalt  }
0x7e: {  	_ =	shalt  }
0x7f: {  	_ =	shalt  }
0x80: {  	_ =	shalt  }
0x81: {  	_ =	shalt  }
0x82: {  	_ =	shalt  }
0x83: {  	_ =	shalt  }
0x84: {  	_ =	shalt  }
0x85: {  	_ =	shalt  }
0x86: {  	_ =	shalt  }
0x87: {  	_ =	shalt  }
.Lfunc_end0:
.L_simem_size_0:
called_computation.3_lowered:
.L_overlay_start_0:
0x88: {  	s2 =	sld [smem:$0x3FD9]  }
0x89: {  	s3 =	sld [smem:$0x3FFE];
	_ =	sdelay $0x1  }
0x8a: {  	s1 =	srdreg.scid  }
0x8b: {  	s0 =	sand.u32 $0x1, s1  }
0x8c: {  	s16 =	sshll.u32 s0, $0xA;
	s2 =	sadd.s32 s3, s2  }
0x8d: {  	s2 =	sadd.s32 s2, s16  }
0x8e: {  	[smem:$0x3FA7] =	sst s2  }
0x8f: {  	_ = 	snop  }
0x90: {  	(tm) =	ssettm $0x1  }
0x91: {  	s17 =	sld [smem:$0x3FFB];
	_ =	sdelay $0x3  }
0x92: {  	_ =	strace s17  }
0x93: {  	s2 =	sld [smem:$0x3FFC];
	_ =	sdelay $0x3  }
0x94: {  	_ =	strace s2  }
0x95: {  	s2 =	sld [smem:$0x3FFD];
	_ =	sdelay $0x3  }
0x96: {  	_ =	strace s2  }
0x97: {  	_ =	strace $0x8FFFFFFF  }
0x98: {  	s18 =	sld [smem:$0x3FDB];
	_ =	sdelay $0x1  }
0x99: {  	s19 =	simm.s32 $_scs_section_size  }
0x9a: {  	s4 =	simm.s32 $_size__tile_overlayer_lowered;
	s5 =	simm.s32 $_tile_overlayer_lowered  }
0x9b: {  	s22 =	simm.s32 $0x1BFF;
	s21 =	sshll.u32 s5, $0x1;
	s2 =	sadd.s32 s19, s18  }
0x9c: {  	s6 =	simm.s32 $0x0;
	s20 =	sshll.u32 s4, $0x1;
	s4 =	sadd.s32 s21, s2  }
0x9d: {  	[timem:s6], [sflag:s22] =	dma.local [hbm:s4], s20  }
0x9e: {  	_ =	swait.ge [sflag:s22], s20  }
0x9f: {  	s3 =	ssub.s32 $0x0, s20;
	[sflag:s22] =	ssyncset.done $0x0  }
0xa0: {  	[sflag:s22] =	ssyncadd.s32 s3;
	_ =	sdelay $0x1  }
0xa1: {  	s23 =	simm.s32 $0x1B8B  }
0xa2: {  	_ =	swait.ge [sflag:s23], $0x1  }
0xa3: {  	[sflag:s23] =	ssyncset.done $0x0  }
0xa4: {  	s25 =	simm.s32 $0x1B8E;
	s24 =	sld [smem:$0x3FFE];
	[sflag:s23] =	ssyncadd.s32 $0xFFFFFFFF  }
0xa5: {  	s26 =	simm.s32 $execute0_lowered;
	[smem:$0x3FD2] =	sst s25  }
0xa6: {  	s4 =	sshll.u32 s26, $0x1;
	_ =	strace $0x8000005D;
	[dreg:$0x1] =	wrdreg $0xFFFFFFFF  }
0xa7: {  	s28 =	simm.s32 $_size_execute0_lowered;
	s2 =	sadd.s32 s2, s4;
	[dreg:$0x0] =	wrdreg $0x0  }
0xa8: {  	s4 =	sshll.u32 s28, $0x1;
	[dreg:$0x2] =	wrdreg s2  }
0xa9: {  	[dreg:$0x3] =	wrdreg s4  }
0xaa: {  	[dreg:$0x4] =	wrdreg $0xC0  }
0xab: {  	_ =	task [dreg:s6], $0x5FFFF  }
0xac: {  	[dreg:$0x1] =	wrdreg $0xFFFFFFFF  }
0xad: {  	[dreg:$0x0] =	wrdreg $0x60  }
0xae: {  	[dreg:$0x2] =	wrdreg s24  }
0xaf: {  	[dreg:$0x3] =	wrdreg $0x0  }
0xb0: {  	[dreg:$0x4] =	wrdreg $0x9  }
0xb1: {  	_ =	task.clear_ibuf [dreg:s6], $0x5FFFF;
	_ =	strace $0x9000005D  }
0xb2: {  	s29 =	simm.s32 $0x9;
	_ =	strace $0x8000005F  }
0xb3: {  	_ =	swait.ge [sflag:s29], $0x1  }
0xb4: {  	[sflag:s29] =	ssyncadd.s32 $0xFFFFFFFF  }
0xb5: {  	_ =	strace $0x9000005F  }
0xb6: {  	_ =	sfence  }
0xb7: {  	s30 =	sld [smem:$0x0];
	_ =	sdelay $0x2  }
0xb8: {  	s31 =	sshll.u32 s1, $0xD;
	s1 =	sshrl.u32 s1, $0x2  }
0xb9: {  	s3 =	sand.u32 $0x4000, s31;
	s1 =	sadd.s32 s1, s30  }
0xba: {  	s0 =	sor.u32 s3, s0;
	s1 =	sshll.u32 s1, $0x11  }
0xbb: {  	s0 =	sor.u32 s1, s0  }
0xbc: {  	s0 =	sadd.s32 $0x8F2B, s0  }
0xbd: {  	[sflag:s0] =	ssyncadd.remote.s32 $0x1  }
0xbe: {  	_ =	sfence.sel $0xFFFF  }
0xbf: {  	[dreg:$0x0] =	wrdreg $0xFFFFFFFF;
	(pc) =	sbr.abs _section_cstart, $3  }
0xc0: {  	[dreg:$0x1] =	wrdreg $0xFFFFFFFF  }
0xc1: {  	_ =	task.clear_ibuf [dreg:s6], $0x2FFFF;
	_ =	strace $0x9FFFFFFF  }
0xc2: {  	(tm) =	ssettm $0x7FFFFFFF  }
0xc3: {  	_ =	shalt  }
tec
execute0_lowered:
.L_overlay_start_1:
0x0: {  	(tag) =	ssettag $0x1  }
0x1: {  	s4 =	rddreg [dreg:$0x0]  }
0x2: {  	s2 =	rddreg [dreg:$0x1]  }
0x3: {  	s0 =	rddreg [dreg:$0x2]  }
0x4: {  	s1 =	stileid.u32;
	s5 =	srdreg.scid  }
0x5: {  	s3 =	simm.s32 $0x0;
	s6 =	smul.u32 $0x14000, s1;
	s11 =	sand.u32 $0x1, s5  }
0x6: {  	[smem:$0x7FF] =	sst s3;
	s12 =	sadd.s32 $0xACE000, s4;
	s9 =	smul.u32 $0x50000, s1  }
0x7: {  	s14 =	sadd.s32 $0xCE000, s4;
	s25 =	sshll.u32 s1, $0x6;
	s30 =	smul.u32 $0x280, s1  }
0x8: {  	s5 =	smul.u32 $0x140000, s11;
	_ =	strace $0x8000005E;
	s19 =	ssub.s32 $0x2, s11  }
0x9: {  	s8 =	sshll.u32 s11, $0x4;
	s17 =	smul.u32 $0x14000, s11;
	s7 =	sshrl.u32 s6, $0x3  }
0xa: {  	s20 =	sshrl.u32 s19, $0x1;
	s21 =	sor.u32 s1, s8;
	s24 =	sshrl.u32 s9, $0x2  }
0xb: {  	s13 =	sadd.s32 s6, s5;
	s18 =	sadd.s32 s7, s4;
	s22 =	ssub.s32 s19, s20  }
0xc: {  	s23 =	smul.u32 $0x28, s21;
	s15 =	sadd.s32 s24, s2;
	s5 =	sor.u32 $0x1C03, s25  }
0xd: {  	s19 =	smul.u32 $0x2800, s11;
	s20 =	simm.s32 $0x18080;
	s6 =	sshrl.u32 s13, $0x3  }
0xe: {  	s8 =	smax.u32 s22, $0x1;
	s13 =	sadd.s32 s12, s13;
	s15 =	sshrl.u32 s15, $0x3  }
0xf: {  	s22 =	simm.s32 $0x2;
	s10 =	sadd.s32 s6, s4;
	s6 =	smul.u32 $0x280, s21  }
0x10: {  	s4 =	sadd.s32 $0x7E000, s18;
	s26 =	sadd.s32 $0x26, s23;
	s18 =	smul.u32 $0x1400, s1  }
0x11: {  	s31 =	sadd.s32 s19, s14;
	s13 =	sadd.s32 $0x800, s13;
	s19 =	simm.s32 $0x80  }
0x12: {  	s21 =	simm.s32 $0x1;
	s23 =	simm.s32 $0x0;
	s7 =	sadd.s32 $0x6000, s10  }
0x13: {  	s28 =	sshll.u32 s26, $0x7;
	s9 =	sshll.u32 s26, $0xB;
	s6 =	sadd.s32 s14, s6  }
0x14: {  	s16 =	sor.u32 $0x80, s28;
	s9 =	sadd.s32 s12, s9;
	s17 =	sadd.s32 s18, s17  }
0x15: {  	s18 =	simm.s32 $0x14000;
	s10 =	sshrl.u32 s16, $0x3;
	s29 =	sshll.u32 s16, $0x4  }
0x16: {  	s17 =	sor.u32 $0x80, s17;
	s16 =	sadd.s32 s30, s31;
	s10 =	sadd.s32 s14, s10  }
0x17: {  	s11 =	sadd.s32 s12, s29;
	s17 =	sshrl.u32 s17, $0x3;
	s12 =	sadd.s32 $0x20, s16  }
0x18: {  	s16 =	simm.s32 $0x3;
	s14 =	sadd.s32 s17, s14;
	s17 =	simm.s32 $0x18000  }
.LBB2_1:
0x19: {  	[spmem:s15], [sflag:s5] =	dma.local [hbm:s4], $0x2800  }
0x1a: {  	_ =	swait.ge [sflag:s16], $0x2800  }
0x1b: {  	[sflag:s16] =	ssyncset.done $0x0  }
0x1c: {  	[sflag:s16] =	ssyncadd.s32 $0xFFFFD800  }
0x1d: {  	[bflag:$0x0] =	sbarrier.arrive $0xFFFF  }
0x1e: {  	[tilespmem:s17], [sflag:$0x3] =	stream.linear.gather [hbm4b:s6+s3], $0x80, $0x38;
	[tilespmem:$0x18100] =	vst v63  }
0x1f: {  	_ =	swait.ge [sflag:s16], $0x80  }
0x20: {  	[sflag:s16] =	ssyncset.done $0x0  }
0x21: {  	s24 =	sadd.s32 $0xFFFFF800, s13;
	[sflag:s16] =	ssyncadd.s32 $0xFFFFFF80  }
0x22: {  	[tilespmem:s18], [sflag:$0x3] =	stream.linear.gather [hbm4b:s24+s3], $0x4000, $0x38;
	[tilespmem:$0x18100] =	vst v63  }
0x23: {  	_ =	swait.ge [sflag:s16], $0x4000  }
0x24: {  	[sflag:s16] =	ssyncset.done $0x0  }
0x25: {  	[sflag:s16] =	ssyncadd.s32 $0xFFFFC000  }
0x26: {  	[spmem:s2] =	stream.indirect.scatter.add.f32 [tilespmem:s18], [sflag:$0x1], $0x80, s17, s19, $0xb8;
	[tilespmem:$0x18100] =	vst v63  }
0x27: {  	s30 =	sadd.s32 $0x0, s14  }
0x28: {  	[tilespmem:s20], [sflag:$0x3] =	stream.linear.gather [hbm4b:s30+s3], $0x80, $0x38;
	[tilespmem:$0x18100] =	vst v63  }
0x29: {  	_ =	swait.ge [sflag:s16], $0x80  }
0x2a: {  	[sflag:s16] =	ssyncset.done $0x0  }
0x2b: {  	[sflag:s16] =	ssyncadd.s32 $0xFFFFFF80  }
0x2c: {  	_ =	swait.ge [sflag:s21], $0x4000  }
0x2d: {  	[sflag:s21] =	ssyncset.done $0x0  }
0x2e: {  	[sflag:s21] =	ssyncadd.s32 $0xFFFFC000  }
0x2f: {  	[tilespmem:s18], [sflag:$0x3] =	stream.linear.gather [hbm4b:s13+s3], $0x4000, $0x38;
	[tilespmem:$0x18100] =	vst v63  }
0x30: {  	_ =	swait.ge [sflag:s16], $0x4000  }
0x31: {  	[sflag:s16] =	ssyncset.done $0x0  }
0x32: {  	[sflag:s16] =	ssyncadd.s32 $0xFFFFC000  }
0x33: {  	[spmem:s2] =	stream.indirect.scatter.add.f32 [tilespmem:s18], [sflag:$0x2], $0x80, s20, s19, $0xb8;
	[tilespmem:$0x18100] =	vst v63  }
0x34: {  	s31 =	sadd.s32 $0x0, s12  }
0x35: {  	[tilespmem:s17], [sflag:$0x3] =	stream.linear.gather [hbm4b:s31+s3], $0x80, $0x38;
	[tilespmem:$0x18100] =	vst v63  }
0x36: {  	_ =	swait.ge [sflag:s16], $0x80  }
0x37: {  	[sflag:s16] =	ssyncset.done $0x0  }
0x38: {  	[sflag:s16] =	ssyncadd.s32 $0xFFFFFF80  }
0x39: {  	s26 =	simm.s32 $0x40;
	_ =	swait.ge [sflag:s22], $0x4000  }
0x3a: {  	s25 =	sadd.s32 $0x1000, s13;
	s24 =	simm.s32 $0x20;
	[sflag:s22] =	ssyncset.done $0x0  }
.LBB2_2:
0x3b: {  	p0 =	sne.s32 s26, $0x240;
	s28 =	sadd.s32 $0xFFFFF800, s25;
	[sflag:s22] =	ssyncadd.s32 $0xFFFFC000  }
0x3c: {  	[tilespmem:s18], [sflag:$0x3] =	stream.linear.gather [hbm4b:s28+s3], $0x4000, $0x38;
	[tilespmem:$0x18100] =	vst v63  }
0x3d: {  	s28 =	smov.u32 s26;
	s26 =	sadd.s32 $0x20, s26;
	_ =	swait.ge [sflag:s16], $0x4000  }
0x3e: {  	[sflag:s16] =	ssyncset.done $0x0  }
0x3f: {  	[sflag:s16] =	ssyncadd.s32 $0xFFFFC000  }
0x40: {  	[spmem:s2] =	stream.indirect.scatter.add.f32 [tilespmem:s18], [sflag:$0x1], $0x80, s17, s19, $0xb8;
	[tilespmem:$0x18100] =	vst v63  }
0x41: {  	s29 =	sadd.s32 s24, s14  }
0x42: {  	[tilespmem:s20], [sflag:$0x3] =	stream.linear.gather [hbm4b:s29+s3], $0x80, $0x38;
	[tilespmem:$0x18100] =	vst v63  }
0x43: {  	_ =	swait.ge [sflag:s16], $0x80  }
0x44: {  	[sflag:s16] =	ssyncset.done $0x0  }
0x45: {  	[sflag:s16] =	ssyncadd.s32 $0xFFFFFF80  }
0x46: {  	_ =	swait.ge [sflag:s21], $0x4000  }
0x47: {  	[sflag:s21] =	ssyncset.done $0x0  }
0x48: {  	[sflag:s21] =	ssyncadd.s32 $0xFFFFC000  }
0x49: {  	[tilespmem:s18], [sflag:$0x3] =	stream.linear.gather [hbm4b:s25+s3], $0x4000, $0x38;
	[tilespmem:$0x18100] =	vst v63  }
0x4a: {  	_ =	swait.ge [sflag:s16], $0x4000  }
0x4b: {  	[sflag:s16] =	ssyncset.done $0x0  }
0x4c: {  	[sflag:s16] =	ssyncadd.s32 $0xFFFFC000  }
0x4d: {  	[spmem:s2] =	stream.indirect.scatter.add.f32 [tilespmem:s18], [sflag:$0x2], $0x80, s20, s19, $0xb8;
	[tilespmem:$0x18100] =	vst v63  }
0x4e: {  	s29 =	sadd.s32 s24, s12;
	s24 =	smov.u32 s28  }
0x4f: {  	[tilespmem:s17], [sflag:$0x3] =	stream.linear.gather [hbm4b:s29+s3], $0x80, $0x38;
	[tilespmem:$0x18100] =	vst v63  }
.Ltmp0:
0x50: {  	_ =	swait.ge [sflag:s16], $0x80;
	(pc) =	sbr.rel @p0 .LBB2_2-.Ltmp0, $4  }
0x51: {  	[sflag:s16] =	ssyncset.done $0x0  }
0x52: {  	[sflag:s16] =	ssyncadd.s32 $0xFFFFFF80  }
0x53: {  	_ =	swait.ge [sflag:s22], $0x4000  }
0x54: {  	s25 =	sadd.s32 $0x1000, s25;
	[sflag:s22] =	ssyncset.done $0x0  }
0x55: {  	s26 =	sadd.s32 $0xFFFFF800, s25;
	[sflag:s22] =	ssyncadd.s32 $0xFFFFC000  }
0x56: {  	[tilespmem:s18], [sflag:$0x3] =	stream.linear.gather [hbm4b:s26+s3], $0x4000, $0x38;
	[tilespmem:$0x18100] =	vst v63  }
0x57: {  	_ =	swait.ge [sflag:s16], $0x4000  }
0x58: {  	[sflag:s16] =	ssyncset.done $0x0  }
0x59: {  	[sflag:s16] =	ssyncadd.s32 $0xFFFFC000  }
0x5a: {  	[spmem:s2] =	stream.indirect.scatter.add.f32 [tilespmem:s18], [sflag:$0x1], $0x80, s17, s19, $0xb8;
	[tilespmem:$0x18100] =	vst v63  }
0x5b: {  	s30 =	sadd.s32 s24, s14  }
0x5c: {  	[tilespmem:s20], [sflag:$0x3] =	stream.linear.gather [hbm4b:s30+s3], $0x80, $0x38;
	[tilespmem:$0x18100] =	vst v63  }
0x5d: {  	_ =	swait.ge [sflag:s16], $0x80  }
0x5e: {  	[sflag:s16] =	ssyncset.done $0x0  }
0x5f: {  	[sflag:s16] =	ssyncadd.s32 $0xFFFFFF80  }
0x60: {  	_ =	swait.ge [sflag:s21], $0x4000  }
0x61: {  	[sflag:s21] =	ssyncset.done $0x0  }
0x62: {  	[sflag:s21] =	ssyncadd.s32 $0xFFFFC000  }
0x63: {  	[tilespmem:s18], [sflag:$0x3] =	stream.linear.gather [hbm4b:s25+s3], $0x4000, $0x38;
	[tilespmem:$0x18100] =	vst v63  }
0x64: {  	_ =	swait.ge [sflag:s16], $0x4000  }
0x65: {  	[sflag:s16] =	ssyncset.done $0x0  }
0x66: {  	[sflag:s16] =	ssyncadd.s32 $0xFFFFC000  }
0x67: {  	[spmem:s2] =	stream.indirect.scatter.add.f32 [tilespmem:s18], [sflag:$0x2], $0x80, s20, s19, $0xb8;
	[tilespmem:$0x18100] =	vst v63  }
0x68: {  	s31 =	sadd.s32 s24, s12  }
0x69: {  	[tilespmem:s17], [sflag:$0x3] =	stream.linear.gather [hbm4b:s31+s3], $0x80, $0x38;
	[tilespmem:$0x18100] =	vst v63  }
0x6a: {  	_ =	swait.ge [sflag:s16], $0x80  }
0x6b: {  	[sflag:s16] =	ssyncset.done $0x0  }
0x6c: {  	[sflag:s16] =	ssyncadd.s32 $0xFFFFFF80  }
0x6d: {  	_ =	swait.ge [sflag:s22], $0x4000  }
0x6e: {  	[sflag:s22] =	ssyncset.done $0x0  }
0x6f: {  	[sflag:s22] =	ssyncadd.s32 $0xFFFFC000  }
0x70: {  	[tilespmem:s18], [sflag:$0x3] =	stream.linear.gather [hbm4b:s9+s3], $0x4000, $0x38;
	[tilespmem:$0x18100] =	vst v63  }
0x71: {  	_ =	swait.ge [sflag:s16], $0x4000  }
0x72: {  	[sflag:s16] =	ssyncset.done $0x0  }
0x73: {  	[sflag:s16] =	ssyncadd.s32 $0xFFFFC000  }
0x74: {  	[spmem:s2] =	stream.indirect.scatter.add.f32 [tilespmem:s18], [sflag:$0x1], $0x80, s17, s19, $0xb8;
	[tilespmem:$0x18100] =	vst v63  }
0x75: {  	_ = 	snop  }
0x76: {  	[tilespmem:s20], [sflag:$0x3] =	stream.linear.gather [hbm4b:s10+s3], $0x80, $0x38;
	[tilespmem:$0x18100] =	vst v63  }
0x77: {  	_ =	swait.ge [sflag:s16], $0x80  }
0x78: {  	[sflag:s16] =	ssyncset.done $0x0  }
0x79: {  	[sflag:s16] =	ssyncadd.s32 $0xFFFFFF80  }
0x7a: {  	_ =	swait.ge [sflag:s21], $0x4000  }
0x7b: {  	[sflag:s21] =	ssyncset.done $0x0  }
0x7c: {  	[sflag:s21] =	ssyncadd.s32 $0xFFFFC000  }
0x7d: {  	[tilespmem:s18], [sflag:$0x3] =	stream.linear.gather [hbm4b:s11+s3], $0x4000, $0x38;
	[tilespmem:$0x18100] =	vst v63  }
0x7e: {  	_ =	swait.ge [sflag:s16], $0x4000  }
0x7f: {  	[sflag:s16] =	ssyncset.done $0x0  }
0x80: {  	[sflag:s16] =	ssyncadd.s32 $0xFFFFC000  }
0x81: {  	[spmem:s2] =	stream.indirect.scatter.add.f32 [tilespmem:s18], [sflag:$0x2], $0x80, s20, s19, $0xb8;
	[tilespmem:$0x18100] =	vst v63  }
0x82: {  	_ =	swait.ge [sflag:s22], $0x4000  }
0x83: {  	s23 =	sadd.s32 $0x1, s23;
	[sflag:s22] =	ssyncset.done $0x0  }
0x84: {  	p0 =	sne.s32 s23, s8;
	[sflag:s22] =	ssyncadd.s32 $0xFFFFC000  }
.Ltmp1:
0x85: {  	[bflag:$0x0] =	sbarrier.arrive $0xFFFF;
	(pc) =	sbr.rel @p0 .LBB2_1-.Ltmp1, $4  }
0x86: {  	[hbm:s7], [sflag:s5] =	dma.local [spmem:s15], $0x2800  }
0x87: {  	_ =	swait.ge [sflag:s16], $0x2800  }
0x88: {  	[sflag:s16] =	ssyncset.done $0x0  }
0x89: {  	[sflag:s16] =	ssyncadd.s32 $0xFFFFD800  }
0x8a: {  	_ =	sfence.sel $0x180000  }
0x8b: {  	[bflag:$0x0] =	sbarrier.arrive $0xFFFF  }
0x8c: {  	p0 =	sne.s32 s1, $0x0;
	_ =	strace $0x9000005E  }
0x8d: {  	s0 =	sadd.s32 @!p0 $0x100000, s0;
	[bflag:$0x2] =	sbarrier.arrive $0xFFFF  }
0x8e: {  	[sflag:s0] =	ssyncadd.tile.s32 @!p0 $0x1;
	_ =	shalt  }
.Lfunc_end2:
_tile_overlayer_lowered:
.L_overlay_start_2:
0x8f: {  	(tag) =	ssettag $0x2  }
0x90: {  	s0 =	rddreg [dreg:$0x0];
	s2 =	stileid.u32  }
0x91: {  	s1 =	rddreg [dreg:$0x1];
	p0 =	sne.s32 s2, $0x0  }
0x92: {  	s3 =	rddreg [dreg:$0x2];
	[bflag:$0x3] =	sbarrier.arrive $0xFFFF;
	s2 =	simm.s32 @!p0 $0x1C03  }
0x93: {  	[timem:s3], [sflag:s2] =	dma.local @!p0 [hbm:s0], s1  }
0x94: {  	s0 =	simm.s32 @!p0 $0x3  }
0x95: {  	_ =	swait.ge @!p0 [sflag:s0], s1  }
0x96: {  	s1 =	ssub.s32 @!p0 $0x0, s1;
	[sflag:s0] =	ssyncset.done @!p0 $0x0  }
0x97: {  	[sflag:s0] =	ssyncadd.s32 @!p0 s1  }
0x98: {  	[bflag:$0x3] =	sbarrier.arrive $0xFFFF  }
0x99: {  	_ =	shalt  }

</sc_bundles>
